<compile_context>
chip_gen: v7x
topology: tpu7x:2x2x1
jax: 0.10.2.dev20260603
libtpu: 0.0.44.dev20260713+nightly
codegen_flags: <defaults>
</compile_context>

<pallas_src>
import functools

import jax
import jax.numpy as jnp
from jax import lax
from jax.experimental import pallas as pl
from jax.experimental.pallas import tpu as pltpu
from jax.experimental.pallas import tpu_sc as plsc

N = 10000
FEAT = 128
HID = 128
LAT = 64
HOMD = 3
EPS = 1e-5

NC = 2
NS = 16
NW = NC * NS
CH = 128
NCHUNK = 80
EPT = CH * NCHUNK
EP = EPT * NW
E = 320000
NPAD = 10240
RPT = NPAD // NS

_f32 = jnp.float32
_bf16 = jnp.bfloat16
_i32 = jnp.int32


def _mesh():
    return plsc.VectorSubcoreMesh(core_axis_name="c", subcore_axis_name="s")


def _deg_body(dst_hbm, zvec_hbm, ones_hbm, out_hbm, idx_v, ones_v, acc_sh, ssem):
    c = lax.axis_index("c")
    s = lax.axis_index("s")
    wid = c * NS + s
    pltpu.sync_copy(zvec_hbm.at[pl.ds(s * RPT, RPT)], acc_sh.at[pl.ds(s * RPT, RPT)])
    pltpu.sync_copy(ones_hbm, ones_v)
    pltpu.sync_copy(dst_hbm.at[wid], idx_v)
    plsc.subcore_barrier()

    def fire(i, carry):
        pltpu.async_copy(ones_v, acc_sh.at[idx_v.at[i]], ssem, add=True)
        return carry

    lax.fori_loop(0, NCHUNK, fire, 0)

    def drain(i, carry):
        pltpu.make_async_copy(ones_v, acc_sh.at[idx_v.at[0]], ssem).wait()
        return carry

    lax.fori_loop(0, NCHUNK, drain, 0)
    plsc.subcore_barrier()
    pltpu.sync_copy(acc_sh.at[pl.ds(s * RPT, RPT)], out_hbm.at[c, pl.ds(s * RPT, RPT)])


_deg_kernel = functools.partial(
    pl.kernel,
    out_type=jax.ShapeDtypeStruct((NC, NPAD), _f32),
    mesh=_mesh(),
    scratch_types=[
        pltpu.VMEM((NCHUNK, CH), _i32),
        pltpu.VMEM((CH,), _f32),
        pltpu.VMEM_SHARED((NPAD,), _f32),
        pltpu.SemaphoreType.DMA,
    ],
)(_deg_body)


def _edge_body(z_hbm, src_hbm, dst_hbm, zmat_hbm, out_hbm,
               sidx_v, didx_v, rows0_v, rows1_v, acc_sh, gsem):
    c = lax.axis_index("c")
    s = lax.axis_index("s")
    wid = c * NS + s
    pltpu.sync_copy(zmat_hbm.at[pl.ds(s * RPT, RPT), :],
                    acc_sh.at[pl.ds(s * RPT, RPT), :])
    plsc.subcore_barrier()

    nh = NCHUNK // 2
    for h in range(2):
        pltpu.sync_copy(src_hbm.at[wid, pl.ds(h * nh, nh)], sidx_v)
        pltpu.sync_copy(dst_hbm.at[wid, pl.ds(h * nh, nh)], didx_v)
        pltpu.async_copy(z_hbm.at[sidx_v.at[0]], rows0_v, gsem).wait()

        def body(i, carry):
            j = 2 * i
            d1 = pltpu.async_copy(z_hbm.at[sidx_v.at[j + 1]], rows1_v, gsem)
            pltpu.sync_copy(rows0_v, acc_sh.at[didx_v.at[j]], add=True)
            d1.wait()
            d2 = pltpu.async_copy(z_hbm.at[sidx_v.at[j + 2]], rows0_v, gsem)
            pltpu.sync_copy(rows1_v, acc_sh.at[didx_v.at[j + 1]], add=True)
            d2.wait()
            return carry

        lax.fori_loop(0, nh // 2 - 1, body, 0)
        d1 = pltpu.async_copy(z_hbm.at[sidx_v.at[nh - 1]], rows1_v, gsem)
        pltpu.sync_copy(rows0_v, acc_sh.at[didx_v.at[nh - 2]], add=True)
        d1.wait()
        pltpu.sync_copy(rows1_v, acc_sh.at[didx_v.at[nh - 1]], add=True)

    plsc.subcore_barrier()
    pltpu.sync_copy(acc_sh.at[pl.ds(s * RPT, RPT), :],
                    out_hbm.at[c, pl.ds(s * RPT, RPT), :])


_edge_kernel = functools.partial(
    pl.kernel,
    out_type=jax.ShapeDtypeStruct((NC, NPAD, HID), _f32),
    mesh=_mesh(),
    scratch_types=[
        pltpu.VMEM((NCHUNK // 2, CH), _i32),
        pltpu.VMEM((NCHUNK // 2, CH), _i32),
        pltpu.VMEM((CH, HID), _f32),
        pltpu.VMEM((CH, HID), _f32),
        pltpu.VMEM_SHARED((NPAD, HID), _f32),
        pltpu.SemaphoreType.DMA,
    ],
)(_edge_body)


def _dinv(deg0_ref, deg1_ref):
    deg = deg0_ref[...] + deg1_ref[...] + 1.0
    return lax.rsqrt(deg)


def _tc1_body(x_ref, w0_ref, deg0_ref, deg1_ref, out_ref):
    dinv = _dinv(deg0_ref, deg1_ref)
    z = jnp.dot(x_ref[...], w0_ref[...], preferred_element_type=_f32)
    out_ref[pl.ds(0, N), :] = z * dinv[:N]
    out_ref[pl.ds(N, NPAD - N), :] = jnp.zeros((NPAD - N, HID), _f32)


_tc1 = pl.pallas_call(
    _tc1_body, out_shape=jax.ShapeDtypeStruct((NPAD, HID), _f32))


def _layer_mid(acc0_ref, acc1_ref, zs_ref, deg0_ref, deg1_ref,
               b_ref, g_ref, beta_ref, homp_ref, hwp_ref, hb_ref):
    dinv = _dinv(deg0_ref, deg1_ref)[:N]
    acc = acc0_ref[pl.ds(0, N), :] + acc1_ref[pl.ds(0, N), :] + zs_ref[pl.ds(0, N), :]
    t = acc * dinv + b_ref[...][None, :]
    mean = jnp.mean(t, axis=0, keepdims=True)
    var = jnp.mean((t - mean) ** 2, axis=0, keepdims=True)
    hn = (t - mean) / jnp.sqrt(var + EPS) * g_ref[...][None, :] + beta_ref[...][None, :]
    r = jnp.maximum(hn, 0.0)
    homrow = jnp.sum(homp_ref[...] * hwp_ref[...], axis=0) + hb_ref[...]
    return r + homrow[None, :], dinv


def _tc2_body(acc0_ref, acc1_ref, zs_ref, deg0_ref, deg1_ref,
              b_ref, g_ref, beta_ref, homp_ref, hwp_ref, hb_ref,
              w1_ref, out_ref):
    h, dinv = _layer_mid(acc0_ref, acc1_ref, zs_ref, deg0_ref, deg1_ref,
                         b_ref, g_ref, beta_ref, homp_ref, hwp_ref, hb_ref)
    z = jnp.dot(h, w1_ref[...], preferred_element_type=_f32)
    out_ref[pl.ds(0, N), :] = z * dinv
    out_ref[pl.ds(N, NPAD - N), :] = jnp.zeros((NPAD - N, HID), _f32)


_tc2 = pl.pallas_call(
    _tc2_body, out_shape=jax.ShapeDtypeStruct((NPAD, HID), _f32))


def _tc3_body(acc0_ref, acc1_ref, zs_ref, deg0_ref, deg1_ref,
              b_ref, g_ref, beta_ref, homp_ref, hwp_ref, hb_ref,
              muwh_ref, muwp_ref, mub_ref, lvwh_ref, lvwp_ref, lvb_ref,
              mu_ref, lv_ref):
    h, _ = _layer_mid(acc0_ref, acc1_ref, zs_ref, deg0_ref, deg1_ref,
                      b_ref, g_ref, beta_ref, homp_ref, hwp_ref, hb_ref)
    murow = jnp.sum(homp_ref[...] * muwp_ref[...], axis=0) + mub_ref[...]
    lvrow = jnp.sum(homp_ref[...] * lvwp_ref[...], axis=0) + lvb_ref[...]
    mu_ref[...] = jnp.dot(h, muwh_ref[...], preferred_element_type=_f32) + murow[None, :]
    lv_ref[...] = jnp.dot(h, lvwh_ref[...], preferred_element_type=_f32) + lvrow[None, :]


_tc3 = pl.pallas_call(
    _tc3_body,
    out_shape=(jax.ShapeDtypeStruct((N, LAT), _f32),
               jax.ShapeDtypeStruct((N, LAT), _f32)))


def kernel(x, edge_index, homophily_cond, W0, b0, g0, beta0, hW0, hb0,
           W1, b1, g1, beta1, hW1, hb1, muW, mub, lvW, lvb):
    pad = jnp.full((EP - E,), N, dtype=_i32)
    src = jnp.concatenate([edge_index[0].astype(_i32), pad]).reshape(NW, NCHUNK, CH)
    dst = jnp.concatenate([edge_index[1].astype(_i32), pad]).reshape(NW, NCHUNK, CH)
    zvec = jnp.zeros((NPAD,), _f32)
    ones = jnp.ones((CH,), _f32)
    zmat = jnp.zeros((NPAD, HID), _f32)
    homp = jnp.pad(homophily_cond, (0, 8 - HOMD)).reshape(8, 1)
    hw0p = jnp.pad(hW0, ((0, 8 - HOMD), (0, 0)))
    hw1p = jnp.pad(hW1, ((0, 8 - HOMD), (0, 0)))
    muwh, muwt = muW[:HID], jnp.pad(muW[HID:], ((0, 8 - HOMD), (0, 0)))
    lvwh, lvwt = lvW[:HID], jnp.pad(lvW[HID:], ((0, 8 - HOMD), (0, 0)))

    degp = _deg_kernel(dst, zvec, ones)
    deg0 = degp[0].reshape(NPAD, 1)
    deg1 = degp[1].reshape(NPAD, 1)

    z0s = _tc1(x, W0, deg0, deg1)
    acc1p = _edge_kernel(z0s, src, dst, zmat)
    z1s = _tc2(acc1p[0], acc1p[1], z0s, deg0, deg1,
               b0, g0, beta0, homp, hw0p, hb0, W1)
    acc2p = _edge_kernel(z1s, src, dst, zmat)
    mu, lv = _tc3(acc2p[0], acc2p[1], z1s, deg0, deg1,
                  b1, g1, beta1, homp, hw1p, hb1,
                  muwh, muwt, mub, lvwh, lvwt, lvb)
    return (mu, lv)

# --- scband reference (transcript-rebuilt; emitter-appended) ---
"""Pipeline reference for scband-conditional-structure-encoder-11269994185476 (READ-ONLY COPY).

The authoritative reference and input builder live on the scoring server;
editing this copy changes nothing except your own understanding.
"""

import jax, jax.numpy as jnp
import numpy as np

N = 10000
E = 320000
FEAT = 128
HID = 128
LAT = 64
HOMD = 3
EPS = 1e-5


def gcn_conv(x, src, dst, W, b, n):
    h = x @ W
    deg = jnp.zeros((n,), dtype=h.dtype).at[dst].add(1.0)
    dinv = jnp.where(deg > 0, 1.0 / jnp.sqrt(deg), 0.0)
    norm = dinv[src] * dinv[dst]
    msg = h[src] * norm[:, None]
    agg = jnp.zeros((n, h.shape[1]), dtype=h.dtype).at[dst].add(msg)
    return agg + b


def batchnorm(h, gamma, beta):
    mean = jnp.mean(h, axis=0)
    var = jnp.var(h, axis=0)
    return (h - mean) / jnp.sqrt(var + EPS) * gamma + beta


def setup_inputs(seed: int = 0):
    key = jax.random.key(seed)
    ks = jax.random.split(key, 24)
    s = 0.05
    inp = {}
    inp["x"] = jax.random.normal(ks[0], (N, FEAT), dtype=jnp.float32)
    inp["edge_index"] = jax.random.randint(ks[1], (2, E), 0, N, dtype=jnp.int32)
    inp["homophily_cond"] = jax.random.uniform(ks[2], (HOMD,), dtype=jnp.float32)
    inp["W0"] = jax.random.normal(ks[3], (FEAT, HID), dtype=jnp.float32) * s
    inp["b0"] = jnp.zeros((HID,), dtype=jnp.float32)
    inp["g0"] = jnp.ones((HID,), dtype=jnp.float32)
    inp["beta0"] = jnp.zeros((HID,), dtype=jnp.float32)
    inp["hW0"] = jax.random.normal(ks[4], (HOMD, HID), dtype=jnp.float32) * s
    inp["hb0"] = jnp.zeros((HID,), dtype=jnp.float32)
    inp["W1"] = jax.random.normal(ks[5], (HID, HID), dtype=jnp.float32) * s
    inp["b1"] = jnp.zeros((HID,), dtype=jnp.float32)
    inp["g1"] = jnp.ones((HID,), dtype=jnp.float32)
    inp["beta1"] = jnp.zeros((HID,), dtype=jnp.float32)
    inp["hW1"] = jax.random.normal(ks[6], (HOMD, HID), dtype=jnp.float32) * s
    inp["hb1"] = jnp.zeros((HID,), dtype=jnp.float32)
    inp["muW"] = jax.random.normal(ks[7], (HID + HOMD, LAT), dtype=jnp.float32) * s
    inp["mub"] = jnp.zeros((LAT,), dtype=jnp.float32)
    inp["lvW"] = jax.random.normal(ks[8], (HID + HOMD, LAT), dtype=jnp.float32) * s
    inp["lvb"] = jnp.zeros((LAT,), dtype=jnp.float32)
    return inp


def _forward(x, homophily_cond, W0, b0, g0, beta0, hW0, hb0, W1, b1, g1, beta1, hW1, hb1, muW, mub, lvW, lvb, src, dst):
    n = x.shape[0]
    hom = jnp.broadcast_to(homophily_cond[None, :], (n, HOMD))
    h = x
    for (W, b, g, be, hW, hb) in ((W0, b0, g0, beta0, hW0, hb0), (W1, b1, g1, beta1, hW1, hb1)):
        h = gcn_conv(h, src, dst, W, b, n)
        h = batchnorm(h, g, be)
        h = jax.nn.relu(h)
        h = h + (hom @ hW + hb)
    hc = jnp.concatenate([h, hom], axis=1)
    mu = hc @ muW + mub
    logvar = hc @ lvW + lvb
    return (mu, logvar)


def reference(x, edge_index, homophily_cond, W0, b0, g0, beta0, hW0, hb0, W1, b1, g1, beta1, hW1, hb1, muW, mub, lvW, lvb):
    n = x.shape[0]
    sl = jnp.arange(n, dtype=edge_index.dtype)
    src = jnp.concatenate([edge_index[0], sl])
    dst = jnp.concatenate([edge_index[1], sl])
    return _forward(x, homophily_cond, W0, b0, g0, beta0, hW0, hb0, W1, b1, g1, beta1, hW1, hb1, muW, mub, lvW, lvb, src, dst)

if __name__ == "__main__":
    import jax
    _d = setup_inputs()
    print(jax.jit(kernel)(*tuple(_d.values())))

</pallas_src>

<mosaic_0001>
#map = affine_map<(d0, d1) -> (0, 0)>
#map1 = affine_map<(d0, d1) -> (0, 0, 0)>
module attributes {stable_mosaic.version = 14 : i64} {
  func.func @_edge_body(%arg0: i32, %arg1: i32, %arg2: memref<10240x128xf32, #tpu.memory_space<hbm>>, %arg3: memref<32x80x128xi32, #tpu.memory_space<hbm>>, %arg4: memref<32x80x128xi32, #tpu.memory_space<hbm>>, %arg5: memref<10240x128xf32, #tpu.memory_space<hbm>>, %arg6: memref<2x10240x128xf32, #tpu.memory_space<hbm>>, %arg7: memref<40x128xi32, #tpu.memory_space<vmem>>, %arg8: memref<40x128xi32, #tpu.memory_space<vmem>>, %arg9: memref<128x128xf32, #tpu.memory_space<vmem>>, %arg10: memref<128x128xf32, #tpu.memory_space<vmem>>, %arg11: memref<10240x128xf32, #tpu.memory_space<vmem_shared>>, %arg12: memref<!tpu.dma_semaphore, #tpu.memory_space<semaphore_mem>>) attributes {dimension_semantics = [#tpu.dimension_semantics<core_parallel>, #tpu.dimension_semantics<subcore_parallel>], iteration_bounds = array<i64: 2, 16>, scalar_prefetch = 0 : i64, scratch_operands = 6 : i64, tpu.core_type = #tpu.core_type<sc_vector_subcore>, window_params = [{transform_indices = #map}, {transform_indices = #map1}, {transform_indices = #map1}, {transform_indices = #map}, {transform_indices = #map1}]} {
    %mul3A = arith.constant 16 : i32
    %mul3A_0 = arith.muli %arg0, %mul3A : i32
    %add3A = arith.addi %mul3A_0, %arg1 : i32
    %mul3A_1 = arith.constant 640 : i32
    %mul3A_2 = arith.muli %arg1, %mul3A_1 : i32
    %mul3A_3 = arith.constant 640 : i32
    %mul3A_4 = arith.muli %arg1, %mul3A_3 : i32
    "tpu.region"() ({
      %run_scoped3A_78 = tpu.sem_alloc : memref<!tpu.dma_semaphore, #tpu.memory_space<semaphore_mem>>
      %dma_start3A_79 = arith.constant 0 : i32
      %dma_start3A_80 = tpu.memref_slice %arg11[%mul3A_4, %dma_start3A_79] : memref<10240x128xf32, #tpu.memory_space<vmem_shared>> -> memref<640x128xf32, #tpu.memory_space<vmem_shared>>
      %dma_start3A_81 = arith.constant 0 : i32
      %dma_start3A_82 = tpu.memref_slice %arg5[%mul3A_2, %dma_start3A_81] : memref<10240x128xf32, #tpu.memory_space<hbm>> -> memref<640x128xf32, #tpu.memory_space<hbm>>
      tpu.enqueue_dma source(%dma_start3A_82 : memref<640x128xf32, #tpu.memory_space<hbm>>) target(%dma_start3A_80 : memref<640x128xf32, #tpu.memory_space<vmem_shared>>) target_semaphore(%run_scoped3A_78 : memref<!tpu.dma_semaphore, #tpu.memory_space<semaphore_mem>>)
      %dma_wait3A_83 = arith.constant 0 : i32
      %dma_wait3A_84 = tpu.memref_slice %arg11[%mul3A_4, %dma_wait3A_83] : memref<10240x128xf32, #tpu.memory_space<vmem_shared>> -> memref<640x128xf32, #tpu.memory_space<vmem_shared>>
      %dma_wait3A_85 = arith.constant 0 : i32
      %dma_wait3A_86 = tpu.memref_slice %arg5[%mul3A_2, %dma_wait3A_85] : memref<10240x128xf32, #tpu.memory_space<hbm>> -> memref<640x128xf32, #tpu.memory_space<hbm>>
      tpu.wait_dma2 semaphore(%run_scoped3A_78 : memref<!tpu.dma_semaphore, #tpu.memory_space<semaphore_mem>>) src(%dma_wait3A_86 : memref<640x128xf32, #tpu.memory_space<hbm>>) dst(%dma_wait3A_84 : memref<640x128xf32, #tpu.memory_space<vmem_shared>>)
      tpu.yield
    }) : () -> ()
    %barrier3A = arith.constant 0 : index
    tpu.barrier barrier_id(%barrier3A)
    "tpu.region"() ({
      %run_scoped3A_78 = tpu.sem_alloc : memref<!tpu.dma_semaphore, #tpu.memory_space<semaphore_mem>>
      %dma_start3A_79 = arith.constant 0 : i32
      %dma_start3A_80 = arith.constant 0 : i32
      %dma_start3A_81 = tpu.memref_slice %arg3[%add3A, %dma_start3A_79, %dma_start3A_80] : memref<32x80x128xi32, #tpu.memory_space<hbm>> -> memref<1x40x128xi32, #tpu.memory_space<hbm>>
      %dma_start3A_82 = tpu.memref_squeeze %dma_start3A_81 : memref<1x40x128xi32, #tpu.memory_space<hbm>> -> memref<40x128xi32, #tpu.memory_space<hbm>>
      %dma_start3A_83 = arith.constant 0 : i32
      %dma_start3A_84 = arith.constant 0 : i32
      %dma_start3A_85 = tpu.memref_slice %arg3[%add3A, %dma_start3A_83, %dma_start3A_84] : memref<32x80x128xi32, #tpu.memory_space<hbm>> -> memref<1x40x128xi32, #tpu.memory_space<hbm>>
      %dma_start3A_86 = tpu.memref_squeeze %dma_start3A_85 : memref<1x40x128xi32, #tpu.memory_space<hbm>> -> memref<40x128xi32, #tpu.memory_space<hbm>>
      tpu.enqueue_dma source(%dma_start3A_86 : memref<40x128xi32, #tpu.memory_space<hbm>>) target(%arg7 : memref<40x128xi32, #tpu.memory_space<vmem>>) target_semaphore(%run_scoped3A_78 : memref<!tpu.dma_semaphore, #tpu.memory_space<semaphore_mem>>)
      %dma_wait3A_87 = arith.constant 0 : i32
      %dma_wait3A_88 = arith.constant 0 : i32
      %dma_wait3A_89 = tpu.memref_slice %arg3[%add3A, %dma_wait3A_87, %dma_wait3A_88] : memref<32x80x128xi32, #tpu.memory_space<hbm>> -> memref<1x40x128xi32, #tpu.memory_space<hbm>>
      %dma_wait3A_90 = tpu.memref_squeeze %dma_wait3A_89 : memref<1x40x128xi32, #tpu.memory_space<hbm>> -> memref<40x128xi32, #tpu.memory_space<hbm>>
      %dma_wait3A_91 = arith.constant 0 : i32
      %dma_wait3A_92 = arith.constant 0 : i32
      %dma_wait3A_93 = tpu.memref_slice %arg3[%add3A, %dma_wait3A_91, %dma_wait3A_92] : memref<32x80x128xi32, #tpu.memory_space<hbm>> -> memref<1x40x128xi32, #tpu.memory_space<hbm>>
      %dma_wait3A_94 = tpu.memref_squeeze %dma_wait3A_93 : memref<1x40x128xi32, #tpu.memory_space<hbm>> -> memref<40x128xi32, #tpu.memory_space<hbm>>
      tpu.wait_dma2 semaphore(%run_scoped3A_78 : memref<!tpu.dma_semaphore, #tpu.memory_space<semaphore_mem>>) src(%dma_wait3A_94 : memref<40x128xi32, #tpu.memory_space<hbm>>) dst(%arg7 : memref<40x128xi32, #tpu.memory_space<vmem>>)
      tpu.yield
    }) : () -> ()
    "tpu.region"() ({
      %run_scoped3A_78 = tpu.sem_alloc : memref<!tpu.dma_semaphore, #tpu.memory_space<semaphore_mem>>
      %dma_start3A_79 = arith.constant 0 : i32
      %dma_start3A_80 = arith.constant 0 : i32
      %dma_start3A_81 = tpu.memref_slice %arg4[%add3A, %dma_start3A_79, %dma_start3A_80] : memref<32x80x128xi32, #tpu.memory_space<hbm>> -> memref<1x40x128xi32, #tpu.memory_space<hbm>>
      %dma_start3A_82 = tpu.memref_squeeze %dma_start3A_81 : memref<1x40x128xi32, #tpu.memory_space<hbm>> -> memref<40x128xi32, #tpu.memory_space<hbm>>
      %dma_start3A_83 = arith.constant 0 : i32
      %dma_start3A_84 = arith.constant 0 : i32
      %dma_start3A_85 = tpu.memref_slice %arg4[%add3A, %dma_start3A_83, %dma_start3A_84] : memref<32x80x128xi32, #tpu.memory_space<hbm>> -> memref<1x40x128xi32, #tpu.memory_space<hbm>>
      %dma_start3A_86 = tpu.memref_squeeze %dma_start3A_85 : memref<1x40x128xi32, #tpu.memory_space<hbm>> -> memref<40x128xi32, #tpu.memory_space<hbm>>
      tpu.enqueue_dma source(%dma_start3A_86 : memref<40x128xi32, #tpu.memory_space<hbm>>) target(%arg8 : memref<40x128xi32, #tpu.memory_space<vmem>>) target_semaphore(%run_scoped3A_78 : memref<!tpu.dma_semaphore, #tpu.memory_space<semaphore_mem>>)
      %dma_wait3A_87 = arith.constant 0 : i32
      %dma_wait3A_88 = arith.constant 0 : i32
      %dma_wait3A_89 = tpu.memref_slice %arg4[%add3A, %dma_wait3A_87, %dma_wait3A_88] : memref<32x80x128xi32, #tpu.memory_space<hbm>> -> memref<1x40x128xi32, #tpu.memory_space<hbm>>
      %dma_wait3A_90 = tpu.memref_squeeze %dma_wait3A_89 : memref<1x40x128xi32, #tpu.memory_space<hbm>> -> memref<40x128xi32, #tpu.memory_space<hbm>>
      %dma_wait3A_91 = arith.constant 0 : i32
      %dma_wait3A_92 = arith.constant 0 : i32
      %dma_wait3A_93 = tpu.memref_slice %arg4[%add3A, %dma_wait3A_91, %dma_wait3A_92] : memref<32x80x128xi32, #tpu.memory_space<hbm>> -> memref<1x40x128xi32, #tpu.memory_space<hbm>>
      %dma_wait3A_94 = tpu.memref_squeeze %dma_wait3A_93 : memref<1x40x128xi32, #tpu.memory_space<hbm>> -> memref<40x128xi32, #tpu.memory_space<hbm>>
      tpu.wait_dma2 semaphore(%run_scoped3A_78 : memref<!tpu.dma_semaphore, #tpu.memory_space<semaphore_mem>>) src(%dma_wait3A_94 : memref<40x128xi32, #tpu.memory_space<hbm>>) dst(%arg8 : memref<40x128xi32, #tpu.memory_space<vmem>>)
      tpu.yield
    }) : () -> ()
    %dma_start3A = arith.constant 0 : i32
    %dma_start3A_5 = arith.constant 0 : i32
    %dma_start3A_6 = tpu.memref_slice %arg7[%dma_start3A, %dma_start3A_5] : memref<40x128xi32, #tpu.memory_space<vmem>> -> memref<1x128xi32, #tpu.memory_space<vmem>>
    %dma_start3A_7 = tpu.memref_squeeze %dma_start3A_6 : memref<1x128xi32, #tpu.memory_space<vmem>> -> memref<128xi32, #tpu.memory_space<vmem>>
    %dma_start3A_8 = arith.constant 0 : i32
    %dma_start3A_9 = arith.constant 0 : i32
    %dma_start3A_10 = tpu.memref_slice %arg2[%dma_start3A_8, %dma_start3A_9] : memref<10240x128xf32, #tpu.memory_space<hbm>> -> memref<10240x128xf32, #tpu.memory_space<hbm>>
    tpu.enqueue_indirect_dma source(%dma_start3A_10 : memref<10240x128xf32, #tpu.memory_space<hbm>>) target(%arg9 : memref<128x128xf32, #tpu.memory_space<vmem>>) offsets(%dma_start3A_7 : memref<128xi32, #tpu.memory_space<vmem>>) semaphore(%arg12 : memref<!tpu.dma_semaphore, #tpu.memory_space<semaphore_mem>>)
    %dma_wait3A = arith.constant 0 : i32
    %dma_wait3A_11 = arith.constant 0 : i32
    %dma_wait3A_12 = tpu.memref_slice %arg7[%dma_wait3A, %dma_wait3A_11] : memref<40x128xi32, #tpu.memory_space<vmem>> -> memref<1x128xi32, #tpu.memory_space<vmem>>
    %dma_wait3A_13 = tpu.memref_squeeze %dma_wait3A_12 : memref<1x128xi32, #tpu.memory_space<vmem>> -> memref<128xi32, #tpu.memory_space<vmem>>
    %dma_wait3A_14 = arith.constant 0 : i32
    %dma_wait3A_15 = arith.constant 0 : i32
    %dma_wait3A_16 = tpu.memref_slice %arg2[%dma_wait3A_14, %dma_wait3A_15] : memref<10240x128xf32, #tpu.memory_space<hbm>> -> memref<10240x128xf32, #tpu.memory_space<hbm>>
    tpu.wait_indirect_dma semaphore(%arg12 : memref<!tpu.dma_semaphore, #tpu.memory_space<semaphore_mem>>) src(%dma_wait3A_16 : memref<10240x128xf32, #tpu.memory_space<hbm>>) dst(%arg9 : memref<128x128xf32, #tpu.memory_space<vmem>>)
    %scan3A = arith.constant 0 : i32
    %scan3A_17 = arith.constant 0 : i32
    %scan3A_18 = arith.constant 19 : i32
    %scan3A_19 = arith.addi %scan3A_17, %scan3A_18 : i32
    %scan3A_20 = arith.constant 1 : i32
    scf.for %scan3A_78 = %scan3A_17 to %scan3A_19 step %scan3A_20  : i32 {
      %mul3A_79 = arith.constant 2 : i32
      %mul3A_80 = arith.muli %mul3A_79, %scan3A_78 : i32
      %add3A_81 = arith.constant 1 : i32
      %add3A_82 = arith.addi %mul3A_80, %add3A_81 : i32
      %dma_start3A_83 = arith.constant 0 : i32
      %dma_start3A_84 = tpu.memref_slice %arg7[%add3A_82, %dma_start3A_83] : memref<40x128xi32, #tpu.memory_space<vmem>> -> memref<1x128xi32, #tpu.memory_space<vmem>>
      %dma_start3A_85 = tpu.memref_squeeze %dma_start3A_84 : memref<1x128xi32, #tpu.memory_space<vmem>> -> memref<128xi32, #tpu.memory_space<vmem>>
      %dma_start3A_86 = arith.constant 0 : i32
      %dma_start3A_87 = arith.constant 0 : i32
      %dma_start3A_88 = tpu.memref_slice %arg2[%dma_start3A_86, %dma_start3A_87] : memref<10240x128xf32, #tpu.memory_space<hbm>> -> memref<10240x128xf32, #tpu.memory_space<hbm>>
      tpu.enqueue_indirect_dma source(%dma_start3A_88 : memref<10240x128xf32, #tpu.memory_space<hbm>>) target(%arg10 : memref<128x128xf32, #tpu.memory_space<vmem>>) offsets(%dma_start3A_85 : memref<128xi32, #tpu.memory_space<vmem>>) semaphore(%arg12 : memref<!tpu.dma_semaphore, #tpu.memory_space<semaphore_mem>>)
      "tpu.region"() ({
        %run_scoped3A_111 = tpu.sem_alloc : memref<!tpu.dma_semaphore, #tpu.memory_space<semaphore_mem>>
        %dma_start3A_112 = arith.constant 0 : i32
        %dma_start3A_113 = tpu.memref_slice %arg8[%mul3A_80, %dma_start3A_112] : memref<40x128xi32, #tpu.memory_space<vmem>> -> memref<1x128xi32, #tpu.memory_space<vmem>>
        %dma_start3A_114 = tpu.memref_squeeze %dma_start3A_113 : memref<1x128xi32, #tpu.memory_space<vmem>> -> memref<128xi32, #tpu.memory_space<vmem>>
        %dma_start3A_115 = arith.constant 0 : i32
        %dma_start3A_116 = arith.constant 0 : i32
        %dma_start3A_117 = tpu.memref_slice %arg11[%dma_start3A_115, %dma_start3A_116] : memref<10240x128xf32, #tpu.memory_space<vmem_shared>> -> memref<10240x128xf32, #tpu.memory_space<vmem_shared>>
        tpu.enqueue_indirect_dma source(%arg9 : memref<128x128xf32, #tpu.memory_space<vmem>>) target(%dma_start3A_117 : memref<10240x128xf32, #tpu.memory_space<vmem_shared>>) offsets(%dma_start3A_114 : memref<128xi32, #tpu.memory_space<vmem>>) semaphore(%run_scoped3A_111 : memref<!tpu.dma_semaphore, #tpu.memory_space<semaphore_mem>>) {add = true}
        %dma_wait3A_118 = arith.constant 0 : i32
        %dma_wait3A_119 = tpu.memref_slice %arg8[%mul3A_80, %dma_wait3A_118] : memref<40x128xi32, #tpu.memory_space<vmem>> -> memref<1x128xi32, #tpu.memory_space<vmem>>
        %dma_wait3A_120 = tpu.memref_squeeze %dma_wait3A_119 : memref<1x128xi32, #tpu.memory_space<vmem>> -> memref<128xi32, #tpu.memory_space<vmem>>
        %dma_wait3A_121 = arith.constant 0 : i32
        %dma_wait3A_122 = arith.constant 0 : i32
        %dma_wait3A_123 = tpu.memref_slice %arg11[%dma_wait3A_121, %dma_wait3A_122] : memref<10240x128xf32, #tpu.memory_space<vmem_shared>> -> memref<10240x128xf32, #tpu.memory_space<vmem_shared>>
        tpu.wait_indirect_dma semaphore(%run_scoped3A_111 : memref<!tpu.dma_semaphore, #tpu.memory_space<semaphore_mem>>) src(%arg9 : memref<128x128xf32, #tpu.memory_space<vmem>>) dst(%dma_wait3A_123 : memref<10240x128xf32, #tpu.memory_space<vmem_shared>>)
        tpu.yield
      }) : () -> ()
      %dma_wait3A_89 = arith.constant 0 : i32
      %dma_wait3A_90 = tpu.memref_slice %arg7[%add3A_82, %dma_wait3A_89] : memref<40x128xi32, #tpu.memory_space<vmem>> -> memref<1x128xi32, #tpu.memory_space<vmem>>
      %dma_wait3A_91 = tpu.memref_squeeze %dma_wait3A_90 : memref<1x128xi32, #tpu.memory_space<vmem>> -> memref<128xi32, #tpu.memory_space<vmem>>
      %dma_wait3A_92 = arith.constant 0 : i32
      %dma_wait3A_93 = arith.constant 0 : i32
      %dma_wait3A_94 = tpu.memref_slice %arg2[%dma_wait3A_92, %dma_wait3A_93] : memref<10240x128xf32, #tpu.memory_space<hbm>> -> memref<10240x128xf32, #tpu.memory_space<hbm>>
      tpu.wait_indirect_dma semaphore(%arg12 : memref<!tpu.dma_semaphore, #tpu.memory_space<semaphore_mem>>) src(%dma_wait3A_94 : memref<10240x128xf32, #tpu.memory_space<hbm>>) dst(%arg10 : memref<128x128xf32, #tpu.memory_space<vmem>>)
      %add3A_95 = arith.constant 2 : i32
      %add3A_96 = arith.addi %mul3A_80, %add3A_95 : i32
      %dma_start3A_97 = arith.constant 0 : i32
      %dma_start3A_98 = tpu.memref_slice %arg7[%add3A_96, %dma_start3A_97] : memref<40x128xi32, #tpu.memory_space<vmem>> -> memref<1x128xi32, #tpu.memory_space<vmem>>
      %dma_start3A_99 = tpu.memref_squeeze %dma_start3A_98 : memref<1x128xi32, #tpu.memory_space<vmem>> -> memref<128xi32, #tpu.memory_space<vmem>>
      %dma_start3A_100 = arith.constant 0 : i32
      %dma_start3A_101 = arith.constant 0 : i32
      %dma_start3A_102 = tpu.memref_slice %arg2[%dma_start3A_100, %dma_start3A_101] : memref<10240x128xf32, #tpu.memory_space<hbm>> -> memref<10240x128xf32, #tpu.memory_space<hbm>>
      tpu.enqueue_indirect_dma source(%dma_start3A_102 : memref<10240x128xf32, #tpu.memory_space<hbm>>) target(%arg9 : memref<128x128xf32, #tpu.memory_space<vmem>>) offsets(%dma_start3A_99 : memref<128xi32, #tpu.memory_space<vmem>>) semaphore(%arg12 : memref<!tpu.dma_semaphore, #tpu.memory_space<semaphore_mem>>)
      %add3A_103 = arith.constant 1 : i32
      %add3A_104 = arith.addi %mul3A_80, %add3A_103 : i32
      "tpu.region"() ({
        %run_scoped3A_111 = tpu.sem_alloc : memref<!tpu.dma_semaphore, #tpu.memory_space<semaphore_mem>>
        %dma_start3A_112 = arith.constant 0 : i32
        %dma_start3A_113 = tpu.memref_slice %arg8[%add3A_104, %dma_start3A_112] : memref<40x128xi32, #tpu.memory_space<vmem>> -> memref<1x128xi32, #tpu.memory_space<vmem>>
        %dma_start3A_114 = tpu.memref_squeeze %dma_start3A_113 : memref<1x128xi32, #tpu.memory_space<vmem>> -> memref<128xi32, #tpu.memory_space<vmem>>
        %dma_start3A_115 = arith.constant 0 : i32
        %dma_start3A_116 = arith.constant 0 : i32
        %dma_start3A_117 = tpu.memref_slice %arg11[%dma_start3A_115, %dma_start3A_116] : memref<10240x128xf32, #tpu.memory_space<vmem_shared>> -> memref<10240x128xf32, #tpu.memory_space<vmem_shared>>
        tpu.enqueue_indirect_dma source(%arg10 : memref<128x128xf32, #tpu.memory_space<vmem>>) target(%dma_start3A_117 : memref<10240x128xf32, #tpu.memory_space<vmem_shared>>) offsets(%dma_start3A_114 : memref<128xi32, #tpu.memory_space<vmem>>) semaphore(%run_scoped3A_111 : memref<!tpu.dma_semaphore, #tpu.memory_space<semaphore_mem>>) {add = true}
        %dma_wait3A_118 = arith.constant 0 : i32
        %dma_wait3A_119 = tpu.memref_slice %arg8[%add3A_104, %dma_wait3A_118] : memref<40x128xi32, #tpu.memory_space<vmem>> -> memref<1x128xi32, #tpu.memory_space<vmem>>
        %dma_wait3A_120 = tpu.memref_squeeze %dma_wait3A_119 : memref<1x128xi32, #tpu.memory_space<vmem>> -> memref<128xi32, #tpu.memory_space<vmem>>
        %dma_wait3A_121 = arith.constant 0 : i32
        %dma_wait3A_122 = arith.constant 0 : i32
        %dma_wait3A_123 = tpu.memref_slice %arg11[%dma_wait3A_121, %dma_wait3A_122] : memref<10240x128xf32, #tpu.memory_space<vmem_shared>> -> memref<10240x128xf32, #tpu.memory_space<vmem_shared>>
        tpu.wait_indirect_dma semaphore(%run_scoped3A_111 : memref<!tpu.dma_semaphore, #tpu.memory_space<semaphore_mem>>) src(%arg10 : memref<128x128xf32, #tpu.memory_space<vmem>>) dst(%dma_wait3A_123 : memref<10240x128xf32, #tpu.memory_space<vmem_shared>>)
        tpu.yield
      }) : () -> ()
      %dma_wait3A_105 = arith.constant 0 : i32
      %dma_wait3A_106 = tpu.memref_slice %arg7[%add3A_96, %dma_wait3A_105] : memref<40x128xi32, #tpu.memory_space<vmem>> -> memref<1x128xi32, #tpu.memory_space<vmem>>
      %dma_wait3A_107 = tpu.memref_squeeze %dma_wait3A_106 : memref<1x128xi32, #tpu.memory_space<vmem>> -> memref<128xi32, #tpu.memory_space<vmem>>
      %dma_wait3A_108 = arith.constant 0 : i32
      %dma_wait3A_109 = arith.constant 0 : i32
      %dma_wait3A_110 = tpu.memref_slice %arg2[%dma_wait3A_108, %dma_wait3A_109] : memref<10240x128xf32, #tpu.memory_space<hbm>> -> memref<10240x128xf32, #tpu.memory_space<hbm>>
      tpu.wait_indirect_dma semaphore(%arg12 : memref<!tpu.dma_semaphore, #tpu.memory_space<semaphore_mem>>) src(%dma_wait3A_110 : memref<10240x128xf32, #tpu.memory_space<hbm>>) dst(%arg9 : memref<128x128xf32, #tpu.memory_space<vmem>>)
    }
    %scan3A_21 = arith.constant 19 : i32
    %dma_start3A_22 = arith.constant 39 : i32
    %dma_start3A_23 = arith.constant 0 : i32
    %dma_start3A_24 = tpu.memref_slice %arg7[%dma_start3A_22, %dma_start3A_23] : memref<40x128xi32, #tpu.memory_space<vmem>> -> memref<1x128xi32, #tpu.memory_space<vmem>>
    %dma_start3A_25 = tpu.memref_squeeze %dma_start3A_24 : memref<1x128xi32, #tpu.memory_space<vmem>> -> memref<128xi32, #tpu.memory_space<vmem>>
    %dma_start3A_26 = arith.constant 0 : i32
    %dma_start3A_27 = arith.constant 0 : i32
    %dma_start3A_28 = tpu.memref_slice %arg2[%dma_start3A_26, %dma_start3A_27] : memref<10240x128xf32, #tpu.memory_space<hbm>> -> memref<10240x128xf32, #tpu.memory_space<hbm>>
    tpu.enqueue_indirect_dma source(%dma_start3A_28 : memref<10240x128xf32, #tpu.memory_space<hbm>>) target(%arg10 : memref<128x128xf32, #tpu.memory_space<vmem>>) offsets(%dma_start3A_25 : memref<128xi32, #tpu.memory_space<vmem>>) semaphore(%arg12 : memref<!tpu.dma_semaphore, #tpu.memory_space<semaphore_mem>>)
    %run_scoped3A = arith.constant 38 : i32
    "tpu.region"() ({
      %run_scoped3A_78 = tpu.sem_alloc : memref<!tpu.dma_semaphore, #tpu.memory_space<semaphore_mem>>
      %dma_start3A_79 = arith.constant 0 : i32
      %dma_start3A_80 = tpu.memref_slice %arg8[%run_scoped3A, %dma_start3A_79] : memref<40x128xi32, #tpu.memory_space<vmem>> -> memref<1x128xi32, #tpu.memory_space<vmem>>
      %dma_start3A_81 = tpu.memref_squeeze %dma_start3A_80 : memref<1x128xi32, #tpu.memory_space<vmem>> -> memref<128xi32, #tpu.memory_space<vmem>>
      %dma_start3A_82 = arith.constant 0 : i32
      %dma_start3A_83 = arith.constant 0 : i32
      %dma_start3A_84 = tpu.memref_slice %arg11[%dma_start3A_82, %dma_start3A_83] : memref<10240x128xf32, #tpu.memory_space<vmem_shared>> -> memref<10240x128xf32, #tpu.memory_space<vmem_shared>>
      tpu.enqueue_indirect_dma source(%arg9 : memref<128x128xf32, #tpu.memory_space<vmem>>) target(%dma_start3A_84 : memref<10240x128xf32, #tpu.memory_space<vmem_shared>>) offsets(%dma_start3A_81 : memref<128xi32, #tpu.memory_space<vmem>>) semaphore(%run_scoped3A_78 : memref<!tpu.dma_semaphore, #tpu.memory_space<semaphore_mem>>) {add = true}
      %dma_wait3A_85 = arith.constant 0 : i32
      %dma_wait3A_86 = tpu.memref_slice %arg8[%run_scoped3A, %dma_wait3A_85] : memref<40x128xi32, #tpu.memory_space<vmem>> -> memref<1x128xi32, #tpu.memory_space<vmem>>
      %dma_wait3A_87 = tpu.memref_squeeze %dma_wait3A_86 : memref<1x128xi32, #tpu.memory_space<vmem>> -> memref<128xi32, #tpu.memory_space<vmem>>
      %dma_wait3A_88 = arith.constant 0 : i32
      %dma_wait3A_89 = arith.constant 0 : i32
      %dma_wait3A_90 = tpu.memref_slice %arg11[%dma_wait3A_88, %dma_wait3A_89] : memref<10240x128xf32, #tpu.memory_space<vmem_shared>> -> memref<10240x128xf32, #tpu.memory_space<vmem_shared>>
      tpu.wait_indirect_dma semaphore(%run_scoped3A_78 : memref<!tpu.dma_semaphore, #tpu.memory_space<semaphore_mem>>) src(%arg9 : memref<128x128xf32, #tpu.memory_space<vmem>>) dst(%dma_wait3A_90 : memref<10240x128xf32, #tpu.memory_space<vmem_shared>>)
      tpu.yield
    }) : () -> ()
    %dma_wait3A_29 = arith.constant 39 : i32
    %dma_wait3A_30 = arith.constant 0 : i32
    %dma_wait3A_31 = tpu.memref_slice %arg7[%dma_wait3A_29, %dma_wait3A_30] : memref<40x128xi32, #tpu.memory_space<vmem>> -> memref<1x128xi32, #tpu.memory_space<vmem>>
    %dma_wait3A_32 = tpu.memref_squeeze %dma_wait3A_31 : memref<1x128xi32, #tpu.memory_space<vmem>> -> memref<128xi32, #tpu.memory_space<vmem>>
    %dma_wait3A_33 = arith.constant 0 : i32
    %dma_wait3A_34 = arith.constant 0 : i32
    %dma_wait3A_35 = tpu.memref_slice %arg2[%dma_wait3A_33, %dma_wait3A_34] : memref<10240x128xf32, #tpu.memory_space<hbm>> -> memref<10240x128xf32, #tpu.memory_space<hbm>>
    tpu.wait_indirect_dma semaphore(%arg12 : memref<!tpu.dma_semaphore, #tpu.memory_space<semaphore_mem>>) src(%dma_wait3A_35 : memref<10240x128xf32, #tpu.memory_space<hbm>>) dst(%arg10 : memref<128x128xf32, #tpu.memory_space<vmem>>)
    %run_scoped3A_36 = arith.constant 39 : i32
    "tpu.region"() ({
      %run_scoped3A_78 = tpu.sem_alloc : memref<!tpu.dma_semaphore, #tpu.memory_space<semaphore_mem>>
      %dma_start3A_79 = arith.constant 0 : i32
      %dma_start3A_80 = tpu.memref_slice %arg8[%run_scoped3A_36, %dma_start3A_79] : memref<40x128xi32, #tpu.memory_space<vmem>> -> memref<1x128xi32, #tpu.memory_space<vmem>>
      %dma_start3A_81 = tpu.memref_squeeze %dma_start3A_80 : memref<1x128xi32, #tpu.memory_space<vmem>> -> memref<128xi32, #tpu.memory_space<vmem>>
      %dma_start3A_82 = arith.constant 0 : i32
      %dma_start3A_83 = arith.constant 0 : i32
      %dma_start3A_84 = tpu.memref_slice %arg11[%dma_start3A_82, %dma_start3A_83] : memref<10240x128xf32, #tpu.memory_space<vmem_shared>> -> memref<10240x128xf32, #tpu.memory_space<vmem_shared>>
      tpu.enqueue_indirect_dma source(%arg10 : memref<128x128xf32, #tpu.memory_space<vmem>>) target(%dma_start3A_84 : memref<10240x128xf32, #tpu.memory_space<vmem_shared>>) offsets(%dma_start3A_81 : memref<128xi32, #tpu.memory_space<vmem>>) semaphore(%run_scoped3A_78 : memref<!tpu.dma_semaphore, #tpu.memory_space<semaphore_mem>>) {add = true}
      %dma_wait3A_85 = arith.constant 0 : i32
      %dma_wait3A_86 = tpu.memref_slice %arg8[%run_scoped3A_36, %dma_wait3A_85] : memref<40x128xi32, #tpu.memory_space<vmem>> -> memref<1x128xi32, #tpu.memory_space<vmem>>
      %dma_wait3A_87 = tpu.memref_squeeze %dma_wait3A_86 : memref<1x128xi32, #tpu.memory_space<vmem>> -> memref<128xi32, #tpu.memory_space<vmem>>
      %dma_wait3A_88 = arith.constant 0 : i32
      %dma_wait3A_89 = arith.constant 0 : i32
      %dma_wait3A_90 = tpu.memref_slice %arg11[%dma_wait3A_88, %dma_wait3A_89] : memref<10240x128xf32, #tpu.memory_space<vmem_shared>> -> memref<10240x128xf32, #tpu.memory_space<vmem_shared>>
      tpu.wait_indirect_dma semaphore(%run_scoped3A_78 : memref<!tpu.dma_semaphore, #tpu.memory_space<semaphore_mem>>) src(%arg10 : memref<128x128xf32, #tpu.memory_space<vmem>>) dst(%dma_wait3A_90 : memref<10240x128xf32, #tpu.memory_space<vmem_shared>>)
      tpu.yield
    }) : () -> ()
    "tpu.region"() ({
      %run_scoped3A_78 = tpu.sem_alloc : memref<!tpu.dma_semaphore, #tpu.memory_space<semaphore_mem>>
      %dma_start3A_79 = arith.constant 40 : i32
      %dma_start3A_80 = arith.constant 0 : i32
      %dma_start3A_81 = tpu.memref_slice %arg3[%add3A, %dma_start3A_79, %dma_start3A_80] : memref<32x80x128xi32, #tpu.memory_space<hbm>> -> memref<1x40x128xi32, #tpu.memory_space<hbm>>
      %dma_start3A_82 = tpu.memref_squeeze %dma_start3A_81 : memref<1x40x128xi32, #tpu.memory_space<hbm>> -> memref<40x128xi32, #tpu.memory_space<hbm>>
      %dma_start3A_83 = arith.constant 40 : i32
      %dma_start3A_84 = arith.constant 0 : i32
      %dma_start3A_85 = tpu.memref_slice %arg3[%add3A, %dma_start3A_83, %dma_start3A_84] : memref<32x80x128xi32, #tpu.memory_space<hbm>> -> memref<1x40x128xi32, #tpu.memory_space<hbm>>
      %dma_start3A_86 = tpu.memref_squeeze %dma_start3A_85 : memref<1x40x128xi32, #tpu.memory_space<hbm>> -> memref<40x128xi32, #tpu.memory_space<hbm>>
      tpu.enqueue_dma source(%dma_start3A_86 : memref<40x128xi32, #tpu.memory_space<hbm>>) target(%arg7 : memref<40x128xi32, #tpu.memory_space<vmem>>) target_semaphore(%run_scoped3A_78 : memref<!tpu.dma_semaphore, #tpu.memory_space<semaphore_mem>>)
      %dma_wait3A_87 = arith.constant 40 : i32
      %dma_wait3A_88 = arith.constant 0 : i32
      %dma_wait3A_89 = tpu.memref_slice %arg3[%add3A, %dma_wait3A_87, %dma_wait3A_88] : memref<32x80x128xi32, #tpu.memory_space<hbm>> -> memref<1x40x128xi32, #tpu.memory_space<hbm>>
      %dma_wait3A_90 = tpu.memref_squeeze %dma_wait3A_89 : memref<1x40x128xi32, #tpu.memory_space<hbm>> -> memref<40x128xi32, #tpu.memory_space<hbm>>
      %dma_wait3A_91 = arith.constant 40 : i32
      %dma_wait3A_92 = arith.constant 0 : i32
      %dma_wait3A_93 = tpu.memref_slice %arg3[%add3A, %dma_wait3A_91, %dma_wait3A_92] : memref<32x80x128xi32, #tpu.memory_space<hbm>> -> memref<1x40x128xi32, #tpu.memory_space<hbm>>
      %dma_wait3A_94 = tpu.memref_squeeze %dma_wait3A_93 : memref<1x40x128xi32, #tpu.memory_space<hbm>> -> memref<40x128xi32, #tpu.memory_space<hbm>>
      tpu.wait_dma2 semaphore(%run_scoped3A_78 : memref<!tpu.dma_semaphore, #tpu.memory_space<semaphore_mem>>) src(%dma_wait3A_94 : memref<40x128xi32, #tpu.memory_space<hbm>>) dst(%arg7 : memref<40x128xi32, #tpu.memory_space<vmem>>)
      tpu.yield
    }) : () -> ()
    "tpu.region"() ({
      %run_scoped3A_78 = tpu.sem_alloc : memref<!tpu.dma_semaphore, #tpu.memory_space<semaphore_mem>>
      %dma_start3A_79 = arith.constant 40 : i32
      %dma_start3A_80 = arith.constant 0 : i32
      %dma_start3A_81 = tpu.memref_slice %arg4[%add3A, %dma_start3A_79, %dma_start3A_80] : memref<32x80x128xi32, #tpu.memory_space<hbm>> -> memref<1x40x128xi32, #tpu.memory_space<hbm>>
      %dma_start3A_82 = tpu.memref_squeeze %dma_start3A_81 : memref<1x40x128xi32, #tpu.memory_space<hbm>> -> memref<40x128xi32, #tpu.memory_space<hbm>>
      %dma_start3A_83 = arith.constant 40 : i32
      %dma_start3A_84 = arith.constant 0 : i32
      %dma_start3A_85 = tpu.memref_slice %arg4[%add3A, %dma_start3A_83, %dma_start3A_84] : memref<32x80x128xi32, #tpu.memory_space<hbm>> -> memref<1x40x128xi32, #tpu.memory_space<hbm>>
      %dma_start3A_86 = tpu.memref_squeeze %dma_start3A_85 : memref<1x40x128xi32, #tpu.memory_space<hbm>> -> memref<40x128xi32, #tpu.memory_space<hbm>>
      tpu.enqueue_dma source(%dma_start3A_86 : memref<40x128xi32, #tpu.memory_space<hbm>>) target(%arg8 : memref<40x128xi32, #tpu.memory_space<vmem>>) target_semaphore(%run_scoped3A_78 : memref<!tpu.dma_semaphore, #tpu.memory_space<semaphore_mem>>)
      %dma_wait3A_87 = arith.constant 40 : i32
      %dma_wait3A_88 = arith.constant 0 : i32
      %dma_wait3A_89 = tpu.memref_slice %arg4[%add3A, %dma_wait3A_87, %dma_wait3A_88] : memref<32x80x128xi32, #tpu.memory_space<hbm>> -> memref<1x40x128xi32, #tpu.memory_space<hbm>>
      %dma_wait3A_90 = tpu.memref_squeeze %dma_wait3A_89 : memref<1x40x128xi32, #tpu.memory_space<hbm>> -> memref<40x128xi32, #tpu.memory_space<hbm>>
      %dma_wait3A_91 = arith.constant 40 : i32
      %dma_wait3A_92 = arith.constant 0 : i32
      %dma_wait3A_93 = tpu.memref_slice %arg4[%add3A, %dma_wait3A_91, %dma_wait3A_92] : memref<32x80x128xi32, #tpu.memory_space<hbm>> -> memref<1x40x128xi32, #tpu.memory_space<hbm>>
      %dma_wait3A_94 = tpu.memref_squeeze %dma_wait3A_93 : memref<1x40x128xi32, #tpu.memory_space<hbm>> -> memref<40x128xi32, #tpu.memory_space<hbm>>
      tpu.wait_dma2 semaphore(%run_scoped3A_78 : memref<!tpu.dma_semaphore, #tpu.memory_space<semaphore_mem>>) src(%dma_wait3A_94 : memref<40x128xi32, #tpu.memory_space<hbm>>) dst(%arg8 : memref<40x128xi32, #tpu.memory_space<vmem>>)
      tpu.yield
    }) : () -> ()
    %dma_start3A_37 = arith.constant 0 : i32
    %dma_start3A_38 = arith.constant 0 : i32
    %dma_start3A_39 = tpu.memref_slice %arg7[%dma_start3A_37, %dma_start3A_38] : memref<40x128xi32, #tpu.memory_space<vmem>> -> memref<1x128xi32, #tpu.memory_space<vmem>>
    %dma_start3A_40 = tpu.memref_squeeze %dma_start3A_39 : memref<1x128xi32, #tpu.memory_space<vmem>> -> memref<128xi32, #tpu.memory_space<vmem>>
    %dma_start3A_41 = arith.constant 0 : i32
    %dma_start3A_42 = arith.constant 0 : i32
    %dma_start3A_43 = tpu.memref_slice %arg2[%dma_start3A_41, %dma_start3A_42] : memref<10240x128xf32, #tpu.memory_space<hbm>> -> memref<10240x128xf32, #tpu.memory_space<hbm>>
    tpu.enqueue_indirect_dma source(%dma_start3A_43 : memref<10240x128xf32, #tpu.memory_space<hbm>>) target(%arg9 : memref<128x128xf32, #tpu.memory_space<vmem>>) offsets(%dma_start3A_40 : memref<128xi32, #tpu.memory_space<vmem>>) semaphore(%arg12 : memref<!tpu.dma_semaphore, #tpu.memory_space<semaphore_mem>>)
    %dma_wait3A_44 = arith.constant 0 : i32
    %dma_wait3A_45 = arith.constant 0 : i32
    %dma_wait3A_46 = tpu.memref_slice %arg7[%dma_wait3A_44, %dma_wait3A_45] : memref<40x128xi32, #tpu.memory_space<vmem>> -> memref<1x128xi32, #tpu.memory_space<vmem>>
    %dma_wait3A_47 = tpu.memref_squeeze %dma_wait3A_46 : memref<1x128xi32, #tpu.memory_space<vmem>> -> memref<128xi32, #tpu.memory_space<vmem>>
    %dma_wait3A_48 = arith.constant 0 : i32
    %dma_wait3A_49 = arith.constant 0 : i32
    %dma_wait3A_50 = tpu.memref_slice %arg2[%dma_wait3A_48, %dma_wait3A_49] : memref<10240x128xf32, #tpu.memory_space<hbm>> -> memref<10240x128xf32, #tpu.memory_space<hbm>>
    tpu.wait_indirect_dma semaphore(%arg12 : memref<!tpu.dma_semaphore, #tpu.memory_space<semaphore_mem>>) src(%dma_wait3A_50 : memref<10240x128xf32, #tpu.memory_space<hbm>>) dst(%arg9 : memref<128x128xf32, #tpu.memory_space<vmem>>)
    %scan3A_51 = arith.constant 0 : i32
    %scan3A_52 = arith.constant 0 : i32
    %scan3A_53 = arith.constant 19 : i32
    %scan3A_54 = arith.addi %scan3A_52, %scan3A_53 : i32
    %scan3A_55 = arith.constant 1 : i32
    scf.for %scan3A_78 = %scan3A_52 to %scan3A_54 step %scan3A_55  : i32 {
      %mul3A_79 = arith.constant 2 : i32
      %mul3A_80 = arith.muli %mul3A_79, %scan3A_78 : i32
      %add3A_81 = arith.constant 1 : i32
      %add3A_82 = arith.addi %mul3A_80, %add3A_81 : i32
      %dma_start3A_83 = arith.constant 0 : i32
      %dma_start3A_84 = tpu.memref_slice %arg7[%add3A_82, %dma_start3A_83] : memref<40x128xi32, #tpu.memory_space<vmem>> -> memref<1x128xi32, #tpu.memory_space<vmem>>
      %dma_start3A_85 = tpu.memref_squeeze %dma_start3A_84 : memref<1x128xi32, #tpu.memory_space<vmem>> -> memref<128xi32, #tpu.memory_space<vmem>>
      %dma_start3A_86 = arith.constant 0 : i32
      %dma_start3A_87 = arith.constant 0 : i32
      %dma_start3A_88 = tpu.memref_slice %arg2[%dma_start3A_86, %dma_start3A_87] : memref<10240x128xf32, #tpu.memory_space<hbm>> -> memref<10240x128xf32, #tpu.memory_space<hbm>>
      tpu.enqueue_indirect_dma source(%dma_start3A_88 : memref<10240x128xf32, #tpu.memory_space<hbm>>) target(%arg10 : memref<128x128xf32, #tpu.memory_space<vmem>>) offsets(%dma_start3A_85 : memref<128xi32, #tpu.memory_space<vmem>>) semaphore(%arg12 : memref<!tpu.dma_semaphore, #tpu.memory_space<semaphore_mem>>)
      "tpu.region"() ({
        %run_scoped3A_111 = tpu.sem_alloc : memref<!tpu.dma_semaphore, #tpu.memory_space<semaphore_mem>>
        %dma_start3A_112 = arith.constant 0 : i32
        %dma_start3A_113 = tpu.memref_slice %arg8[%mul3A_80, %dma_start3A_112] : memref<40x128xi32, #tpu.memory_space<vmem>> -> memref<1x128xi32, #tpu.memory_space<vmem>>
        %dma_start3A_114 = tpu.memref_squeeze %dma_start3A_113 : memref<1x128xi32, #tpu.memory_space<vmem>> -> memref<128xi32, #tpu.memory_space<vmem>>
        %dma_start3A_115 = arith.constant 0 : i32
        %dma_start3A_116 = arith.constant 0 : i32
        %dma_start3A_117 = tpu.memref_slice %arg11[%dma_start3A_115, %dma_start3A_116] : memref<10240x128xf32, #tpu.memory_space<vmem_shared>> -> memref<10240x128xf32, #tpu.memory_space<vmem_shared>>
        tpu.enqueue_indirect_dma source(%arg9 : memref<128x128xf32, #tpu.memory_space<vmem>>) target(%dma_start3A_117 : memref<10240x128xf32, #tpu.memory_space<vmem_shared>>) offsets(%dma_start3A_114 : memref<128xi32, #tpu.memory_space<vmem>>) semaphore(%run_scoped3A_111 : memref<!tpu.dma_semaphore, #tpu.memory_space<semaphore_mem>>) {add = true}
        %dma_wait3A_118 = arith.constant 0 : i32
        %dma_wait3A_119 = tpu.memref_slice %arg8[%mul3A_80, %dma_wait3A_118] : memref<40x128xi32, #tpu.memory_space<vmem>> -> memref<1x128xi32, #tpu.memory_space<vmem>>
        %dma_wait3A_120 = tpu.memref_squeeze %dma_wait3A_119 : memref<1x128xi32, #tpu.memory_space<vmem>> -> memref<128xi32, #tpu.memory_space<vmem>>
        %dma_wait3A_121 = arith.constant 0 : i32
        %dma_wait3A_122 = arith.constant 0 : i32
        %dma_wait3A_123 = tpu.memref_slice %arg11[%dma_wait3A_121, %dma_wait3A_122] : memref<10240x128xf32, #tpu.memory_space<vmem_shared>> -> memref<10240x128xf32, #tpu.memory_space<vmem_shared>>
        tpu.wait_indirect_dma semaphore(%run_scoped3A_111 : memref<!tpu.dma_semaphore, #tpu.memory_space<semaphore_mem>>) src(%arg9 : memref<128x128xf32, #tpu.memory_space<vmem>>) dst(%dma_wait3A_123 : memref<10240x128xf32, #tpu.memory_space<vmem_shared>>)
        tpu.yield
      }) : () -> ()
      %dma_wait3A_89 = arith.constant 0 : i32
      %dma_wait3A_90 = tpu.memref_slice %arg7[%add3A_82, %dma_wait3A_89] : memref<40x128xi32, #tpu.memory_space<vmem>> -> memref<1x128xi32, #tpu.memory_space<vmem>>
      %dma_wait3A_91 = tpu.memref_squeeze %dma_wait3A_90 : memref<1x128xi32, #tpu.memory_space<vmem>> -> memref<128xi32, #tpu.memory_space<vmem>>
      %dma_wait3A_92 = arith.constant 0 : i32
      %dma_wait3A_93 = arith.constant 0 : i32
      %dma_wait3A_94 = tpu.memref_slice %arg2[%dma_wait3A_92, %dma_wait3A_93] : memref<10240x128xf32, #tpu.memory_space<hbm>> -> memref<10240x128xf32, #tpu.memory_space<hbm>>
      tpu.wait_indirect_dma semaphore(%arg12 : memref<!tpu.dma_semaphore, #tpu.memory_space<semaphore_mem>>) src(%dma_wait3A_94 : memref<10240x128xf32, #tpu.memory_space<hbm>>) dst(%arg10 : memref<128x128xf32, #tpu.memory_space<vmem>>)
      %add3A_95 = arith.constant 2 : i32
      %add3A_96 = arith.addi %mul3A_80, %add3A_95 : i32
      %dma_start3A_97 = arith.constant 0 : i32
      %dma_start3A_98 = tpu.memref_slice %arg7[%add3A_96, %dma_start3A_97] : memref<40x128xi32, #tpu.memory_space<vmem>> -> memref<1x128xi32, #tpu.memory_space<vmem>>
      %dma_start3A_99 = tpu.memref_squeeze %dma_start3A_98 : memref<1x128xi32, #tpu.memory_space<vmem>> -> memref<128xi32, #tpu.memory_space<vmem>>
      %dma_start3A_100 = arith.constant 0 : i32
      %dma_start3A_101 = arith.constant 0 : i32
      %dma_start3A_102 = tpu.memref_slice %arg2[%dma_start3A_100, %dma_start3A_101] : memref<10240x128xf32, #tpu.memory_space<hbm>> -> memref<10240x128xf32, #tpu.memory_space<hbm>>
      tpu.enqueue_indirect_dma source(%dma_start3A_102 : memref<10240x128xf32, #tpu.memory_space<hbm>>) target(%arg9 : memref<128x128xf32, #tpu.memory_space<vmem>>) offsets(%dma_start3A_99 : memref<128xi32, #tpu.memory_space<vmem>>) semaphore(%arg12 : memref<!tpu.dma_semaphore, #tpu.memory_space<semaphore_mem>>)
      %add3A_103 = arith.constant 1 : i32
      %add3A_104 = arith.addi %mul3A_80, %add3A_103 : i32
      "tpu.region"() ({
        %run_scoped3A_111 = tpu.sem_alloc : memref<!tpu.dma_semaphore, #tpu.memory_space<semaphore_mem>>
        %dma_start3A_112 = arith.constant 0 : i32
        %dma_start3A_113 = tpu.memref_slice %arg8[%add3A_104, %dma_start3A_112] : memref<40x128xi32, #tpu.memory_space<vmem>> -> memref<1x128xi32, #tpu.memory_space<vmem>>
        %dma_start3A_114 = tpu.memref_squeeze %dma_start3A_113 : memref<1x128xi32, #tpu.memory_space<vmem>> -> memref<128xi32, #tpu.memory_space<vmem>>
        %dma_start3A_115 = arith.constant 0 : i32
        %dma_start3A_116 = arith.constant 0 : i32
        %dma_start3A_117 = tpu.memref_slice %arg11[%dma_start3A_115, %dma_start3A_116] : memref<10240x128xf32, #tpu.memory_space<vmem_shared>> -> memref<10240x128xf32, #tpu.memory_space<vmem_shared>>
        tpu.enqueue_indirect_dma source(%arg10 : memref<128x128xf32, #tpu.memory_space<vmem>>) target(%dma_start3A_117 : memref<10240x128xf32, #tpu.memory_space<vmem_shared>>) offsets(%dma_start3A_114 : memref<128xi32, #tpu.memory_space<vmem>>) semaphore(%run_scoped3A_111 : memref<!tpu.dma_semaphore, #tpu.memory_space<semaphore_mem>>) {add = true}
        %dma_wait3A_118 = arith.constant 0 : i32
        %dma_wait3A_119 = tpu.memref_slice %arg8[%add3A_104, %dma_wait3A_118] : memref<40x128xi32, #tpu.memory_space<vmem>> -> memref<1x128xi32, #tpu.memory_space<vmem>>
        %dma_wait3A_120 = tpu.memref_squeeze %dma_wait3A_119 : memref<1x128xi32, #tpu.memory_space<vmem>> -> memref<128xi32, #tpu.memory_space<vmem>>
        %dma_wait3A_121 = arith.constant 0 : i32
        %dma_wait3A_122 = arith.constant 0 : i32
        %dma_wait3A_123 = tpu.memref_slice %arg11[%dma_wait3A_121, %dma_wait3A_122] : memref<10240x128xf32, #tpu.memory_space<vmem_shared>> -> memref<10240x128xf32, #tpu.memory_space<vmem_shared>>
        tpu.wait_indirect_dma semaphore(%run_scoped3A_111 : memref<!tpu.dma_semaphore, #tpu.memory_space<semaphore_mem>>) src(%arg10 : memref<128x128xf32, #tpu.memory_space<vmem>>) dst(%dma_wait3A_123 : memref<10240x128xf32, #tpu.memory_space<vmem_shared>>)
        tpu.yield
      }) : () -> ()
      %dma_wait3A_105 = arith.constant 0 : i32
      %dma_wait3A_106 = tpu.memref_slice %arg7[%add3A_96, %dma_wait3A_105] : memref<40x128xi32, #tpu.memory_space<vmem>> -> memref<1x128xi32, #tpu.memory_space<vmem>>
      %dma_wait3A_107 = tpu.memref_squeeze %dma_wait3A_106 : memref<1x128xi32, #tpu.memory_space<vmem>> -> memref<128xi32, #tpu.memory_space<vmem>>
      %dma_wait3A_108 = arith.constant 0 : i32
      %dma_wait3A_109 = arith.constant 0 : i32
      %dma_wait3A_110 = tpu.memref_slice %arg2[%dma_wait3A_108, %dma_wait3A_109] : memref<10240x128xf32, #tpu.memory_space<hbm>> -> memref<10240x128xf32, #tpu.memory_space<hbm>>
      tpu.wait_indirect_dma semaphore(%arg12 : memref<!tpu.dma_semaphore, #tpu.memory_space<semaphore_mem>>) src(%dma_wait3A_110 : memref<10240x128xf32, #tpu.memory_space<hbm>>) dst(%arg9 : memref<128x128xf32, #tpu.memory_space<vmem>>)
    }
    %scan3A_56 = arith.constant 19 : i32
    %dma_start3A_57 = arith.constant 39 : i32
    %dma_start3A_58 = arith.constant 0 : i32
    %dma_start3A_59 = tpu.memref_slice %arg7[%dma_start3A_57, %dma_start3A_58] : memref<40x128xi32, #tpu.memory_space<vmem>> -> memref<1x128xi32, #tpu.memory_space<vmem>>
    %dma_start3A_60 = tpu.memref_squeeze %dma_start3A_59 : memref<1x128xi32, #tpu.memory_space<vmem>> -> memref<128xi32, #tpu.memory_space<vmem>>
    %dma_start3A_61 = arith.constant 0 : i32
    %dma_start3A_62 = arith.constant 0 : i32
    %dma_start3A_63 = tpu.memref_slice %arg2[%dma_start3A_61, %dma_start3A_62] : memref<10240x128xf32, #tpu.memory_space<hbm>> -> memref<10240x128xf32, #tpu.memory_space<hbm>>
    tpu.enqueue_indirect_dma source(%dma_start3A_63 : memref<10240x128xf32, #tpu.memory_space<hbm>>) target(%arg10 : memref<128x128xf32, #tpu.memory_space<vmem>>) offsets(%dma_start3A_60 : memref<128xi32, #tpu.memory_space<vmem>>) semaphore(%arg12 : memref<!tpu.dma_semaphore, #tpu.memory_space<semaphore_mem>>)
    %run_scoped3A_64 = arith.constant 38 : i32
    "tpu.region"() ({
      %run_scoped3A_78 = tpu.sem_alloc : memref<!tpu.dma_semaphore, #tpu.memory_space<semaphore_mem>>
      %dma_start3A_79 = arith.constant 0 : i32
      %dma_start3A_80 = tpu.memref_slice %arg8[%run_scoped3A_64, %dma_start3A_79] : memref<40x128xi32, #tpu.memory_space<vmem>> -> memref<1x128xi32, #tpu.memory_space<vmem>>
      %dma_start3A_81 = tpu.memref_squeeze %dma_start3A_80 : memref<1x128xi32, #tpu.memory_space<vmem>> -> memref<128xi32, #tpu.memory_space<vmem>>
      %dma_start3A_82 = arith.constant 0 : i32
      %dma_start3A_83 = arith.constant 0 : i32
      %dma_start3A_84 = tpu.memref_slice %arg11[%dma_start3A_82, %dma_start3A_83] : memref<10240x128xf32, #tpu.memory_space<vmem_shared>> -> memref<10240x128xf32, #tpu.memory_space<vmem_shared>>
      tpu.enqueue_indirect_dma source(%arg9 : memref<128x128xf32, #tpu.memory_space<vmem>>) target(%dma_start3A_84 : memref<10240x128xf32, #tpu.memory_space<vmem_shared>>) offsets(%dma_start3A_81 : memref<128xi32, #tpu.memory_space<vmem>>) semaphore(%run_scoped3A_78 : memref<!tpu.dma_semaphore, #tpu.memory_space<semaphore_mem>>) {add = true}
      %dma_wait3A_85 = arith.constant 0 : i32
      %dma_wait3A_86 = tpu.memref_slice %arg8[%run_scoped3A_64, %dma_wait3A_85] : memref<40x128xi32, #tpu.memory_space<vmem>> -> memref<1x128xi32, #tpu.memory_space<vmem>>
      %dma_wait3A_87 = tpu.memref_squeeze %dma_wait3A_86 : memref<1x128xi32, #tpu.memory_space<vmem>> -> memref<128xi32, #tpu.memory_space<vmem>>
      %dma_wait3A_88 = arith.constant 0 : i32
      %dma_wait3A_89 = arith.constant 0 : i32
      %dma_wait3A_90 = tpu.memref_slice %arg11[%dma_wait3A_88, %dma_wait3A_89] : memref<10240x128xf32, #tpu.memory_space<vmem_shared>> -> memref<10240x128xf32, #tpu.memory_space<vmem_shared>>
      tpu.wait_indirect_dma semaphore(%run_scoped3A_78 : memref<!tpu.dma_semaphore, #tpu.memory_space<semaphore_mem>>) src(%arg9 : memref<128x128xf32, #tpu.memory_space<vmem>>) dst(%dma_wait3A_90 : memref<10240x128xf32, #tpu.memory_space<vmem_shared>>)
      tpu.yield
    }) : () -> ()
    %dma_wait3A_65 = arith.constant 39 : i32
    %dma_wait3A_66 = arith.constant 0 : i32
    %dma_wait3A_67 = tpu.memref_slice %arg7[%dma_wait3A_65, %dma_wait3A_66] : memref<40x128xi32, #tpu.memory_space<vmem>> -> memref<1x128xi32, #tpu.memory_space<vmem>>
    %dma_wait3A_68 = tpu.memref_squeeze %dma_wait3A_67 : memref<1x128xi32, #tpu.memory_space<vmem>> -> memref<128xi32, #tpu.memory_space<vmem>>
    %dma_wait3A_69 = arith.constant 0 : i32
    %dma_wait3A_70 = arith.constant 0 : i32
    %dma_wait3A_71 = tpu.memref_slice %arg2[%dma_wait3A_69, %dma_wait3A_70] : memref<10240x128xf32, #tpu.memory_space<hbm>> -> memref<10240x128xf32, #tpu.memory_space<hbm>>
    tpu.wait_indirect_dma semaphore(%arg12 : memref<!tpu.dma_semaphore, #tpu.memory_space<semaphore_mem>>) src(%dma_wait3A_71 : memref<10240x128xf32, #tpu.memory_space<hbm>>) dst(%arg10 : memref<128x128xf32, #tpu.memory_space<vmem>>)
    %run_scoped3A_72 = arith.constant 39 : i32
    "tpu.region"() ({
      %run_scoped3A_78 = tpu.sem_alloc : memref<!tpu.dma_semaphore, #tpu.memory_space<semaphore_mem>>
      %dma_start3A_79 = arith.constant 0 : i32
      %dma_start3A_80 = tpu.memref_slice %arg8[%run_scoped3A_72, %dma_start3A_79] : memref<40x128xi32, #tpu.memory_space<vmem>> -> memref<1x128xi32, #tpu.memory_space<vmem>>
      %dma_start3A_81 = tpu.memref_squeeze %dma_start3A_80 : memref<1x128xi32, #tpu.memory_space<vmem>> -> memref<128xi32, #tpu.memory_space<vmem>>
      %dma_start3A_82 = arith.constant 0 : i32
      %dma_start3A_83 = arith.constant 0 : i32
      %dma_start3A_84 = tpu.memref_slice %arg11[%dma_start3A_82, %dma_start3A_83] : memref<10240x128xf32, #tpu.memory_space<vmem_shared>> -> memref<10240x128xf32, #tpu.memory_space<vmem_shared>>
      tpu.enqueue_indirect_dma source(%arg10 : memref<128x128xf32, #tpu.memory_space<vmem>>) target(%dma_start3A_84 : memref<10240x128xf32, #tpu.memory_space<vmem_shared>>) offsets(%dma_start3A_81 : memref<128xi32, #tpu.memory_space<vmem>>) semaphore(%run_scoped3A_78 : memref<!tpu.dma_semaphore, #tpu.memory_space<semaphore_mem>>) {add = true}
      %dma_wait3A_85 = arith.constant 0 : i32
      %dma_wait3A_86 = tpu.memref_slice %arg8[%run_scoped3A_72, %dma_wait3A_85] : memref<40x128xi32, #tpu.memory_space<vmem>> -> memref<1x128xi32, #tpu.memory_space<vmem>>
      %dma_wait3A_87 = tpu.memref_squeeze %dma_wait3A_86 : memref<1x128xi32, #tpu.memory_space<vmem>> -> memref<128xi32, #tpu.memory_space<vmem>>
      %dma_wait3A_88 = arith.constant 0 : i32
      %dma_wait3A_89 = arith.constant 0 : i32
      %dma_wait3A_90 = tpu.memref_slice %arg11[%dma_wait3A_88, %dma_wait3A_89] : memref<10240x128xf32, #tpu.memory_space<vmem_shared>> -> memref<10240x128xf32, #tpu.memory_space<vmem_shared>>
      tpu.wait_indirect_dma semaphore(%run_scoped3A_78 : memref<!tpu.dma_semaphore, #tpu.memory_space<semaphore_mem>>) src(%arg10 : memref<128x128xf32, #tpu.memory_space<vmem>>) dst(%dma_wait3A_90 : memref<10240x128xf32, #tpu.memory_space<vmem_shared>>)
      tpu.yield
    }) : () -> ()
    %barrier3A_73 = arith.constant 0 : index
    tpu.barrier barrier_id(%barrier3A_73)
    %mul3A_74 = arith.constant 640 : i32
    %mul3A_75 = arith.muli %arg1, %mul3A_74 : i32
    %mul3A_76 = arith.constant 640 : i32
    %mul3A_77 = arith.muli %arg1, %mul3A_76 : i32
    "tpu.region"() ({
      %run_scoped3A_78 = tpu.sem_alloc : memref<!tpu.dma_semaphore, #tpu.memory_space<semaphore_mem>>
      %dma_start3A_79 = arith.constant 0 : i32
      %dma_start3A_80 = tpu.memref_slice %arg6[%arg0, %mul3A_77, %dma_start3A_79] : memref<2x10240x128xf32, #tpu.memory_space<hbm>> -> memref<1x640x128xf32, #tpu.memory_space<hbm>>
      %dma_start3A_81 = tpu.memref_squeeze %dma_start3A_80 : memref<1x640x128xf32, #tpu.memory_space<hbm>> -> memref<640x128xf32, #tpu.memory_space<hbm>>
      %dma_start3A_82 = arith.constant 0 : i32
      %dma_start3A_83 = tpu.memref_slice %arg11[%mul3A_75, %dma_start3A_82] : memref<10240x128xf32, #tpu.memory_space<vmem_shared>> -> memref<640x128xf32, #tpu.memory_space<vmem_shared>>
      tpu.enqueue_dma source(%dma_start3A_83 : memref<640x128xf32, #tpu.memory_space<vmem_shared>>) target(%dma_start3A_81 : memref<640x128xf32, #tpu.memory_space<hbm>>) target_semaphore(%run_scoped3A_78 : memref<!tpu.dma_semaphore, #tpu.memory_space<semaphore_mem>>)
      %dma_wait3A_84 = arith.constant 0 : i32
      %dma_wait3A_85 = tpu.memref_slice %arg6[%arg0, %mul3A_77, %dma_wait3A_84] : memref<2x10240x128xf32, #tpu.memory_space<hbm>> -> memref<1x640x128xf32, #tpu.memory_space<hbm>>
      %dma_wait3A_86 = tpu.memref_squeeze %dma_wait3A_85 : memref<1x640x128xf32, #tpu.memory_space<hbm>> -> memref<640x128xf32, #tpu.memory_space<hbm>>
      %dma_wait3A_87 = arith.constant 0 : i32
      %dma_wait3A_88 = tpu.memref_slice %arg11[%mul3A_75, %dma_wait3A_87] : memref<10240x128xf32, #tpu.memory_space<vmem_shared>> -> memref<640x128xf32, #tpu.memory_space<vmem_shared>>
      tpu.wait_dma2 semaphore(%run_scoped3A_78 : memref<!tpu.dma_semaphore, #tpu.memory_space<semaphore_mem>>) src(%dma_wait3A_88 : memref<640x128xf32, #tpu.memory_space<vmem_shared>>) dst(%dma_wait3A_86 : memref<640x128xf32, #tpu.memory_space<hbm>>)
      tpu.yield
    }) : () -> ()
    return
  }
}

#map = affine_map<(d0, d1) -> (0, 0, 0)>
#map1 = affine_map<(d0, d1) -> (0)>
#map2 = affine_map<(d0, d1) -> (0, 0)>
module attributes {stable_mosaic.version = 14 : i64} {
  func.func @_deg_body(%arg0: i32, %arg1: i32, %arg2: memref<32x80x128xi32, #tpu.memory_space<hbm>>, %arg3: memref<10240xf32, #tpu.memory_space<hbm>>, %arg4: memref<128xf32, #tpu.memory_space<hbm>>, %arg5: memref<2x10240xf32, #tpu.memory_space<hbm>>, %arg6: memref<80x128xi32, #tpu.memory_space<vmem>>, %arg7: memref<128xf32, #tpu.memory_space<vmem>>, %arg8: memref<10240xf32, #tpu.memory_space<vmem_shared>>, %arg9: memref<!tpu.dma_semaphore, #tpu.memory_space<semaphore_mem>>) attributes {dimension_semantics = [#tpu.dimension_semantics<core_parallel>, #tpu.dimension_semantics<subcore_parallel>], iteration_bounds = array<i64: 2, 16>, scalar_prefetch = 0 : i64, scratch_operands = 4 : i64, tpu.core_type = #tpu.core_type<sc_vector_subcore>, window_params = [{transform_indices = #map}, {transform_indices = #map1}, {transform_indices = #map1}, {transform_indices = #map2}]} {
    %mul3A = arith.constant 16 : i32
    %mul3A_0 = arith.muli %arg0, %mul3A : i32
    %add3A = arith.addi %mul3A_0, %arg1 : i32
    %mul3A_1 = arith.constant 640 : i32
    %mul3A_2 = arith.muli %arg1, %mul3A_1 : i32
    %mul3A_3 = arith.constant 640 : i32
    %mul3A_4 = arith.muli %arg1, %mul3A_3 : i32
    "tpu.region"() ({
      %run_scoped3A = tpu.sem_alloc : memref<!tpu.dma_semaphore, #tpu.memory_space<semaphore_mem>>
      %dma_start3A = tpu.memref_slice %arg8[%mul3A_4] : memref<10240xf32, #tpu.memory_space<vmem_shared>> -> memref<640xf32, #tpu.memory_space<vmem_shared>>
      %dma_start3A_21 = tpu.memref_slice %arg3[%mul3A_2] : memref<10240xf32, #tpu.memory_space<hbm>> -> memref<640xf32, #tpu.memory_space<hbm>>
      tpu.enqueue_dma source(%dma_start3A_21 : memref<640xf32, #tpu.memory_space<hbm>>) target(%dma_start3A : memref<640xf32, #tpu.memory_space<vmem_shared>>) target_semaphore(%run_scoped3A : memref<!tpu.dma_semaphore, #tpu.memory_space<semaphore_mem>>)
      %dma_wait3A = tpu.memref_slice %arg8[%mul3A_4] : memref<10240xf32, #tpu.memory_space<vmem_shared>> -> memref<640xf32, #tpu.memory_space<vmem_shared>>
      %dma_wait3A_22 = tpu.memref_slice %arg3[%mul3A_2] : memref<10240xf32, #tpu.memory_space<hbm>> -> memref<640xf32, #tpu.memory_space<hbm>>
      tpu.wait_dma2 semaphore(%run_scoped3A : memref<!tpu.dma_semaphore, #tpu.memory_space<semaphore_mem>>) src(%dma_wait3A_22 : memref<640xf32, #tpu.memory_space<hbm>>) dst(%dma_wait3A : memref<640xf32, #tpu.memory_space<vmem_shared>>)
      tpu.yield
    }) : () -> ()
    "tpu.region"() ({
      %run_scoped3A = tpu.sem_alloc : memref<!tpu.dma_semaphore, #tpu.memory_space<semaphore_mem>>
      tpu.enqueue_dma source(%arg4 : memref<128xf32, #tpu.memory_space<hbm>>) target(%arg7 : memref<128xf32, #tpu.memory_space<vmem>>) target_semaphore(%run_scoped3A : memref<!tpu.dma_semaphore, #tpu.memory_space<semaphore_mem>>)
      tpu.wait_dma2 semaphore(%run_scoped3A : memref<!tpu.dma_semaphore, #tpu.memory_space<semaphore_mem>>) src(%arg4 : memref<128xf32, #tpu.memory_space<hbm>>) dst(%arg7 : memref<128xf32, #tpu.memory_space<vmem>>)
      tpu.yield
    }) : () -> ()
    "tpu.region"() ({
      %run_scoped3A = tpu.sem_alloc : memref<!tpu.dma_semaphore, #tpu.memory_space<semaphore_mem>>
      %dma_start3A = arith.constant 0 : i32
      %dma_start3A_21 = arith.constant 0 : i32
      %dma_start3A_22 = tpu.memref_slice %arg2[%add3A, %dma_start3A, %dma_start3A_21] : memref<32x80x128xi32, #tpu.memory_space<hbm>> -> memref<1x80x128xi32, #tpu.memory_space<hbm>>
      %dma_start3A_23 = tpu.memref_squeeze %dma_start3A_22 : memref<1x80x128xi32, #tpu.memory_space<hbm>> -> memref<80x128xi32, #tpu.memory_space<hbm>>
      %dma_start3A_24 = arith.constant 0 : i32
      %dma_start3A_25 = arith.constant 0 : i32
      %dma_start3A_26 = tpu.memref_slice %arg2[%add3A, %dma_start3A_24, %dma_start3A_25] : memref<32x80x128xi32, #tpu.memory_space<hbm>> -> memref<1x80x128xi32, #tpu.memory_space<hbm>>
      %dma_start3A_27 = tpu.memref_squeeze %dma_start3A_26 : memref<1x80x128xi32, #tpu.memory_space<hbm>> -> memref<80x128xi32, #tpu.memory_space<hbm>>
      tpu.enqueue_dma source(%dma_start3A_27 : memref<80x128xi32, #tpu.memory_space<hbm>>) target(%arg6 : memref<80x128xi32, #tpu.memory_space<vmem>>) target_semaphore(%run_scoped3A : memref<!tpu.dma_semaphore, #tpu.memory_space<semaphore_mem>>)
      %dma_wait3A = arith.constant 0 : i32
      %dma_wait3A_28 = arith.constant 0 : i32
      %dma_wait3A_29 = tpu.memref_slice %arg2[%add3A, %dma_wait3A, %dma_wait3A_28] : memref<32x80x128xi32, #tpu.memory_space<hbm>> -> memref<1x80x128xi32, #tpu.memory_space<hbm>>
      %dma_wait3A_30 = tpu.memref_squeeze %dma_wait3A_29 : memref<1x80x128xi32, #tpu.memory_space<hbm>> -> memref<80x128xi32, #tpu.memory_space<hbm>>
      %dma_wait3A_31 = arith.constant 0 : i32
      %dma_wait3A_32 = arith.constant 0 : i32
      %dma_wait3A_33 = tpu.memref_slice %arg2[%add3A, %dma_wait3A_31, %dma_wait3A_32] : memref<32x80x128xi32, #tpu.memory_space<hbm>> -> memref<1x80x128xi32, #tpu.memory_space<hbm>>
      %dma_wait3A_34 = tpu.memref_squeeze %dma_wait3A_33 : memref<1x80x128xi32, #tpu.memory_space<hbm>> -> memref<80x128xi32, #tpu.memory_space<hbm>>
      tpu.wait_dma2 semaphore(%run_scoped3A : memref<!tpu.dma_semaphore, #tpu.memory_space<semaphore_mem>>) src(%dma_wait3A_34 : memref<80x128xi32, #tpu.memory_space<hbm>>) dst(%arg6 : memref<80x128xi32, #tpu.memory_space<vmem>>)
      tpu.yield
    }) : () -> ()
    %barrier3A = arith.constant 0 : index
    tpu.barrier barrier_id(%barrier3A)
    %scan3A = arith.constant 0 : i32
    %scan3A_5 = arith.constant 0 : i32
    %scan3A_6 = arith.constant 80 : i32
    %scan3A_7 = arith.addi %scan3A_5, %scan3A_6 : i32
    %scan3A_8 = arith.constant 1 : i32
    scf.for %scan3A_21 = %scan3A_5 to %scan3A_7 step %scan3A_8  : i32 {
      %dma_start3A = arith.constant 0 : i32
      %dma_start3A_22 = tpu.memref_slice %arg6[%scan3A_21, %dma_start3A] : memref<80x128xi32, #tpu.memory_space<vmem>> -> memref<1x128xi32, #tpu.memory_space<vmem>>
      %dma_start3A_23 = tpu.memref_squeeze %dma_start3A_22 : memref<1x128xi32, #tpu.memory_space<vmem>> -> memref<128xi32, #tpu.memory_space<vmem>>
      %dma_start3A_24 = arith.constant 0 : i32
      %dma_start3A_25 = tpu.memref_slice %arg8[%dma_start3A_24] : memref<10240xf32, #tpu.memory_space<vmem_shared>> -> memref<10240xf32, #tpu.memory_space<vmem_shared>>
      tpu.enqueue_indirect_dma source(%arg7 : memref<128xf32, #tpu.memory_space<vmem>>) target(%dma_start3A_25 : memref<10240xf32, #tpu.memory_space<vmem_shared>>) offsets(%dma_start3A_23 : memref<128xi32, #tpu.memory_space<vmem>>) semaphore(%arg9 : memref<!tpu.dma_semaphore, #tpu.memory_space<semaphore_mem>>) {add = true}
    }
    %scan3A_9 = arith.constant 80 : i32
    %scan3A_10 = arith.constant 0 : i32
    %scan3A_11 = arith.constant 0 : i32
    %scan3A_12 = arith.constant 80 : i32
    %scan3A_13 = arith.addi %scan3A_11, %scan3A_12 : i32
    %scan3A_14 = arith.constant 1 : i32
    scf.for %scan3A_21 = %scan3A_11 to %scan3A_13 step %scan3A_14  : i32 {
      %dma_wait3A = arith.constant 0 : i32
      %dma_wait3A_22 = arith.constant 0 : i32
      %dma_wait3A_23 = tpu.memref_slice %arg6[%dma_wait3A, %dma_wait3A_22] : memref<80x128xi32, #tpu.memory_space<vmem>> -> memref<1x128xi32, #tpu.memory_space<vmem>>
      %dma_wait3A_24 = tpu.memref_squeeze %dma_wait3A_23 : memref<1x128xi32, #tpu.memory_space<vmem>> -> memref<128xi32, #tpu.memory_space<vmem>>
      %dma_wait3A_25 = arith.constant 0 : i32
      %dma_wait3A_26 = tpu.memref_slice %arg8[%dma_wait3A_25] : memref<10240xf32, #tpu.memory_space<vmem_shared>> -> memref<10240xf32, #tpu.memory_space<vmem_shared>>
      tpu.wait_indirect_dma semaphore(%arg9 : memref<!tpu.dma_semaphore, #tpu.memory_space<semaphore_mem>>) src(%arg7 : memref<128xf32, #tpu.memory_space<vmem>>) dst(%dma_wait3A_26 : memref<10240xf32, #tpu.memory_space<vmem_shared>>)
    }
    %scan3A_15 = arith.constant 80 : i32
    %barrier3A_16 = arith.constant 0 : index
    tpu.barrier barrier_id(%barrier3A_16)
    %mul3A_17 = arith.constant 640 : i32
    %mul3A_18 = arith.muli %arg1, %mul3A_17 : i32
    %mul3A_19 = arith.constant 640 : i32
    %mul3A_20 = arith.muli %arg1, %mul3A_19 : i32
    "tpu.region"() ({
      %run_scoped3A = tpu.sem_alloc : memref<!tpu.dma_semaphore, #tpu.memory_space<semaphore_mem>>
      %dma_start3A = tpu.memref_slice %arg5[%arg0, %mul3A_20] : memref<2x10240xf32, #tpu.memory_space<hbm>> -> memref<1x640xf32, #tpu.memory_space<hbm>>
      %dma_start3A_21 = tpu.memref_squeeze %dma_start3A : memref<1x640xf32, #tpu.memory_space<hbm>> -> memref<640xf32, #tpu.memory_space<hbm>>
      %dma_start3A_22 = tpu.memref_slice %arg8[%mul3A_18] : memref<10240xf32, #tpu.memory_space<vmem_shared>> -> memref<640xf32, #tpu.memory_space<vmem_shared>>
      tpu.enqueue_dma source(%dma_start3A_22 : memref<640xf32, #tpu.memory_space<vmem_shared>>) target(%dma_start3A_21 : memref<640xf32, #tpu.memory_space<hbm>>) target_semaphore(%run_scoped3A : memref<!tpu.dma_semaphore, #tpu.memory_space<semaphore_mem>>)
      %dma_wait3A = tpu.memref_slice %arg5[%arg0, %mul3A_20] : memref<2x10240xf32, #tpu.memory_space<hbm>> -> memref<1x640xf32, #tpu.memory_space<hbm>>
      %dma_wait3A_23 = tpu.memref_squeeze %dma_wait3A : memref<1x640xf32, #tpu.memory_space<hbm>> -> memref<640xf32, #tpu.memory_space<hbm>>
      %dma_wait3A_24 = tpu.memref_slice %arg8[%mul3A_18] : memref<10240xf32, #tpu.memory_space<vmem_shared>> -> memref<640xf32, #tpu.memory_space<vmem_shared>>
      tpu.wait_dma2 semaphore(%run_scoped3A : memref<!tpu.dma_semaphore, #tpu.memory_space<semaphore_mem>>) src(%dma_wait3A_24 : memref<640xf32, #tpu.memory_space<vmem_shared>>) dst(%dma_wait3A_23 : memref<640xf32, #tpu.memory_space<hbm>>)
      tpu.yield
    }) : () -> ()
    return
  }
}

#map = affine_map<(d0, d1) -> (0, 0)>
#map1 = affine_map<(d0, d1) -> (0, 0, 0)>
module attributes {stable_mosaic.version = 14 : i64} {
  func.func @_edge_body(%arg0: i32, %arg1: i32, %arg2: memref<10240x128xf32, #tpu.memory_space<hbm>>, %arg3: memref<32x80x128xi32, #tpu.memory_space<hbm>>, %arg4: memref<32x80x128xi32, #tpu.memory_space<hbm>>, %arg5: memref<10240x128xf32, #tpu.memory_space<hbm>>, %arg6: memref<2x10240x128xf32, #tpu.memory_space<hbm>>, %arg7: memref<40x128xi32, #tpu.memory_space<vmem>>, %arg8: memref<40x128xi32, #tpu.memory_space<vmem>>, %arg9: memref<128x128xf32, #tpu.memory_space<vmem>>, %arg10: memref<128x128xf32, #tpu.memory_space<vmem>>, %arg11: memref<10240x128xf32, #tpu.memory_space<vmem_shared>>, %arg12: memref<!tpu.dma_semaphore, #tpu.memory_space<semaphore_mem>>) attributes {dimension_semantics = [#tpu.dimension_semantics<core_parallel>, #tpu.dimension_semantics<subcore_parallel>], iteration_bounds = array<i64: 2, 16>, scalar_prefetch = 0 : i64, scratch_operands = 6 : i64, tpu.core_type = #tpu.core_type<sc_vector_subcore>, window_params = [{transform_indices = #map}, {transform_indices = #map1}, {transform_indices = #map1}, {transform_indices = #map}, {transform_indices = #map1}]} {
    %mul3A = arith.constant 16 : i32
    %mul3A_0 = arith.muli %arg0, %mul3A : i32
    %add3A = arith.addi %mul3A_0, %arg1 : i32
    %mul3A_1 = arith.constant 640 : i32
    %mul3A_2 = arith.muli %arg1, %mul3A_1 : i32
    %mul3A_3 = arith.constant 640 : i32
    %mul3A_4 = arith.muli %arg1, %mul3A_3 : i32
    "tpu.region"() ({
      %run_scoped3A_78 = tpu.sem_alloc : memref<!tpu.dma_semaphore, #tpu.memory_space<semaphore_mem>>
      %dma_start3A_79 = arith.constant 0 : i32
      %dma_start3A_80 = tpu.memref_slice %arg11[%mul3A_4, %dma_start3A_79] : memref<10240x128xf32, #tpu.memory_space<vmem_shared>> -> memref<640x128xf32, #tpu.memory_space<vmem_shared>>
      %dma_start3A_81 = arith.constant 0 : i32
      %dma_start3A_82 = tpu.memref_slice %arg5[%mul3A_2, %dma_start3A_81] : memref<10240x128xf32, #tpu.memory_space<hbm>> -> memref<640x128xf32, #tpu.memory_space<hbm>>
      tpu.enqueue_dma source(%dma_start3A_82 : memref<640x128xf32, #tpu.memory_space<hbm>>) target(%dma_start3A_80 : memref<640x128xf32, #tpu.memory_space<vmem_shared>>) target_semaphore(%run_scoped3A_78 : memref<!tpu.dma_semaphore, #tpu.memory_space<semaphore_mem>>)
      %dma_wait3A_83 = arith.constant 0 : i32
      %dma_wait3A_84 = tpu.memref_slice %arg11[%mul3A_4, %dma_wait3A_83] : memref<10240x128xf32, #tpu.memory_space<vmem_shared>> -> memref<640x128xf32, #tpu.memory_space<vmem_shared>>
      %dma_wait3A_85 = arith.constant 0 : i32
      %dma_wait3A_86 = tpu.memref_slice %arg5[%mul3A_2, %dma_wait3A_85] : memref<10240x128xf32, #tpu.memory_space<hbm>> -> memref<640x128xf32, #tpu.memory_space<hbm>>
      tpu.wait_dma2 semaphore(%run_scoped3A_78 : memref<!tpu.dma_semaphore, #tpu.memory_space<semaphore_mem>>) src(%dma_wait3A_86 : memref<640x128xf32, #tpu.memory_space<hbm>>) dst(%dma_wait3A_84 : memref<640x128xf32, #tpu.memory_space<vmem_shared>>)
      tpu.yield
    }) : () -> ()
    %barrier3A = arith.constant 0 : index
    tpu.barrier barrier_id(%barrier3A)
    "tpu.region"() ({
      %run_scoped3A_78 = tpu.sem_alloc : memref<!tpu.dma_semaphore, #tpu.memory_space<semaphore_mem>>
      %dma_start3A_79 = arith.constant 0 : i32
      %dma_start3A_80 = arith.constant 0 : i32
      %dma_start3A_81 = tpu.memref_slice %arg3[%add3A, %dma_start3A_79, %dma_start3A_80] : memref<32x80x128xi32, #tpu.memory_space<hbm>> -> memref<1x40x128xi32, #tpu.memory_space<hbm>>
      %dma_start3A_82 = tpu.memref_squeeze %dma_start3A_81 : memref<1x40x128xi32, #tpu.memory_space<hbm>> -> memref<40x128xi32, #tpu.memory_space<hbm>>
      %dma_start3A_83 = arith.constant 0 : i32
      %dma_start3A_84 = arith.constant 0 : i32
      %dma_start3A_85 = tpu.memref_slice %arg3[%add3A, %dma_start3A_83, %dma_start3A_84] : memref<32x80x128xi32, #tpu.memory_space<hbm>> -> memref<1x40x128xi32, #tpu.memory_space<hbm>>
      %dma_start3A_86 = tpu.memref_squeeze %dma_start3A_85 : memref<1x40x128xi32, #tpu.memory_space<hbm>> -> memref<40x128xi32, #tpu.memory_space<hbm>>
      tpu.enqueue_dma source(%dma_start3A_86 : memref<40x128xi32, #tpu.memory_space<hbm>>) target(%arg7 : memref<40x128xi32, #tpu.memory_space<vmem>>) target_semaphore(%run_scoped3A_78 : memref<!tpu.dma_semaphore, #tpu.memory_space<semaphore_mem>>)
      %dma_wait3A_87 = arith.constant 0 : i32
      %dma_wait3A_88 = arith.constant 0 : i32
      %dma_wait3A_89 = tpu.memref_slice %arg3[%add3A, %dma_wait3A_87, %dma_wait3A_88] : memref<32x80x128xi32, #tpu.memory_space<hbm>> -> memref<1x40x128xi32, #tpu.memory_space<hbm>>
      %dma_wait3A_90 = tpu.memref_squeeze %dma_wait3A_89 : memref<1x40x128xi32, #tpu.memory_space<hbm>> -> memref<40x128xi32, #tpu.memory_space<hbm>>
      %dma_wait3A_91 = arith.constant 0 : i32
      %dma_wait3A_92 = arith.constant 0 : i32
      %dma_wait3A_93 = tpu.memref_slice %arg3[%add3A, %dma_wait3A_91, %dma_wait3A_92] : memref<32x80x128xi32, #tpu.memory_space<hbm>> -> memref<1x40x128xi32, #tpu.memory_space<hbm>>
      %dma_wait3A_94 = tpu.memref_squeeze %dma_wait3A_93 : memref<1x40x128xi32, #tpu.memory_space<hbm>> -> memref<40x128xi32, #tpu.memory_space<hbm>>
      tpu.wait_dma2 semaphore(%run_scoped3A_78 : memref<!tpu.dma_semaphore, #tpu.memory_space<semaphore_mem>>) src(%dma_wait3A_94 : memref<40x128xi32, #tpu.memory_space<hbm>>) dst(%arg7 : memref<40x128xi32, #tpu.memory_space<vmem>>)
      tpu.yield
    }) : () -> ()
    "tpu.region"() ({
      %run_scoped3A_78 = tpu.sem_alloc : memref<!tpu.dma_semaphore, #tpu.memory_space<semaphore_mem>>
      %dma_start3A_79 = arith.constant 0 : i32
      %dma_start3A_80 = arith.constant 0 : i32
      %dma_start3A_81 = tpu.memref_slice %arg4[%add3A, %dma_start3A_79, %dma_start3A_80] : memref<32x80x128xi32, #tpu.memory_space<hbm>> -> memref<1x40x128xi32, #tpu.memory_space<hbm>>
      %dma_start3A_82 = tpu.memref_squeeze %dma_start3A_81 : memref<1x40x128xi32, #tpu.memory_space<hbm>> -> memref<40x128xi32, #tpu.memory_space<hbm>>
      %dma_start3A_83 = arith.constant 0 : i32
      %dma_start3A_84 = arith.constant 0 : i32
      %dma_start3A_85 = tpu.memref_slice %arg4[%add3A, %dma_start3A_83, %dma_start3A_84] : memref<32x80x128xi32, #tpu.memory_space<hbm>> -> memref<1x40x128xi32, #tpu.memory_space<hbm>>
      %dma_start3A_86 = tpu.memref_squeeze %dma_start3A_85 : memref<1x40x128xi32, #tpu.memory_space<hbm>> -> memref<40x128xi32, #tpu.memory_space<hbm>>
      tpu.enqueue_dma source(%dma_start3A_86 : memref<40x128xi32, #tpu.memory_space<hbm>>) target(%arg8 : memref<40x128xi32, #tpu.memory_space<vmem>>) target_semaphore(%run_scoped3A_78 : memref<!tpu.dma_semaphore, #tpu.memory_space<semaphore_mem>>)
      %dma_wait3A_87 = arith.constant 0 : i32
      %dma_wait3A_88 = arith.constant 0 : i32
      %dma_wait3A_89 = tpu.memref_slice %arg4[%add3A, %dma_wait3A_87, %dma_wait3A_88] : memref<32x80x128xi32, #tpu.memory_space<hbm>> -> memref<1x40x128xi32, #tpu.memory_space<hbm>>
      %dma_wait3A_90 = tpu.memref_squeeze %dma_wait3A_89 : memref<1x40x128xi32, #tpu.memory_space<hbm>> -> memref<40x128xi32, #tpu.memory_space<hbm>>
      %dma_wait3A_91 = arith.constant 0 : i32
      %dma_wait3A_92 = arith.constant 0 : i32
      %dma_wait3A_93 = tpu.memref_slice %arg4[%add3A, %dma_wait3A_91, %dma_wait3A_92] : memref<32x80x128xi32, #tpu.memory_space<hbm>> -> memref<1x40x128xi32, #tpu.memory_space<hbm>>
      %dma_wait3A_94 = tpu.memref_squeeze %dma_wait3A_93 : memref<1x40x128xi32, #tpu.memory_space<hbm>> -> memref<40x128xi32, #tpu.memory_space<hbm>>
      tpu.wait_dma2 semaphore(%run_scoped3A_78 : memref<!tpu.dma_semaphore, #tpu.memory_space<semaphore_mem>>) src(%dma_wait3A_94 : memref<40x128xi32, #tpu.memory_space<hbm>>) dst(%arg8 : memref<40x128xi32, #tpu.memory_space<vmem>>)
      tpu.yield
    }) : () -> ()
    %dma_start3A = arith.constant 0 : i32
    %dma_start3A_5 = arith.constant 0 : i32
    %dma_start3A_6 = tpu.memref_slice %arg7[%dma_start3A, %dma_start3A_5] : memref<40x128xi32, #tpu.memory_space<vmem>> -> memref<1x128xi32, #tpu.memory_space<vmem>>
    %dma_start3A_7 = tpu.memref_squeeze %dma_start3A_6 : memref<1x128xi32, #tpu.memory_space<vmem>> -> memref<128xi32, #tpu.memory_space<vmem>>
    %dma_start3A_8 = arith.constant 0 : i32
    %dma_start3A_9 = arith.constant 0 : i32
    %dma_start3A_10 = tpu.memref_slice %arg2[%dma_start3A_8, %dma_start3A_9] : memref<10240x128xf32, #tpu.memory_space<hbm>> -> memref<10240x128xf32, #tpu.memory_space<hbm>>
    tpu.enqueue_indirect_dma source(%dma_start3A_10 : memref<10240x128xf32, #tpu.memory_space<hbm>>) target(%arg9 : memref<128x128xf32, #tpu.memory_space<vmem>>) offsets(%dma_start3A_7 : memref<128xi32, #tpu.memory_space<vmem>>) semaphore(%arg12 : memref<!tpu.dma_semaphore, #tpu.memory_space<semaphore_mem>>)
    %dma_wait3A = arith.constant 0 : i32
    %dma_wait3A_11 = arith.constant 0 : i32
    %dma_wait3A_12 = tpu.memref_slice %arg7[%dma_wait3A, %dma_wait3A_11] : memref<40x128xi32, #tpu.memory_space<vmem>> -> memref<1x128xi32, #tpu.memory_space<vmem>>
    %dma_wait3A_13 = tpu.memref_squeeze %dma_wait3A_12 : memref<1x128xi32, #tpu.memory_space<vmem>> -> memref<128xi32, #tpu.memory_space<vmem>>
    %dma_wait3A_14 = arith.constant 0 : i32
    %dma_wait3A_15 = arith.constant 0 : i32
    %dma_wait3A_16 = tpu.memref_slice %arg2[%dma_wait3A_14, %dma_wait3A_15] : memref<10240x128xf32, #tpu.memory_space<hbm>> -> memref<10240x128xf32, #tpu.memory_space<hbm>>
    tpu.wait_indirect_dma semaphore(%arg12 : memref<!tpu.dma_semaphore, #tpu.memory_space<semaphore_mem>>) src(%dma_wait3A_16 : memref<10240x128xf32, #tpu.memory_space<hbm>>) dst(%arg9 : memref<128x128xf32, #tpu.memory_space<vmem>>)
    %scan3A = arith.constant 0 : i32
    %scan3A_17 = arith.constant 0 : i32
    %scan3A_18 = arith.constant 19 : i32
    %scan3A_19 = arith.addi %scan3A_17, %scan3A_18 : i32
    %scan3A_20 = arith.constant 1 : i32
    scf.for %scan3A_78 = %scan3A_17 to %scan3A_19 step %scan3A_20  : i32 {
      %mul3A_79 = arith.constant 2 : i32
      %mul3A_80 = arith.muli %mul3A_79, %scan3A_78 : i32
      %add3A_81 = arith.constant 1 : i32
      %add3A_82 = arith.addi %mul3A_80, %add3A_81 : i32
      %dma_start3A_83 = arith.constant 0 : i32
      %dma_start3A_84 = tpu.memref_slice %arg7[%add3A_82, %dma_start3A_83] : memref<40x128xi32, #tpu.memory_space<vmem>> -> memref<1x128xi32, #tpu.memory_space<vmem>>
      %dma_start3A_85 = tpu.memref_squeeze %dma_start3A_84 : memref<1x128xi32, #tpu.memory_space<vmem>> -> memref<128xi32, #tpu.memory_space<vmem>>
      %dma_start3A_86 = arith.constant 0 : i32
      %dma_start3A_87 = arith.constant 0 : i32
      %dma_start3A_88 = tpu.memref_slice %arg2[%dma_start3A_86, %dma_start3A_87] : memref<10240x128xf32, #tpu.memory_space<hbm>> -> memref<10240x128xf32, #tpu.memory_space<hbm>>
      tpu.enqueue_indirect_dma source(%dma_start3A_88 : memref<10240x128xf32, #tpu.memory_space<hbm>>) target(%arg10 : memref<128x128xf32, #tpu.memory_space<vmem>>) offsets(%dma_start3A_85 : memref<128xi32, #tpu.memory_space<vmem>>) semaphore(%arg12 : memref<!tpu.dma_semaphore, #tpu.memory_space<semaphore_mem>>)
      "tpu.region"() ({
        %run_scoped3A_111 = tpu.sem_alloc : memref<!tpu.dma_semaphore, #tpu.memory_space<semaphore_mem>>
        %dma_start3A_112 = arith.constant 0 : i32
        %dma_start3A_113 = tpu.memref_slice %arg8[%mul3A_80, %dma_start3A_112] : memref<40x128xi32, #tpu.memory_space<vmem>> -> memref<1x128xi32, #tpu.memory_space<vmem>>
        %dma_start3A_114 = tpu.memref_squeeze %dma_start3A_113 : memref<1x128xi32, #tpu.memory_space<vmem>> -> memref<128xi32, #tpu.memory_space<vmem>>
        %dma_start3A_115 = arith.constant 0 : i32
        %dma_start3A_116 = arith.constant 0 : i32
        %dma_start3A_117 = tpu.memref_slice %arg11[%dma_start3A_115, %dma_start3A_116] : memref<10240x128xf32, #tpu.memory_space<vmem_shared>> -> memref<10240x128xf32, #tpu.memory_space<vmem_shared>>
        tpu.enqueue_indirect_dma source(%arg9 : memref<128x128xf32, #tpu.memory_space<vmem>>) target(%dma_start3A_117 : memref<10240x128xf32, #tpu.memory_space<vmem_shared>>) offsets(%dma_start3A_114 : memref<128xi32, #tpu.memory_space<vmem>>) semaphore(%run_scoped3A_111 : memref<!tpu.dma_semaphore, #tpu.memory_space<semaphore_mem>>) {add = true}
        %dma_wait3A_118 = arith.constant 0 : i32
        %dma_wait3A_119 = tpu.memref_slice %arg8[%mul3A_80, %dma_wait3A_118] : memref<40x128xi32, #tpu.memory_space<vmem>> -> memref<1x128xi32, #tpu.memory_space<vmem>>
        %dma_wait3A_120 = tpu.memref_squeeze %dma_wait3A_119 : memref<1x128xi32, #tpu.memory_space<vmem>> -> memref<128xi32, #tpu.memory_space<vmem>>
        %dma_wait3A_121 = arith.constant 0 : i32
        %dma_wait3A_122 = arith.constant 0 : i32
        %dma_wait3A_123 = tpu.memref_slice %arg11[%dma_wait3A_121, %dma_wait3A_122] : memref<10240x128xf32, #tpu.memory_space<vmem_shared>> -> memref<10240x128xf32, #tpu.memory_space<vmem_shared>>
        tpu.wait_indirect_dma semaphore(%run_scoped3A_111 : memref<!tpu.dma_semaphore, #tpu.memory_space<semaphore_mem>>) src(%arg9 : memref<128x128xf32, #tpu.memory_space<vmem>>) dst(%dma_wait3A_123 : memref<10240x128xf32, #tpu.memory_space<vmem_shared>>)
        tpu.yield
      }) : () -> ()
      %dma_wait3A_89 = arith.constant 0 : i32
      %dma_wait3A_90 = tpu.memref_slice %arg7[%add3A_82, %dma_wait3A_89] : memref<40x128xi32, #tpu.memory_space<vmem>> -> memref<1x128xi32, #tpu.memory_space<vmem>>
      %dma_wait3A_91 = tpu.memref_squeeze %dma_wait3A_90 : memref<1x128xi32, #tpu.memory_space<vmem>> -> memref<128xi32, #tpu.memory_space<vmem>>
      %dma_wait3A_92 = arith.constant 0 : i32
      %dma_wait3A_93 = arith.constant 0 : i32
      %dma_wait3A_94 = tpu.memref_slice %arg2[%dma_wait3A_92, %dma_wait3A_93] : memref<10240x128xf32, #tpu.memory_space<hbm>> -> memref<10240x128xf32, #tpu.memory_space<hbm>>
      tpu.wait_indirect_dma semaphore(%arg12 : memref<!tpu.dma_semaphore, #tpu.memory_space<semaphore_mem>>) src(%dma_wait3A_94 : memref<10240x128xf32, #tpu.memory_space<hbm>>) dst(%arg10 : memref<128x128xf32, #tpu.memory_space<vmem>>)
      %add3A_95 = arith.constant 2 : i32
      %add3A_96 = arith.addi %mul3A_80, %add3A_95 : i32
      %dma_start3A_97 = arith.constant 0 : i32
      %dma_start3A_98 = tpu.memref_slice %arg7[%add3A_96, %dma_start3A_97] : memref<40x128xi32, #tpu.memory_space<vmem>> -> memref<1x128xi32, #tpu.memory_space<vmem>>
      %dma_start3A_99 = tpu.memref_squeeze %dma_start3A_98 : memref<1x128xi32, #tpu.memory_space<vmem>> -> memref<128xi32, #tpu.memory_space<vmem>>
      %dma_start3A_100 = arith.constant 0 : i32
      %dma_start3A_101 = arith.constant 0 : i32
      %dma_start3A_102 = tpu.memref_slice %arg2[%dma_start3A_100, %dma_start3A_101] : memref<10240x128xf32, #tpu.memory_space<hbm>> -> memref<10240x128xf32, #tpu.memory_space<hbm>>
      tpu.enqueue_indirect_dma source(%dma_start3A_102 : memref<10240x128xf32, #tpu.memory_space<hbm>>) target(%arg9 : memref<128x128xf32, #tpu.memory_space<vmem>>) offsets(%dma_start3A_99 : memref<128xi32, #tpu.memory_space<vmem>>) semaphore(%arg12 : memref<!tpu.dma_semaphore, #tpu.memory_space<semaphore_mem>>)
      %add3A_103 = arith.constant 1 : i32
      %add3A_104 = arith.addi %mul3A_80, %add3A_103 : i32
      "tpu.region"() ({
        %run_scoped3A_111 = tpu.sem_alloc : memref<!tpu.dma_semaphore, #tpu.memory_space<semaphore_mem>>
        %dma_start3A_112 = arith.constant 0 : i32
        %dma_start3A_113 = tpu.memref_slice %arg8[%add3A_104, %dma_start3A_112] : memref<40x128xi32, #tpu.memory_space<vmem>> -> memref<1x128xi32, #tpu.memory_space<vmem>>
        %dma_start3A_114 = tpu.memref_squeeze %dma_start3A_113 : memref<1x128xi32, #tpu.memory_space<vmem>> -> memref<128xi32, #tpu.memory_space<vmem>>
        %dma_start3A_115 = arith.constant 0 : i32
        %dma_start3A_116 = arith.constant 0 : i32
        %dma_start3A_117 = tpu.memref_slice %arg11[%dma_start3A_115, %dma_start3A_116] : memref<10240x128xf32, #tpu.memory_space<vmem_shared>> -> memref<10240x128xf32, #tpu.memory_space<vmem_shared>>
        tpu.enqueue_indirect_dma source(%arg10 : memref<128x128xf32, #tpu.memory_space<vmem>>) target(%dma_start3A_117 : memref<10240x128xf32, #tpu.memory_space<vmem_shared>>) offsets(%dma_start3A_114 : memref<128xi32, #tpu.memory_space<vmem>>) semaphore(%run_scoped3A_111 : memref<!tpu.dma_semaphore, #tpu.memory_space<semaphore_mem>>) {add = true}
        %dma_wait3A_118 = arith.constant 0 : i32
        %dma_wait3A_119 = tpu.memref_slice %arg8[%add3A_104, %dma_wait3A_118] : memref<40x128xi32, #tpu.memory_space<vmem>> -> memref<1x128xi32, #tpu.memory_space<vmem>>
        %dma_wait3A_120 = tpu.memref_squeeze %dma_wait3A_119 : memref<1x128xi32, #tpu.memory_space<vmem>> -> memref<128xi32, #tpu.memory_space<vmem>>
        %dma_wait3A_121 = arith.constant 0 : i32
        %dma_wait3A_122 = arith.constant 0 : i32
        %dma_wait3A_123 = tpu.memref_slice %arg11[%dma_wait3A_121, %dma_wait3A_122] : memref<10240x128xf32, #tpu.memory_space<vmem_shared>> -> memref<10240x128xf32, #tpu.memory_space<vmem_shared>>
        tpu.wait_indirect_dma semaphore(%run_scoped3A_111 : memref<!tpu.dma_semaphore, #tpu.memory_space<semaphore_mem>>) src(%arg10 : memref<128x128xf32, #tpu.memory_space<vmem>>) dst(%dma_wait3A_123 : memref<10240x128xf32, #tpu.memory_space<vmem_shared>>)
        tpu.yield
      }) : () -> ()
      %dma_wait3A_105 = arith.constant 0 : i32
      %dma_wait3A_106 = tpu.memref_slice %arg7[%add3A_96, %dma_wait3A_105] : memref<40x128xi32, #tpu.memory_space<vmem>> -> memref<1x128xi32, #tpu.memory_space<vmem>>
      %dma_wait3A_107 = tpu.memref_squeeze %dma_wait3A_106 : memref<1x128xi32, #tpu.memory_space<vmem>> -> memref<128xi32, #tpu.memory_space<vmem>>
      %dma_wait3A_108 = arith.constant 0 : i32
      %dma_wait3A_109 = arith.constant 0 : i32
      %dma_wait3A_110 = tpu.memref_slice %arg2[%dma_wait3A_108, %dma_wait3A_109] : memref<10240x128xf32, #tpu.memory_space<hbm>> -> memref<10240x128xf32, #tpu.memory_space<hbm>>
      tpu.wait_indirect_dma semaphore(%arg12 : memref<!tpu.dma_semaphore, #tpu.memory_space<semaphore_mem>>) src(%dma_wait3A_110 : memref<10240x128xf32, #tpu.memory_space<hbm>>) dst(%arg9 : memref<128x128xf32, #tpu.memory_space<vmem>>)
    }
    %scan3A_21 = arith.constant 19 : i32
    %dma_start3A_22 = arith.constant 39 : i32
    %dma_start3A_23 = arith.constant 0 : i32
    %dma_start3A_24 = tpu.memref_slice %arg7[%dma_start3A_22, %dma_start3A_23] : memref<40x128xi32, #tpu.memory_space<vmem>> -> memref<1x128xi32, #tpu.memory_space<vmem>>
    %dma_start3A_25 = tpu.memref_squeeze %dma_start3A_24 : memref<1x128xi32, #tpu.memory_space<vmem>> -> memref<128xi32, #tpu.memory_space<vmem>>
    %dma_start3A_26 = arith.constant 0 : i32
    %dma_start3A_27 = arith.constant 0 : i32
    %dma_start3A_28 = tpu.memref_slice %arg2[%dma_start3A_26, %dma_start3A_27] : memref<10240x128xf32, #tpu.memory_space<hbm>> -> memref<10240x128xf32, #tpu.memory_space<hbm>>
    tpu.enqueue_indirect_dma source(%dma_start3A_28 : memref<10240x128xf32, #tpu.memory_space<hbm>>) target(%arg10 : memref<128x128xf32, #tpu.memory_space<vmem>>) offsets(%dma_start3A_25 : memref<128xi32, #tpu.memory_space<vmem>>) semaphore(%arg12 : memref<!tpu.dma_semaphore, #tpu.memory_space<semaphore_mem>>)
    %run_scoped3A = arith.constant 38 : i32
    "tpu.region"() ({
      %run_scoped3A_78 = tpu.sem_alloc : memref<!tpu.dma_semaphore, #tpu.memory_space<semaphore_mem>>
      %dma_start3A_79 = arith.constant 0 : i32
      %dma_start3A_80 = tpu.memref_slice %arg8[%run_scoped3A, %dma_start3A_79] : memref<40x128xi32, #tpu.memory_space<vmem>> -> memref<1x128xi32, #tpu.memory_space<vmem>>
      %dma_start3A_81 = tpu.memref_squeeze %dma_start3A_80 : memref<1x128xi32, #tpu.memory_space<vmem>> -> memref<128xi32, #tpu.memory_space<vmem>>
      %dma_start3A_82 = arith.constant 0 : i32
      %dma_start3A_83 = arith.constant 0 : i32
      %dma_start3A_84 = tpu.memref_slice %arg11[%dma_start3A_82, %dma_start3A_83] : memref<10240x128xf32, #tpu.memory_space<vmem_shared>> -> memref<10240x128xf32, #tpu.memory_space<vmem_shared>>
      tpu.enqueue_indirect_dma source(%arg9 : memref<128x128xf32, #tpu.memory_space<vmem>>) target(%dma_start3A_84 : memref<10240x128xf32, #tpu.memory_space<vmem_shared>>) offsets(%dma_start3A_81 : memref<128xi32, #tpu.memory_space<vmem>>) semaphore(%run_scoped3A_78 : memref<!tpu.dma_semaphore, #tpu.memory_space<semaphore_mem>>) {add = true}
      %dma_wait3A_85 = arith.constant 0 : i32
      %dma_wait3A_86 = tpu.memref_slice %arg8[%run_scoped3A, %dma_wait3A_85] : memref<40x128xi32, #tpu.memory_space<vmem>> -> memref<1x128xi32, #tpu.memory_space<vmem>>
      %dma_wait3A_87 = tpu.memref_squeeze %dma_wait3A_86 : memref<1x128xi32, #tpu.memory_space<vmem>> -> memref<128xi32, #tpu.memory_space<vmem>>
      %dma_wait3A_88 = arith.constant 0 : i32
      %dma_wait3A_89 = arith.constant 0 : i32
      %dma_wait3A_90 = tpu.memref_slice %arg11[%dma_wait3A_88, %dma_wait3A_89] : memref<10240x128xf32, #tpu.memory_space<vmem_shared>> -> memref<10240x128xf32, #tpu.memory_space<vmem_shared>>
      tpu.wait_indirect_dma semaphore(%run_scoped3A_78 : memref<!tpu.dma_semaphore, #tpu.memory_space<semaphore_mem>>) src(%arg9 : memref<128x128xf32, #tpu.memory_space<vmem>>) dst(%dma_wait3A_90 : memref<10240x128xf32, #tpu.memory_space<vmem_shared>>)
      tpu.yield
    }) : () -> ()
    %dma_wait3A_29 = arith.constant 39 : i32
    %dma_wait3A_30 = arith.constant 0 : i32
    %dma_wait3A_31 = tpu.memref_slice %arg7[%dma_wait3A_29, %dma_wait3A_30] : memref<40x128xi32, #tpu.memory_space<vmem>> -> memref<1x128xi32, #tpu.memory_space<vmem>>
    %dma_wait3A_32 = tpu.memref_squeeze %dma_wait3A_31 : memref<1x128xi32, #tpu.memory_space<vmem>> -> memref<128xi32, #tpu.memory_space<vmem>>
    %dma_wait3A_33 = arith.constant 0 : i32
    %dma_wait3A_34 = arith.constant 0 : i32
    %dma_wait3A_35 = tpu.memref_slice %arg2[%dma_wait3A_33, %dma_wait3A_34] : memref<10240x128xf32, #tpu.memory_space<hbm>> -> memref<10240x128xf32, #tpu.memory_space<hbm>>
    tpu.wait_indirect_dma semaphore(%arg12 : memref<!tpu.dma_semaphore, #tpu.memory_space<semaphore_mem>>) src(%dma_wait3A_35 : memref<10240x128xf32, #tpu.memory_space<hbm>>) dst(%arg10 : memref<128x128xf32, #tpu.memory_space<vmem>>)
    %run_scoped3A_36 = arith.constant 39 : i32
    "tpu.region"() ({
      %run_scoped3A_78 = tpu.sem_alloc : memref<!tpu.dma_semaphore, #tpu.memory_space<semaphore_mem>>
      %dma_start3A_79 = arith.constant 0 : i32
      %dma_start3A_80 = tpu.memref_slice %arg8[%run_scoped3A_36, %dma_start3A_79] : memref<40x128xi32, #tpu.memory_space<vmem>> -> memref<1x128xi32, #tpu.memory_space<vmem>>
      %dma_start3A_81 = tpu.memref_squeeze %dma_start3A_80 : memref<1x128xi32, #tpu.memory_space<vmem>> -> memref<128xi32, #tpu.memory_space<vmem>>
      %dma_start3A_82 = arith.constant 0 : i32
      %dma_start3A_83 = arith.constant 0 : i32
      %dma_start3A_84 = tpu.memref_slice %arg11[%dma_start3A_82, %dma_start3A_83] : memref<10240x128xf32, #tpu.memory_space<vmem_shared>> -> memref<10240x128xf32, #tpu.memory_space<vmem_shared>>
      tpu.enqueue_indirect_dma source(%arg10 : memref<128x128xf32, #tpu.memory_space<vmem>>) target(%dma_start3A_84 : memref<10240x128xf32, #tpu.memory_space<vmem_shared>>) offsets(%dma_start3A_81 : memref<128xi32, #tpu.memory_space<vmem>>) semaphore(%run_scoped3A_78 : memref<!tpu.dma_semaphore, #tpu.memory_space<semaphore_mem>>) {add = true}
      %dma_wait3A_85 = arith.constant 0 : i32
      %dma_wait3A_86 = tpu.memref_slice %arg8[%run_scoped3A_36, %dma_wait3A_85] : memref<40x128xi32, #tpu.memory_space<vmem>> -> memref<1x128xi32, #tpu.memory_space<vmem>>
      %dma_wait3A_87 = tpu.memref_squeeze %dma_wait3A_86 : memref<1x128xi32, #tpu.memory_space<vmem>> -> memref<128xi32, #tpu.memory_space<vmem>>
      %dma_wait3A_88 = arith.constant 0 : i32
      %dma_wait3A_89 = arith.constant 0 : i32
      %dma_wait3A_90 = tpu.memref_slice %arg11[%dma_wait3A_88, %dma_wait3A_89] : memref<10240x128xf32, #tpu.memory_space<vmem_shared>> -> memref<10240x128xf32, #tpu.memory_space<vmem_shared>>
      tpu.wait_indirect_dma semaphore(%run_scoped3A_78 : memref<!tpu.dma_semaphore, #tpu.memory_space<semaphore_mem>>) src(%arg10 : memref<128x128xf32, #tpu.memory_space<vmem>>) dst(%dma_wait3A_90 : memref<10240x128xf32, #tpu.memory_space<vmem_shared>>)
      tpu.yield
    }) : () -> ()
    "tpu.region"() ({
      %run_scoped3A_78 = tpu.sem_alloc : memref<!tpu.dma_semaphore, #tpu.memory_space<semaphore_mem>>
      %dma_start3A_79 = arith.constant 40 : i32
      %dma_start3A_80 = arith.constant 0 : i32
      %dma_start3A_81 = tpu.memref_slice %arg3[%add3A, %dma_start3A_79, %dma_start3A_80] : memref<32x80x128xi32, #tpu.memory_space<hbm>> -> memref<1x40x128xi32, #tpu.memory_space<hbm>>
      %dma_start3A_82 = tpu.memref_squeeze %dma_start3A_81 : memref<1x40x128xi32, #tpu.memory_space<hbm>> -> memref<40x128xi32, #tpu.memory_space<hbm>>
      %dma_start3A_83 = arith.constant 40 : i32
      %dma_start3A_84 = arith.constant 0 : i32
      %dma_start3A_85 = tpu.memref_slice %arg3[%add3A, %dma_start3A_83, %dma_start3A_84] : memref<32x80x128xi32, #tpu.memory_space<hbm>> -> memref<1x40x128xi32, #tpu.memory_space<hbm>>
      %dma_start3A_86 = tpu.memref_squeeze %dma_start3A_85 : memref<1x40x128xi32, #tpu.memory_space<hbm>> -> memref<40x128xi32, #tpu.memory_space<hbm>>
      tpu.enqueue_dma source(%dma_start3A_86 : memref<40x128xi32, #tpu.memory_space<hbm>>) target(%arg7 : memref<40x128xi32, #tpu.memory_space<vmem>>) target_semaphore(%run_scoped3A_78 : memref<!tpu.dma_semaphore, #tpu.memory_space<semaphore_mem>>)
      %dma_wait3A_87 = arith.constant 40 : i32
      %dma_wait3A_88 = arith.constant 0 : i32
      %dma_wait3A_89 = tpu.memref_slice %arg3[%add3A, %dma_wait3A_87, %dma_wait3A_88] : memref<32x80x128xi32, #tpu.memory_space<hbm>> -> memref<1x40x128xi32, #tpu.memory_space<hbm>>
      %dma_wait3A_90 = tpu.memref_squeeze %dma_wait3A_89 : memref<1x40x128xi32, #tpu.memory_space<hbm>> -> memref<40x128xi32, #tpu.memory_space<hbm>>
      %dma_wait3A_91 = arith.constant 40 : i32
      %dma_wait3A_92 = arith.constant 0 : i32
      %dma_wait3A_93 = tpu.memref_slice %arg3[%add3A, %dma_wait3A_91, %dma_wait3A_92] : memref<32x80x128xi32, #tpu.memory_space<hbm>> -> memref<1x40x128xi32, #tpu.memory_space<hbm>>
      %dma_wait3A_94 = tpu.memref_squeeze %dma_wait3A_93 : memref<1x40x128xi32, #tpu.memory_space<hbm>> -> memref<40x128xi32, #tpu.memory_space<hbm>>
      tpu.wait_dma2 semaphore(%run_scoped3A_78 : memref<!tpu.dma_semaphore, #tpu.memory_space<semaphore_mem>>) src(%dma_wait3A_94 : memref<40x128xi32, #tpu.memory_space<hbm>>) dst(%arg7 : memref<40x128xi32, #tpu.memory_space<vmem>>)
      tpu.yield
    }) : () -> ()
    "tpu.region"() ({
      %run_scoped3A_78 = tpu.sem_alloc : memref<!tpu.dma_semaphore, #tpu.memory_space<semaphore_mem>>
      %dma_start3A_79 = arith.constant 40 : i32
      %dma_start3A_80 = arith.constant 0 : i32
      %dma_start3A_81 = tpu.memref_slice %arg4[%add3A, %dma_start3A_79, %dma_start3A_80] : memref<32x80x128xi32, #tpu.memory_space<hbm>> -> memref<1x40x128xi32, #tpu.memory_space<hbm>>
      %dma_start3A_82 = tpu.memref_squeeze %dma_start3A_81 : memref<1x40x128xi32, #tpu.memory_space<hbm>> -> memref<40x128xi32, #tpu.memory_space<hbm>>
      %dma_start3A_83 = arith.constant 40 : i32
      %dma_start3A_84 = arith.constant 0 : i32
      %dma_start3A_85 = tpu.memref_slice %arg4[%add3A, %dma_start3A_83, %dma_start3A_84] : memref<32x80x128xi32, #tpu.memory_space<hbm>> -> memref<1x40x128xi32, #tpu.memory_space<hbm>>
      %dma_start3A_86 = tpu.memref_squeeze %dma_start3A_85 : memref<1x40x128xi32, #tpu.memory_space<hbm>> -> memref<40x128xi32, #tpu.memory_space<hbm>>
      tpu.enqueue_dma source(%dma_start3A_86 : memref<40x128xi32, #tpu.memory_space<hbm>>) target(%arg8 : memref<40x128xi32, #tpu.memory_space<vmem>>) target_semaphore(%run_scoped3A_78 : memref<!tpu.dma_semaphore, #tpu.memory_space<semaphore_mem>>)
      %dma_wait3A_87 = arith.constant 40 : i32
      %dma_wait3A_88 = arith.constant 0 : i32
      %dma_wait3A_89 = tpu.memref_slice %arg4[%add3A, %dma_wait3A_87, %dma_wait3A_88] : memref<32x80x128xi32, #tpu.memory_space<hbm>> -> memref<1x40x128xi32, #tpu.memory_space<hbm>>
      %dma_wait3A_90 = tpu.memref_squeeze %dma_wait3A_89 : memref<1x40x128xi32, #tpu.memory_space<hbm>> -> memref<40x128xi32, #tpu.memory_space<hbm>>
      %dma_wait3A_91 = arith.constant 40 : i32
      %dma_wait3A_92 = arith.constant 0 : i32
      %dma_wait3A_93 = tpu.memref_slice %arg4[%add3A, %dma_wait3A_91, %dma_wait3A_92] : memref<32x80x128xi32, #tpu.memory_space<hbm>> -> memref<1x40x128xi32, #tpu.memory_space<hbm>>
      %dma_wait3A_94 = tpu.memref_squeeze %dma_wait3A_93 : memref<1x40x128xi32, #tpu.memory_space<hbm>> -> memref<40x128xi32, #tpu.memory_space<hbm>>
      tpu.wait_dma2 semaphore(%run_scoped3A_78 : memref<!tpu.dma_semaphore, #tpu.memory_space<semaphore_mem>>) src(%dma_wait3A_94 : memref<40x128xi32, #tpu.memory_space<hbm>>) dst(%arg8 : memref<40x128xi32, #tpu.memory_space<vmem>>)
      tpu.yield
    }) : () -> ()
    %dma_start3A_37 = arith.constant 0 : i32
    %dma_start3A_38 = arith.constant 0 : i32
    %dma_start3A_39 = tpu.memref_slice %arg7[%dma_start3A_37, %dma_start3A_38] : memref<40x128xi32, #tpu.memory_space<vmem>> -> memref<1x128xi32, #tpu.memory_space<vmem>>
    %dma_start3A_40 = tpu.memref_squeeze %dma_start3A_39 : memref<1x128xi32, #tpu.memory_space<vmem>> -> memref<128xi32, #tpu.memory_space<vmem>>
    %dma_start3A_41 = arith.constant 0 : i32
    %dma_start3A_42 = arith.constant 0 : i32
    %dma_start3A_43 = tpu.memref_slice %arg2[%dma_start3A_41, %dma_start3A_42] : memref<10240x128xf32, #tpu.memory_space<hbm>> -> memref<10240x128xf32, #tpu.memory_space<hbm>>
    tpu.enqueue_indirect_dma source(%dma_start3A_43 : memref<10240x128xf32, #tpu.memory_space<hbm>>) target(%arg9 : memref<128x128xf32, #tpu.memory_space<vmem>>) offsets(%dma_start3A_40 : memref<128xi32, #tpu.memory_space<vmem>>) semaphore(%arg12 : memref<!tpu.dma_semaphore, #tpu.memory_space<semaphore_mem>>)
    %dma_wait3A_44 = arith.constant 0 : i32
    %dma_wait3A_45 = arith.constant 0 : i32
    %dma_wait3A_46 = tpu.memref_slice %arg7[%dma_wait3A_44, %dma_wait3A_45] : memref<40x128xi32, #tpu.memory_space<vmem>> -> memref<1x128xi32, #tpu.memory_space<vmem>>
    %dma_wait3A_47 = tpu.memref_squeeze %dma_wait3A_46 : memref<1x128xi32, #tpu.memory_space<vmem>> -> memref<128xi32, #tpu.memory_space<vmem>>
    %dma_wait3A_48 = arith.constant 0 : i32
    %dma_wait3A_49 = arith.constant 0 : i32
    %dma_wait3A_50 = tpu.memref_slice %arg2[%dma_wait3A_48, %dma_wait3A_49] : memref<10240x128xf32, #tpu.memory_space<hbm>> -> memref<10240x128xf32, #tpu.memory_space<hbm>>
    tpu.wait_indirect_dma semaphore(%arg12 : memref<!tpu.dma_semaphore, #tpu.memory_space<semaphore_mem>>) src(%dma_wait3A_50 : memref<10240x128xf32, #tpu.memory_space<hbm>>) dst(%arg9 : memref<128x128xf32, #tpu.memory_space<vmem>>)
    %scan3A_51 = arith.constant 0 : i32
    %scan3A_52 = arith.constant 0 : i32
    %scan3A_53 = arith.constant 19 : i32
    %scan3A_54 = arith.addi %scan3A_52, %scan3A_53 : i32
    %scan3A_55 = arith.constant 1 : i32
    scf.for %scan3A_78 = %scan3A_52 to %scan3A_54 step %scan3A_55  : i32 {
      %mul3A_79 = arith.constant 2 : i32
      %mul3A_80 = arith.muli %mul3A_79, %scan3A_78 : i32
      %add3A_81 = arith.constant 1 : i32
      %add3A_82 = arith.addi %mul3A_80, %add3A_81 : i32
      %dma_start3A_83 = arith.constant 0 : i32
      %dma_start3A_84 = tpu.memref_slice %arg7[%add3A_82, %dma_start3A_83] : memref<40x128xi32, #tpu.memory_space<vmem>> -> memref<1x128xi32, #tpu.memory_space<vmem>>
      %dma_start3A_85 = tpu.memref_squeeze %dma_start3A_84 : memref<1x128xi32, #tpu.memory_space<vmem>> -> memref<128xi32, #tpu.memory_space<vmem>>
      %dma_start3A_86 = arith.constant 0 : i32
      %dma_start3A_87 = arith.constant 0 : i32
      %dma_start3A_88 = tpu.memref_slice %arg2[%dma_start3A_86, %dma_start3A_87] : memref<10240x128xf32, #tpu.memory_space<hbm>> -> memref<10240x128xf32, #tpu.memory_space<hbm>>
      tpu.enqueue_indirect_dma source(%dma_start3A_88 : memref<10240x128xf32, #tpu.memory_space<hbm>>) target(%arg10 : memref<128x128xf32, #tpu.memory_space<vmem>>) offsets(%dma_start3A_85 : memref<128xi32, #tpu.memory_space<vmem>>) semaphore(%arg12 : memref<!tpu.dma_semaphore, #tpu.memory_space<semaphore_mem>>)
      "tpu.region"() ({
        %run_scoped3A_111 = tpu.sem_alloc : memref<!tpu.dma_semaphore, #tpu.memory_space<semaphore_mem>>
        %dma_start3A_112 = arith.constant 0 : i32
        %dma_start3A_113 = tpu.memref_slice %arg8[%mul3A_80, %dma_start3A_112] : memref<40x128xi32, #tpu.memory_space<vmem>> -> memref<1x128xi32, #tpu.memory_space<vmem>>
        %dma_start3A_114 = tpu.memref_squeeze %dma_start3A_113 : memref<1x128xi32, #tpu.memory_space<vmem>> -> memref<128xi32, #tpu.memory_space<vmem>>
        %dma_start3A_115 = arith.constant 0 : i32
        %dma_start3A_116 = arith.constant 0 : i32
        %dma_start3A_117 = tpu.memref_slice %arg11[%dma_start3A_115, %dma_start3A_116] : memref<10240x128xf32, #tpu.memory_space<vmem_shared>> -> memref<10240x128xf32, #tpu.memory_space<vmem_shared>>
        tpu.enqueue_indirect_dma source(%arg9 : memref<128x128xf32, #tpu.memory_space<vmem>>) target(%dma_start3A_117 : memref<10240x128xf32, #tpu.memory_space<vmem_shared>>) offsets(%dma_start3A_114 : memref<128xi32, #tpu.memory_space<vmem>>) semaphore(%run_scoped3A_111 : memref<!tpu.dma_semaphore, #tpu.memory_space<semaphore_mem>>) {add = true}
        %dma_wait3A_118 = arith.constant 0 : i32
        %dma_wait3A_119 = tpu.memref_slice %arg8[%mul3A_80, %dma_wait3A_118] : memref<40x128xi32, #tpu.memory_space<vmem>> -> memref<1x128xi32, #tpu.memory_space<vmem>>
        %dma_wait3A_120 = tpu.memref_squeeze %dma_wait3A_119 : memref<1x128xi32, #tpu.memory_space<vmem>> -> memref<128xi32, #tpu.memory_space<vmem>>
        %dma_wait3A_121 = arith.constant 0 : i32
        %dma_wait3A_122 = arith.constant 0 : i32
        %dma_wait3A_123 = tpu.memref_slice %arg11[%dma_wait3A_121, %dma_wait3A_122] : memref<10240x128xf32, #tpu.memory_space<vmem_shared>> -> memref<10240x128xf32, #tpu.memory_space<vmem_shared>>
        tpu.wait_indirect_dma semaphore(%run_scoped3A_111 : memref<!tpu.dma_semaphore, #tpu.memory_space<semaphore_mem>>) src(%arg9 : memref<128x128xf32, #tpu.memory_space<vmem>>) dst(%dma_wait3A_123 : memref<10240x128xf32, #tpu.memory_space<vmem_shared>>)
        tpu.yield
      }) : () -> ()
      %dma_wait3A_89 = arith.constant 0 : i32
      %dma_wait3A_90 = tpu.memref_slice %arg7[%add3A_82, %dma_wait3A_89] : memref<40x128xi32, #tpu.memory_space<vmem>> -> memref<1x128xi32, #tpu.memory_space<vmem>>
      %dma_wait3A_91 = tpu.memref_squeeze %dma_wait3A_90 : memref<1x128xi32, #tpu.memory_space<vmem>> -> memref<128xi32, #tpu.memory_space<vmem>>
      %dma_wait3A_92 = arith.constant 0 : i32
      %dma_wait3A_93 = arith.constant 0 : i32
      %dma_wait3A_94 = tpu.memref_slice %arg2[%dma_wait3A_92, %dma_wait3A_93] : memref<10240x128xf32, #tpu.memory_space<hbm>> -> memref<10240x128xf32, #tpu.memory_space<hbm>>
      tpu.wait_indirect_dma semaphore(%arg12 : memref<!tpu.dma_semaphore, #tpu.memory_space<semaphore_mem>>) src(%dma_wait3A_94 : memref<10240x128xf32, #tpu.memory_space<hbm>>) dst(%arg10 : memref<128x128xf32, #tpu.memory_space<vmem>>)
      %add3A_95 = arith.constant 2 : i32
      %add3A_96 = arith.addi %mul3A_80, %add3A_95 : i32
      %dma_start3A_97 = arith.constant 0 : i32
      %dma_start3A_98 = tpu.memref_slice %arg7[%add3A_96, %dma_start3A_97] : memref<40x128xi32, #tpu.memory_space<vmem>> -> memref<1x128xi32, #tpu.memory_space<vmem>>
      %dma_start3A_99 = tpu.memref_squeeze %dma_start3A_98 : memref<1x128xi32, #tpu.memory_space<vmem>> -> memref<128xi32, #tpu.memory_space<vmem>>
      %dma_start3A_100 = arith.constant 0 : i32
      %dma_start3A_101 = arith.constant 0 : i32
      %dma_start3A_102 = tpu.memref_slice %arg2[%dma_start3A_100, %dma_start3A_101] : memref<10240x128xf32, #tpu.memory_space<hbm>> -> memref<10240x128xf32, #tpu.memory_space<hbm>>
      tpu.enqueue_indirect_dma source(%dma_start3A_102 : memref<10240x128xf32, #tpu.memory_space<hbm>>) target(%arg9 : memref<128x128xf32, #tpu.memory_space<vmem>>) offsets(%dma_start3A_99 : memref<128xi32, #tpu.memory_space<vmem>>) semaphore(%arg12 : memref<!tpu.dma_semaphore, #tpu.memory_space<semaphore_mem>>)
      %add3A_103 = arith.constant 1 : i32
      %add3A_104 = arith.addi %mul3A_80, %add3A_103 : i32
      "tpu.region"() ({
        %run_scoped3A_111 = tpu.sem_alloc : memref<!tpu.dma_semaphore, #tpu.memory_space<semaphore_mem>>
        %dma_start3A_112 = arith.constant 0 : i32
        %dma_start3A_113 = tpu.memref_slice %arg8[%add3A_104, %dma_start3A_112] : memref<40x128xi32, #tpu.memory_space<vmem>> -> memref<1x128xi32, #tpu.memory_space<vmem>>
        %dma_start3A_114 = tpu.memref_squeeze %dma_start3A_113 : memref<1x128xi32, #tpu.memory_space<vmem>> -> memref<128xi32, #tpu.memory_space<vmem>>
        %dma_start3A_115 = arith.constant 0 : i32
        %dma_start3A_116 = arith.constant 0 : i32
        %dma_start3A_117 = tpu.memref_slice %arg11[%dma_start3A_115, %dma_start3A_116] : memref<10240x128xf32, #tpu.memory_space<vmem_shared>> -> memref<10240x128xf32, #tpu.memory_space<vmem_shared>>
        tpu.enqueue_indirect_dma source(%arg10 : memref<128x128xf32, #tpu.memory_space<vmem>>) target(%dma_start3A_117 : memref<10240x128xf32, #tpu.memory_space<vmem_shared>>) offsets(%dma_start3A_114 : memref<128xi32, #tpu.memory_space<vmem>>) semaphore(%run_scoped3A_111 : memref<!tpu.dma_semaphore, #tpu.memory_space<semaphore_mem>>) {add = true}
        %dma_wait3A_118 = arith.constant 0 : i32
        %dma_wait3A_119 = tpu.memref_slice %arg8[%add3A_104, %dma_wait3A_118] : memref<40x128xi32, #tpu.memory_space<vmem>> -> memref<1x128xi32, #tpu.memory_space<vmem>>
        %dma_wait3A_120 = tpu.memref_squeeze %dma_wait3A_119 : memref<1x128xi32, #tpu.memory_space<vmem>> -> memref<128xi32, #tpu.memory_space<vmem>>
        %dma_wait3A_121 = arith.constant 0 : i32
        %dma_wait3A_122 = arith.constant 0 : i32
        %dma_wait3A_123 = tpu.memref_slice %arg11[%dma_wait3A_121, %dma_wait3A_122] : memref<10240x128xf32, #tpu.memory_space<vmem_shared>> -> memref<10240x128xf32, #tpu.memory_space<vmem_shared>>
        tpu.wait_indirect_dma semaphore(%run_scoped3A_111 : memref<!tpu.dma_semaphore, #tpu.memory_space<semaphore_mem>>) src(%arg10 : memref<128x128xf32, #tpu.memory_space<vmem>>) dst(%dma_wait3A_123 : memref<10240x128xf32, #tpu.memory_space<vmem_shared>>)
        tpu.yield
      }) : () -> ()
      %dma_wait3A_105 = arith.constant 0 : i32
      %dma_wait3A_106 = tpu.memref_slice %arg7[%add3A_96, %dma_wait3A_105] : memref<40x128xi32, #tpu.memory_space<vmem>> -> memref<1x128xi32, #tpu.memory_space<vmem>>
      %dma_wait3A_107 = tpu.memref_squeeze %dma_wait3A_106 : memref<1x128xi32, #tpu.memory_space<vmem>> -> memref<128xi32, #tpu.memory_space<vmem>>
      %dma_wait3A_108 = arith.constant 0 : i32
      %dma_wait3A_109 = arith.constant 0 : i32
      %dma_wait3A_110 = tpu.memref_slice %arg2[%dma_wait3A_108, %dma_wait3A_109] : memref<10240x128xf32, #tpu.memory_space<hbm>> -> memref<10240x128xf32, #tpu.memory_space<hbm>>
      tpu.wait_indirect_dma semaphore(%arg12 : memref<!tpu.dma_semaphore, #tpu.memory_space<semaphore_mem>>) src(%dma_wait3A_110 : memref<10240x128xf32, #tpu.memory_space<hbm>>) dst(%arg9 : memref<128x128xf32, #tpu.memory_space<vmem>>)
    }
    %scan3A_56 = arith.constant 19 : i32
    %dma_start3A_57 = arith.constant 39 : i32
    %dma_start3A_58 = arith.constant 0 : i32
    %dma_start3A_59 = tpu.memref_slice %arg7[%dma_start3A_57, %dma_start3A_58] : memref<40x128xi32, #tpu.memory_space<vmem>> -> memref<1x128xi32, #tpu.memory_space<vmem>>
    %dma_start3A_60 = tpu.memref_squeeze %dma_start3A_59 : memref<1x128xi32, #tpu.memory_space<vmem>> -> memref<128xi32, #tpu.memory_space<vmem>>
    %dma_start3A_61 = arith.constant 0 : i32
    %dma_start3A_62 = arith.constant 0 : i32
    %dma_start3A_63 = tpu.memref_slice %arg2[%dma_start3A_61, %dma_start3A_62] : memref<10240x128xf32, #tpu.memory_space<hbm>> -> memref<10240x128xf32, #tpu.memory_space<hbm>>
    tpu.enqueue_indirect_dma source(%dma_start3A_63 : memref<10240x128xf32, #tpu.memory_space<hbm>>) target(%arg10 : memref<128x128xf32, #tpu.memory_space<vmem>>) offsets(%dma_start3A_60 : memref<128xi32, #tpu.memory_space<vmem>>) semaphore(%arg12 : memref<!tpu.dma_semaphore, #tpu.memory_space<semaphore_mem>>)
    %run_scoped3A_64 = arith.constant 38 : i32
    "tpu.region"() ({
      %run_scoped3A_78 = tpu.sem_alloc : memref<!tpu.dma_semaphore, #tpu.memory_space<semaphore_mem>>
      %dma_start3A_79 = arith.constant 0 : i32
      %dma_start3A_80 = tpu.memref_slice %arg8[%run_scoped3A_64, %dma_start3A_79] : memref<40x128xi32, #tpu.memory_space<vmem>> -> memref<1x128xi32, #tpu.memory_space<vmem>>
      %dma_start3A_81 = tpu.memref_squeeze %dma_start3A_80 : memref<1x128xi32, #tpu.memory_space<vmem>> -> memref<128xi32, #tpu.memory_space<vmem>>
      %dma_start3A_82 = arith.constant 0 : i32
      %dma_start3A_83 = arith.constant 0 : i32
      %dma_start3A_84 = tpu.memref_slice %arg11[%dma_start3A_82, %dma_start3A_83] : memref<10240x128xf32, #tpu.memory_space<vmem_shared>> -> memref<10240x128xf32, #tpu.memory_space<vmem_shared>>
      tpu.enqueue_indirect_dma source(%arg9 : memref<128x128xf32, #tpu.memory_space<vmem>>) target(%dma_start3A_84 : memref<10240x128xf32, #tpu.memory_space<vmem_shared>>) offsets(%dma_start3A_81 : memref<128xi32, #tpu.memory_space<vmem>>) semaphore(%run_scoped3A_78 : memref<!tpu.dma_semaphore, #tpu.memory_space<semaphore_mem>>) {add = true}
      %dma_wait3A_85 = arith.constant 0 : i32
      %dma_wait3A_86 = tpu.memref_slice %arg8[%run_scoped3A_64, %dma_wait3A_85] : memref<40x128xi32, #tpu.memory_space<vmem>> -> memref<1x128xi32, #tpu.memory_space<vmem>>
      %dma_wait3A_87 = tpu.memref_squeeze %dma_wait3A_86 : memref<1x128xi32, #tpu.memory_space<vmem>> -> memref<128xi32, #tpu.memory_space<vmem>>
      %dma_wait3A_88 = arith.constant 0 : i32
      %dma_wait3A_89 = arith.constant 0 : i32
      %dma_wait3A_90 = tpu.memref_slice %arg11[%dma_wait3A_88, %dma_wait3A_89] : memref<10240x128xf32, #tpu.memory_space<vmem_shared>> -> memref<10240x128xf32, #tpu.memory_space<vmem_shared>>
      tpu.wait_indirect_dma semaphore(%run_scoped3A_78 : memref<!tpu.dma_semaphore, #tpu.memory_space<semaphore_mem>>) src(%arg9 : memref<128x128xf32, #tpu.memory_space<vmem>>) dst(%dma_wait3A_90 : memref<10240x128xf32, #tpu.memory_space<vmem_shared>>)
      tpu.yield
    }) : () -> ()
    %dma_wait3A_65 = arith.constant 39 : i32
    %dma_wait3A_66 = arith.constant 0 : i32
    %dma_wait3A_67 = tpu.memref_slice %arg7[%dma_wait3A_65, %dma_wait3A_66] : memref<40x128xi32, #tpu.memory_space<vmem>> -> memref<1x128xi32, #tpu.memory_space<vmem>>
    %dma_wait3A_68 = tpu.memref_squeeze %dma_wait3A_67 : memref<1x128xi32, #tpu.memory_space<vmem>> -> memref<128xi32, #tpu.memory_space<vmem>>
    %dma_wait3A_69 = arith.constant 0 : i32
    %dma_wait3A_70 = arith.constant 0 : i32
    %dma_wait3A_71 = tpu.memref_slice %arg2[%dma_wait3A_69, %dma_wait3A_70] : memref<10240x128xf32, #tpu.memory_space<hbm>> -> memref<10240x128xf32, #tpu.memory_space<hbm>>
    tpu.wait_indirect_dma semaphore(%arg12 : memref<!tpu.dma_semaphore, #tpu.memory_space<semaphore_mem>>) src(%dma_wait3A_71 : memref<10240x128xf32, #tpu.memory_space<hbm>>) dst(%arg10 : memref<128x128xf32, #tpu.memory_space<vmem>>)
    %run_scoped3A_72 = arith.constant 39 : i32
    "tpu.region"() ({
      %run_scoped3A_78 = tpu.sem_alloc : memref<!tpu.dma_semaphore, #tpu.memory_space<semaphore_mem>>
      %dma_start3A_79 = arith.constant 0 : i32
      %dma_start3A_80 = tpu.memref_slice %arg8[%run_scoped3A_72, %dma_start3A_79] : memref<40x128xi32, #tpu.memory_space<vmem>> -> memref<1x128xi32, #tpu.memory_space<vmem>>
      %dma_start3A_81 = tpu.memref_squeeze %dma_start3A_80 : memref<1x128xi32, #tpu.memory_space<vmem>> -> memref<128xi32, #tpu.memory_space<vmem>>
      %dma_start3A_82 = arith.constant 0 : i32
      %dma_start3A_83 = arith.constant 0 : i32
      %dma_start3A_84 = tpu.memref_slice %arg11[%dma_start3A_82, %dma_start3A_83] : memref<10240x128xf32, #tpu.memory_space<vmem_shared>> -> memref<10240x128xf32, #tpu.memory_space<vmem_shared>>
      tpu.enqueue_indirect_dma source(%arg10 : memref<128x128xf32, #tpu.memory_space<vmem>>) target(%dma_start3A_84 : memref<10240x128xf32, #tpu.memory_space<vmem_shared>>) offsets(%dma_start3A_81 : memref<128xi32, #tpu.memory_space<vmem>>) semaphore(%run_scoped3A_78 : memref<!tpu.dma_semaphore, #tpu.memory_space<semaphore_mem>>) {add = true}
      %dma_wait3A_85 = arith.constant 0 : i32
      %dma_wait3A_86 = tpu.memref_slice %arg8[%run_scoped3A_72, %dma_wait3A_85] : memref<40x128xi32, #tpu.memory_space<vmem>> -> memref<1x128xi32, #tpu.memory_space<vmem>>
      %dma_wait3A_87 = tpu.memref_squeeze %dma_wait3A_86 : memref<1x128xi32, #tpu.memory_space<vmem>> -> memref<128xi32, #tpu.memory_space<vmem>>
      %dma_wait3A_88 = arith.constant 0 : i32
      %dma_wait3A_89 = arith.constant 0 : i32
      %dma_wait3A_90 = tpu.memref_slice %arg11[%dma_wait3A_88, %dma_wait3A_89] : memref<10240x128xf32, #tpu.memory_space<vmem_shared>> -> memref<10240x128xf32, #tpu.memory_space<vmem_shared>>
      tpu.wait_indirect_dma semaphore(%run_scoped3A_78 : memref<!tpu.dma_semaphore, #tpu.memory_space<semaphore_mem>>) src(%arg10 : memref<128x128xf32, #tpu.memory_space<vmem>>) dst(%dma_wait3A_90 : memref<10240x128xf32, #tpu.memory_space<vmem_shared>>)
      tpu.yield
    }) : () -> ()
    %barrier3A_73 = arith.constant 0 : index
    tpu.barrier barrier_id(%barrier3A_73)
    %mul3A_74 = arith.constant 640 : i32
    %mul3A_75 = arith.muli %arg1, %mul3A_74 : i32
    %mul3A_76 = arith.constant 640 : i32
    %mul3A_77 = arith.muli %arg1, %mul3A_76 : i32
    "tpu.region"() ({
      %run_scoped3A_78 = tpu.sem_alloc : memref<!tpu.dma_semaphore, #tpu.memory_space<semaphore_mem>>
      %dma_start3A_79 = arith.constant 0 : i32
      %dma_start3A_80 = tpu.memref_slice %arg6[%arg0, %mul3A_77, %dma_start3A_79] : memref<2x10240x128xf32, #tpu.memory_space<hbm>> -> memref<1x640x128xf32, #tpu.memory_space<hbm>>
      %dma_start3A_81 = tpu.memref_squeeze %dma_start3A_80 : memref<1x640x128xf32, #tpu.memory_space<hbm>> -> memref<640x128xf32, #tpu.memory_space<hbm>>
      %dma_start3A_82 = arith.constant 0 : i32
      %dma_start3A_83 = tpu.memref_slice %arg11[%mul3A_75, %dma_start3A_82] : memref<10240x128xf32, #tpu.memory_space<vmem_shared>> -> memref<640x128xf32, #tpu.memory_space<vmem_shared>>
      tpu.enqueue_dma source(%dma_start3A_83 : memref<640x128xf32, #tpu.memory_space<vmem_shared>>) target(%dma_start3A_81 : memref<640x128xf32, #tpu.memory_space<hbm>>) target_semaphore(%run_scoped3A_78 : memref<!tpu.dma_semaphore, #tpu.memory_space<semaphore_mem>>)
      %dma_wait3A_84 = arith.constant 0 : i32
      %dma_wait3A_85 = tpu.memref_slice %arg6[%arg0, %mul3A_77, %dma_wait3A_84] : memref<2x10240x128xf32, #tpu.memory_space<hbm>> -> memref<1x640x128xf32, #tpu.memory_space<hbm>>
      %dma_wait3A_86 = tpu.memref_squeeze %dma_wait3A_85 : memref<1x640x128xf32, #tpu.memory_space<hbm>> -> memref<640x128xf32, #tpu.memory_space<hbm>>
      %dma_wait3A_87 = arith.constant 0 : i32
      %dma_wait3A_88 = tpu.memref_slice %arg11[%mul3A_75, %dma_wait3A_87] : memref<10240x128xf32, #tpu.memory_space<vmem_shared>> -> memref<640x128xf32, #tpu.memory_space<vmem_shared>>
      tpu.wait_dma2 semaphore(%run_scoped3A_78 : memref<!tpu.dma_semaphore, #tpu.memory_space<semaphore_mem>>) src(%dma_wait3A_88 : memref<640x128xf32, #tpu.memory_space<vmem_shared>>) dst(%dma_wait3A_86 : memref<640x128xf32, #tpu.memory_space<hbm>>)
      tpu.yield
    }) : () -> ()
    return
  }
}

module attributes {stable_mosaic.version = 14 : i64} {
  func.func @_tc1_body(%arg0: memref<10000x128xf32, #tpu.memory_space<vmem>>, %arg1: memref<128x128xf32, #tpu.memory_space<vmem>>, %arg2: memref<10240x1xf32, #tpu.memory_space<vmem>>, %arg3: memref<10240x1xf32, #tpu.memory_space<vmem>>, %arg4: memref<10240x128xf32, #tpu.memory_space<vmem>>) attributes {dimension_semantics = [], scalar_prefetch = 0 : i64, scratch_operands = 0 : i64, tpu.core_type = #tpu.core_type<tc>} {
    %get3A = arith.constant 0 : index
    %get3A_0 = arith.constant 0 : index
    %get3A_1 = vector.load %arg2[%get3A, %get3A_0] : memref<10240x1xf32, #tpu.memory_space<vmem>>, vector<10240x1xf32>
    %get3A_2 = arith.constant 0 : index
    %get3A_3 = arith.constant 0 : index
    %get3A_4 = vector.load %arg3[%get3A_2, %get3A_3] : memref<10240x1xf32, #tpu.memory_space<vmem>>, vector<10240x1xf32>
    %add3A = arith.addf %get3A_1, %get3A_4 : vector<10240x1xf32>
    %add3A_5 = arith.constant 1.000000e+00 : f32
    %add3A_6 = vector.broadcast %add3A_5 : f32 to vector<10240x1xf32>
    %add3A_7 = arith.addf %add3A, %add3A_6 : vector<10240x1xf32>
    %rsqrt3A = math.rsqrt %add3A_7 : vector<10240x1xf32>
    %get3A_8 = arith.constant 0 : index
    %get3A_9 = arith.constant 0 : index
    %get3A_10 = vector.load %arg0[%get3A_8, %get3A_9] : memref<10000x128xf32, #tpu.memory_space<vmem>>, vector<10000x128xf32>
    %get3A_11 = arith.constant 0 : index
    %get3A_12 = arith.constant 0 : index
    %get3A_13 = vector.load %arg1[%get3A_11, %get3A_12] : memref<128x128xf32, #tpu.memory_space<vmem>>, vector<128x128xf32>
    %dot_general3A = arith.constant dense<0.000000e+00> : vector<10000x128xf32>
    %dot_general3A_14 = tpu.matmul %get3A_10, %get3A_13, %dot_general3A {dimension_numbers = #tpu.dot_dimension_numbers<[1], [0], [0], [1], [0, 0, 1, 1], [], []>, transpose_lhs_hint = false} : vector<10000x128xf32>, vector<128x128xf32>, vector<10000x128xf32> -> vector<10000x128xf32>
    %slice3A = vector.extract_strided_slice %rsqrt3A {offsets = [0, 0], sizes = [10000, 1], strides = [1, 1]} : vector<10240x1xf32> to vector<10000x1xf32>
    %mul3A = vector.broadcast %slice3A : vector<10000x1xf32> to vector<10000x128xf32>
    %mul3A_15 = arith.mulf %dot_general3A_14, %mul3A : vector<10000x128xf32>
    %swap3A = arith.constant 0 : index
    %swap3A_16 = arith.constant 0 : index
    %swap3A_17 = vector.load %arg4[%swap3A, %swap3A_16] : memref<10240x128xf32, #tpu.memory_space<vmem>>, vector<10000x128xf32>
    tpu.vector_store %arg4[%swap3A, %swap3A_16], %mul3A_15 {strides = array<i32>} : memref<10240x128xf32, #tpu.memory_space<vmem>>, vector<10000x128xf32>,
    %broadcast_in_dim3A = arith.constant 0.000000e+00 : f32
    %broadcast_in_dim3A_18 = vector.broadcast %broadcast_in_dim3A : f32 to vector<240x128xf32>
    %swap3A_19 = arith.constant 10000 : index
    %swap3A_20 = arith.constant 0 : index
    %swap3A_21 = vector.load %arg4[%swap3A_19, %swap3A_20] : memref<10240x128xf32, #tpu.memory_space<vmem>>, vector<240x128xf32>
    tpu.vector_store %arg4[%swap3A_19, %swap3A_20], %broadcast_in_dim3A_18 {strides = array<i32>} : memref<10240x128xf32, #tpu.memory_space<vmem>>, vector<240x128xf32>,
    return
  }
}

module attributes {stable_mosaic.version = 14 : i64} {
  func.func @_tc2_body(%arg0: memref<10240x128xf32, #tpu.memory_space<vmem>>, %arg1: memref<10240x128xf32, #tpu.memory_space<vmem>>, %arg2: memref<10240x128xf32, #tpu.memory_space<vmem>>, %arg3: memref<10240x1xf32, #tpu.memory_space<vmem>>, %arg4: memref<10240x1xf32, #tpu.memory_space<vmem>>, %arg5: memref<128xf32, #tpu.memory_space<vmem>>, %arg6: memref<128xf32, #tpu.memory_space<vmem>>, %arg7: memref<128xf32, #tpu.memory_space<vmem>>, %arg8: memref<8x1xf32, #tpu.memory_space<vmem>>, %arg9: memref<8x128xf32, #tpu.memory_space<vmem>>, %arg10: memref<128xf32, #tpu.memory_space<vmem>>, %arg11: memref<128x128xf32, #tpu.memory_space<vmem>>, %arg12: memref<10240x128xf32, #tpu.memory_space<vmem>>) attributes {dimension_semantics = [], scalar_prefetch = 0 : i64, scratch_operands = 0 : i64, tpu.core_type = #tpu.core_type<tc>} {
    %get3A = arith.constant 0 : index
    %get3A_0 = arith.constant 0 : index
    %get3A_1 = vector.load %arg3[%get3A, %get3A_0] : memref<10240x1xf32, #tpu.memory_space<vmem>>, vector<10240x1xf32>
    %get3A_2 = arith.constant 0 : index
    %get3A_3 = arith.constant 0 : index
    %get3A_4 = vector.load %arg4[%get3A_2, %get3A_3] : memref<10240x1xf32, #tpu.memory_space<vmem>>, vector<10240x1xf32>
    %add3A = arith.addf %get3A_1, %get3A_4 : vector<10240x1xf32>
    %add3A_5 = arith.constant 1.000000e+00 : f32
    %add3A_6 = vector.broadcast %add3A_5 : f32 to vector<10240x1xf32>
    %add3A_7 = arith.addf %add3A, %add3A_6 : vector<10240x1xf32>
    %rsqrt3A = math.rsqrt %add3A_7 : vector<10240x1xf32>
    %slice3A = vector.extract_strided_slice %rsqrt3A {offsets = [0, 0], sizes = [10000, 1], strides = [1, 1]} : vector<10240x1xf32> to vector<10000x1xf32>
    %get3A_8 = arith.constant 0 : index
    %get3A_9 = arith.constant 0 : index
    %get3A_10 = vector.load %arg0[%get3A_8, %get3A_9] : memref<10240x128xf32, #tpu.memory_space<vmem>>, vector<10000x128xf32>
    %get3A_11 = arith.constant 0 : index
    %get3A_12 = arith.constant 0 : index
    %get3A_13 = vector.load %arg1[%get3A_11, %get3A_12] : memref<10240x128xf32, #tpu.memory_space<vmem>>, vector<10000x128xf32>
    %add3A_14 = arith.addf %get3A_10, %get3A_13 : vector<10000x128xf32>
    %get3A_15 = arith.constant 0 : index
    %get3A_16 = arith.constant 0 : index
    %get3A_17 = vector.load %arg2[%get3A_15, %get3A_16] : memref<10240x128xf32, #tpu.memory_space<vmem>>, vector<10000x128xf32>
    %add3A_18 = arith.addf %add3A_14, %get3A_17 : vector<10000x128xf32>
    %mul3A = vector.broadcast %slice3A : vector<10000x1xf32> to vector<10000x128xf32>
    %mul3A_19 = arith.mulf %add3A_18, %mul3A : vector<10000x128xf32>
    %get3A_20 = arith.constant 0 : index
    %get3A_21 = vector.load %arg5[%get3A_20] : memref<128xf32, #tpu.memory_space<vmem>>, vector<128xf32>
    %broadcast_in_dim3A = vector.shape_cast %get3A_21 : vector<128xf32> to vector<1x128xf32>
    %add3A_22 = vector.broadcast %broadcast_in_dim3A : vector<1x128xf32> to vector<10000x128xf32>
    %add3A_23 = arith.addf %mul3A_19, %add3A_22 : vector<10000x128xf32>
    %reduce_sum3A = arith.constant dense<0.000000e+00> : vector<128xf32>
    %reduce_sum3A_24 = vector.multi_reduction <add>, %add3A_23, %reduce_sum3A [0] : vector<10000x128xf32> to vector<128xf32>
    %broadcast_in_dim3A_25 = vector.shape_cast %reduce_sum3A_24 : vector<128xf32> to vector<1x128xf32>
    %div3A = arith.constant 1.000000e+04 : f32
    %div3A_26 = vector.broadcast %div3A : f32 to vector<1x128xf32>
    %div3A_27 = arith.divf %broadcast_in_dim3A_25, %div3A_26 : vector<1x128xf32>
    %sub3A = vector.broadcast %div3A_27 : vector<1x128xf32> to vector<10000x128xf32>
    %sub3A_28 = arith.subf %add3A_23, %sub3A : vector<10000x128xf32>
    %integer_pow3A = arith.mulf %sub3A_28, %sub3A_28 : vector<10000x128xf32>
    %reduce_sum3A_29 = arith.constant dense<0.000000e+00> : vector<128xf32>
    %reduce_sum3A_30 = vector.multi_reduction <add>, %integer_pow3A, %reduce_sum3A_29 [0] : vector<10000x128xf32> to vector<128xf32>
    %broadcast_in_dim3A_31 = vector.shape_cast %reduce_sum3A_30 : vector<128xf32> to vector<1x128xf32>
    %div3A_32 = arith.constant 1.000000e+04 : f32
    %div3A_33 = vector.broadcast %div3A_32 : f32 to vector<1x128xf32>
    %div3A_34 = arith.divf %broadcast_in_dim3A_31, %div3A_33 : vector<1x128xf32>
    %sub3A_35 = vector.broadcast %div3A_27 : vector<1x128xf32> to vector<10000x128xf32>
    %sub3A_36 = arith.subf %add3A_23, %sub3A_35 : vector<10000x128xf32>
    %add3A_37 = arith.constant 9.99999974E-6 : f32
    %add3A_38 = vector.broadcast %add3A_37 : f32 to vector<1x128xf32>
    %add3A_39 = arith.addf %div3A_34, %add3A_38 : vector<1x128xf32>
    %sqrt3A = math.sqrt %add3A_39 : vector<1x128xf32>
    %div3A_40 = vector.broadcast %sqrt3A : vector<1x128xf32> to vector<10000x128xf32>
    %div3A_41 = arith.divf %sub3A_36, %div3A_40 : vector<10000x128xf32>
    %get3A_42 = arith.constant 0 : index
    %get3A_43 = vector.load %arg6[%get3A_42] : memref<128xf32, #tpu.memory_space<vmem>>, vector<128xf32>
    %broadcast_in_dim3A_44 = vector.shape_cast %get3A_43 : vector<128xf32> to vector<1x128xf32>
    %mul3A_45 = vector.broadcast %broadcast_in_dim3A_44 : vector<1x128xf32> to vector<10000x128xf32>
    %mul3A_46 = arith.mulf %div3A_41, %mul3A_45 : vector<10000x128xf32>
    %get3A_47 = arith.constant 0 : index
    %get3A_48 = vector.load %arg7[%get3A_47] : memref<128xf32, #tpu.memory_space<vmem>>, vector<128xf32>
    %broadcast_in_dim3A_49 = vector.shape_cast %get3A_48 : vector<128xf32> to vector<1x128xf32>
    %add3A_50 = vector.broadcast %broadcast_in_dim3A_49 : vector<1x128xf32> to vector<10000x128xf32>
    %add3A_51 = arith.addf %mul3A_46, %add3A_50 : vector<10000x128xf32>
    %max3A = arith.constant 0.000000e+00 : f32
    %max3A_52 = vector.broadcast %max3A : f32 to vector<10000x128xf32>
    %max3A_53 = arith.maximumf %add3A_51, %max3A_52 : vector<10000x128xf32>
    %get3A_54 = arith.constant 0 : index
    %get3A_55 = arith.constant 0 : index
    %get3A_56 = vector.load %arg8[%get3A_54, %get3A_55] : memref<8x1xf32, #tpu.memory_space<vmem>>, vector<8x1xf32>
    %get3A_57 = arith.constant 0 : index
    %get3A_58 = arith.constant 0 : index
    %get3A_59 = vector.load %arg9[%get3A_57, %get3A_58] : memref<8x128xf32, #tpu.memory_space<vmem>>, vector<8x128xf32>
    %mul3A_60 = vector.broadcast %get3A_56 : vector<8x1xf32> to vector<8x128xf32>
    %mul3A_61 = arith.mulf %mul3A_60, %get3A_59 : vector<8x128xf32>
    %reduce_sum3A_62 = arith.constant dense<0.000000e+00> : vector<128xf32>
    %reduce_sum3A_63 = vector.multi_reduction <add>, %mul3A_61, %reduce_sum3A_62 [0] : vector<8x128xf32> to vector<128xf32>
    %get3A_64 = arith.constant 0 : index
    %get3A_65 = vector.load %arg10[%get3A_64] : memref<128xf32, #tpu.memory_space<vmem>>, vector<128xf32>
    %add3A_66 = arith.addf %reduce_sum3A_63, %get3A_65 : vector<128xf32>
    %broadcast_in_dim3A_67 = vector.shape_cast %add3A_66 : vector<128xf32> to vector<1x128xf32>
    %add3A_68 = vector.broadcast %broadcast_in_dim3A_67 : vector<1x128xf32> to vector<10000x128xf32>
    %add3A_69 = arith.addf %max3A_53, %add3A_68 : vector<10000x128xf32>
    %get3A_70 = arith.constant 0 : index
    %get3A_71 = arith.constant 0 : index
    %get3A_72 = vector.load %arg11[%get3A_70, %get3A_71] : memref<128x128xf32, #tpu.memory_space<vmem>>, vector<128x128xf32>
    %dot_general3A = arith.constant dense<0.000000e+00> : vector<10000x128xf32>
    %dot_general3A_73 = tpu.matmul %add3A_69, %get3A_72, %dot_general3A {dimension_numbers = #tpu.dot_dimension_numbers<[1], [0], [0], [1], [0, 0, 1, 1], [], []>, transpose_lhs_hint = false} : vector<10000x128xf32>, vector<128x128xf32>, vector<10000x128xf32> -> vector<10000x128xf32>
    %mul3A_74 = vector.broadcast %slice3A : vector<10000x1xf32> to vector<10000x128xf32>
    %mul3A_75 = arith.mulf %dot_general3A_73, %mul3A_74 : vector<10000x128xf32>
    %swap3A = arith.constant 0 : index
    %swap3A_76 = arith.constant 0 : index
    %swap3A_77 = vector.load %arg12[%swap3A, %swap3A_76] : memref<10240x128xf32, #tpu.memory_space<vmem>>, vector<10000x128xf32>
    tpu.vector_store %arg12[%swap3A, %swap3A_76], %mul3A_75 {strides = array<i32>} : memref<10240x128xf32, #tpu.memory_space<vmem>>, vector<10000x128xf32>,
    %broadcast_in_dim3A_78 = arith.constant 0.000000e+00 : f32
    %broadcast_in_dim3A_79 = vector.broadcast %broadcast_in_dim3A_78 : f32 to vector<240x128xf32>
    %swap3A_80 = arith.constant 10000 : index
    %swap3A_81 = arith.constant 0 : index
    %swap3A_82 = vector.load %arg12[%swap3A_80, %swap3A_81] : memref<10240x128xf32, #tpu.memory_space<vmem>>, vector<240x128xf32>
    tpu.vector_store %arg12[%swap3A_80, %swap3A_81], %broadcast_in_dim3A_79 {strides = array<i32>} : memref<10240x128xf32, #tpu.memory_space<vmem>>, vector<240x128xf32>,
    return
  }
}

module attributes {stable_mosaic.version = 14 : i64} {
  func.func @_tc3_body(%arg0: memref<10240x128xf32, #tpu.memory_space<vmem>>, %arg1: memref<10240x128xf32, #tpu.memory_space<vmem>>, %arg2: memref<10240x128xf32, #tpu.memory_space<vmem>>, %arg3: memref<10240x1xf32, #tpu.memory_space<vmem>>, %arg4: memref<10240x1xf32, #tpu.memory_space<vmem>>, %arg5: memref<128xf32, #tpu.memory_space<vmem>>, %arg6: memref<128xf32, #tpu.memory_space<vmem>>, %arg7: memref<128xf32, #tpu.memory_space<vmem>>, %arg8: memref<8x1xf32, #tpu.memory_space<vmem>>, %arg9: memref<8x128xf32, #tpu.memory_space<vmem>>, %arg10: memref<128xf32, #tpu.memory_space<vmem>>, %arg11: memref<128x64xf32, #tpu.memory_space<vmem>>, %arg12: memref<8x64xf32, #tpu.memory_space<vmem>>, %arg13: memref<64xf32, #tpu.memory_space<vmem>>, %arg14: memref<128x64xf32, #tpu.memory_space<vmem>>, %arg15: memref<8x64xf32, #tpu.memory_space<vmem>>, %arg16: memref<64xf32, #tpu.memory_space<vmem>>, %arg17: memref<10000x64xf32, #tpu.memory_space<vmem>>, %arg18: memref<10000x64xf32, #tpu.memory_space<vmem>>) attributes {dimension_semantics = [], scalar_prefetch = 0 : i64, scratch_operands = 0 : i64, tpu.core_type = #tpu.core_type<tc>} {
    %get3A = arith.constant 0 : index
    %get3A_0 = arith.constant 0 : index
    %get3A_1 = vector.load %arg3[%get3A, %get3A_0] : memref<10240x1xf32, #tpu.memory_space<vmem>>, vector<10240x1xf32>
    %get3A_2 = arith.constant 0 : index
    %get3A_3 = arith.constant 0 : index
    %get3A_4 = vector.load %arg4[%get3A_2, %get3A_3] : memref<10240x1xf32, #tpu.memory_space<vmem>>, vector<10240x1xf32>
    %add3A = arith.addf %get3A_1, %get3A_4 : vector<10240x1xf32>
    %add3A_5 = arith.constant 1.000000e+00 : f32
    %add3A_6 = vector.broadcast %add3A_5 : f32 to vector<10240x1xf32>
    %add3A_7 = arith.addf %add3A, %add3A_6 : vector<10240x1xf32>
    %rsqrt3A = math.rsqrt %add3A_7 : vector<10240x1xf32>
    %slice3A = vector.extract_strided_slice %rsqrt3A {offsets = [0, 0], sizes = [10000, 1], strides = [1, 1]} : vector<10240x1xf32> to vector<10000x1xf32>
    %get3A_8 = arith.constant 0 : index
    %get3A_9 = arith.constant 0 : index
    %get3A_10 = vector.load %arg0[%get3A_8, %get3A_9] : memref<10240x128xf32, #tpu.memory_space<vmem>>, vector<10000x128xf32>
    %get3A_11 = arith.constant 0 : index
    %get3A_12 = arith.constant 0 : index
    %get3A_13 = vector.load %arg1[%get3A_11, %get3A_12] : memref<10240x128xf32, #tpu.memory_space<vmem>>, vector<10000x128xf32>
    %add3A_14 = arith.addf %get3A_10, %get3A_13 : vector<10000x128xf32>
    %get3A_15 = arith.constant 0 : index
    %get3A_16 = arith.constant 0 : index
    %get3A_17 = vector.load %arg2[%get3A_15, %get3A_16] : memref<10240x128xf32, #tpu.memory_space<vmem>>, vector<10000x128xf32>
    %add3A_18 = arith.addf %add3A_14, %get3A_17 : vector<10000x128xf32>
    %mul3A = vector.broadcast %slice3A : vector<10000x1xf32> to vector<10000x128xf32>
    %mul3A_19 = arith.mulf %add3A_18, %mul3A : vector<10000x128xf32>
    %get3A_20 = arith.constant 0 : index
    %get3A_21 = vector.load %arg5[%get3A_20] : memref<128xf32, #tpu.memory_space<vmem>>, vector<128xf32>
    %broadcast_in_dim3A = vector.shape_cast %get3A_21 : vector<128xf32> to vector<1x128xf32>
    %add3A_22 = vector.broadcast %broadcast_in_dim3A : vector<1x128xf32> to vector<10000x128xf32>
    %add3A_23 = arith.addf %mul3A_19, %add3A_22 : vector<10000x128xf32>
    %reduce_sum3A = arith.constant dense<0.000000e+00> : vector<128xf32>
    %reduce_sum3A_24 = vector.multi_reduction <add>, %add3A_23, %reduce_sum3A [0] : vector<10000x128xf32> to vector<128xf32>
    %broadcast_in_dim3A_25 = vector.shape_cast %reduce_sum3A_24 : vector<128xf32> to vector<1x128xf32>
    %div3A = arith.constant 1.000000e+04 : f32
    %div3A_26 = vector.broadcast %div3A : f32 to vector<1x128xf32>
    %div3A_27 = arith.divf %broadcast_in_dim3A_25, %div3A_26 : vector<1x128xf32>
    %sub3A = vector.broadcast %div3A_27 : vector<1x128xf32> to vector<10000x128xf32>
    %sub3A_28 = arith.subf %add3A_23, %sub3A : vector<10000x128xf32>
    %integer_pow3A = arith.mulf %sub3A_28, %sub3A_28 : vector<10000x128xf32>
    %reduce_sum3A_29 = arith.constant dense<0.000000e+00> : vector<128xf32>
    %reduce_sum3A_30 = vector.multi_reduction <add>, %integer_pow3A, %reduce_sum3A_29 [0] : vector<10000x128xf32> to vector<128xf32>
    %broadcast_in_dim3A_31 = vector.shape_cast %reduce_sum3A_30 : vector<128xf32> to vector<1x128xf32>
    %div3A_32 = arith.constant 1.000000e+04 : f32
    %div3A_33 = vector.broadcast %div3A_32 : f32 to vector<1x128xf32>
    %div3A_34 = arith.divf %broadcast_in_dim3A_31, %div3A_33 : vector<1x128xf32>
    %sub3A_35 = vector.broadcast %div3A_27 : vector<1x128xf32> to vector<10000x128xf32>
    %sub3A_36 = arith.subf %add3A_23, %sub3A_35 : vector<10000x128xf32>
    %add3A_37 = arith.constant 9.99999974E-6 : f32
    %add3A_38 = vector.broadcast %add3A_37 : f32 to vector<1x128xf32>
    %add3A_39 = arith.addf %div3A_34, %add3A_38 : vector<1x128xf32>
    %sqrt3A = math.sqrt %add3A_39 : vector<1x128xf32>
    %div3A_40 = vector.broadcast %sqrt3A : vector<1x128xf32> to vector<10000x128xf32>
    %div3A_41 = arith.divf %sub3A_36, %div3A_40 : vector<10000x128xf32>
    %get3A_42 = arith.constant 0 : index
    %get3A_43 = vector.load %arg6[%get3A_42] : memref<128xf32, #tpu.memory_space<vmem>>, vector<128xf32>
    %broadcast_in_dim3A_44 = vector.shape_cast %get3A_43 : vector<128xf32> to vector<1x128xf32>
    %mul3A_45 = vector.broadcast %broadcast_in_dim3A_44 : vector<1x128xf32> to vector<10000x128xf32>
    %mul3A_46 = arith.mulf %div3A_41, %mul3A_45 : vector<10000x128xf32>
    %get3A_47 = arith.constant 0 : index
    %get3A_48 = vector.load %arg7[%get3A_47] : memref<128xf32, #tpu.memory_space<vmem>>, vector<128xf32>
    %broadcast_in_dim3A_49 = vector.shape_cast %get3A_48 : vector<128xf32> to vector<1x128xf32>
    %add3A_50 = vector.broadcast %broadcast_in_dim3A_49 : vector<1x128xf32> to vector<10000x128xf32>
    %add3A_51 = arith.addf %mul3A_46, %add3A_50 : vector<10000x128xf32>
    %max3A = arith.constant 0.000000e+00 : f32
    %max3A_52 = vector.broadcast %max3A : f32 to vector<10000x128xf32>
    %max3A_53 = arith.maximumf %add3A_51, %max3A_52 : vector<10000x128xf32>
    %get3A_54 = arith.constant 0 : index
    %get3A_55 = arith.constant 0 : index
    %get3A_56 = vector.load %arg8[%get3A_54, %get3A_55] : memref<8x1xf32, #tpu.memory_space<vmem>>, vector<8x1xf32>
    %get3A_57 = arith.constant 0 : index
    %get3A_58 = arith.constant 0 : index
    %get3A_59 = vector.load %arg9[%get3A_57, %get3A_58] : memref<8x128xf32, #tpu.memory_space<vmem>>, vector<8x128xf32>
    %mul3A_60 = vector.broadcast %get3A_56 : vector<8x1xf32> to vector<8x128xf32>
    %mul3A_61 = arith.mulf %mul3A_60, %get3A_59 : vector<8x128xf32>
    %reduce_sum3A_62 = arith.constant dense<0.000000e+00> : vector<128xf32>
    %reduce_sum3A_63 = vector.multi_reduction <add>, %mul3A_61, %reduce_sum3A_62 [0] : vector<8x128xf32> to vector<128xf32>
    %get3A_64 = arith.constant 0 : index
    %get3A_65 = vector.load %arg10[%get3A_64] : memref<128xf32, #tpu.memory_space<vmem>>, vector<128xf32>
    %add3A_66 = arith.addf %reduce_sum3A_63, %get3A_65 : vector<128xf32>
    %broadcast_in_dim3A_67 = vector.shape_cast %add3A_66 : vector<128xf32> to vector<1x128xf32>
    %add3A_68 = vector.broadcast %broadcast_in_dim3A_67 : vector<1x128xf32> to vector<10000x128xf32>
    %add3A_69 = arith.addf %max3A_53, %add3A_68 : vector<10000x128xf32>
    %get3A_70 = arith.constant 0 : index
    %get3A_71 = arith.constant 0 : index
    %get3A_72 = vector.load %arg8[%get3A_70, %get3A_71] : memref<8x1xf32, #tpu.memory_space<vmem>>, vector<8x1xf32>
    %get3A_73 = arith.constant 0 : index
    %get3A_74 = arith.constant 0 : index
    %get3A_75 = vector.load %arg12[%get3A_73, %get3A_74] : memref<8x64xf32, #tpu.memory_space<vmem>>, vector<8x64xf32>
    %mul3A_76 = vector.broadcast %get3A_72 : vector<8x1xf32> to vector<8x64xf32>
    %mul3A_77 = arith.mulf %mul3A_76, %get3A_75 : vector<8x64xf32>
    %reduce_sum3A_78 = arith.constant dense<0.000000e+00> : vector<64xf32>
    %reduce_sum3A_79 = vector.multi_reduction <add>, %mul3A_77, %reduce_sum3A_78 [0] : vector<8x64xf32> to vector<64xf32>
    %get3A_80 = arith.constant 0 : index
    %get3A_81 = vector.load %arg13[%get3A_80] : memref<64xf32, #tpu.memory_space<vmem>>, vector<64xf32>
    %add3A_82 = arith.addf %reduce_sum3A_79, %get3A_81 : vector<64xf32>
    %get3A_83 = arith.constant 0 : index
    %get3A_84 = arith.constant 0 : index
    %get3A_85 = vector.load %arg8[%get3A_83, %get3A_84] : memref<8x1xf32, #tpu.memory_space<vmem>>, vector<8x1xf32>
    %get3A_86 = arith.constant 0 : index
    %get3A_87 = arith.constant 0 : index
    %get3A_88 = vector.load %arg15[%get3A_86, %get3A_87] : memref<8x64xf32, #tpu.memory_space<vmem>>, vector<8x64xf32>
    %mul3A_89 = vector.broadcast %get3A_85 : vector<8x1xf32> to vector<8x64xf32>
    %mul3A_90 = arith.mulf %mul3A_89, %get3A_88 : vector<8x64xf32>
    %reduce_sum3A_91 = arith.constant dense<0.000000e+00> : vector<64xf32>
    %reduce_sum3A_92 = vector.multi_reduction <add>, %mul3A_90, %reduce_sum3A_91 [0] : vector<8x64xf32> to vector<64xf32>
    %get3A_93 = arith.constant 0 : index
    %get3A_94 = vector.load %arg16[%get3A_93] : memref<64xf32, #tpu.memory_space<vmem>>, vector<64xf32>
    %add3A_95 = arith.addf %reduce_sum3A_92, %get3A_94 : vector<64xf32>
    %get3A_96 = arith.constant 0 : index
    %get3A_97 = arith.constant 0 : index
    %get3A_98 = vector.load %arg11[%get3A_96, %get3A_97] : memref<128x64xf32, #tpu.memory_space<vmem>>, vector<128x64xf32>
    %dot_general3A = arith.constant dense<0.000000e+00> : vector<10000x64xf32>
    %dot_general3A_99 = tpu.matmul %add3A_69, %get3A_98, %dot_general3A {dimension_numbers = #tpu.dot_dimension_numbers<[1], [0], [0], [1], [0, 0, 1, 1], [], []>, transpose_lhs_hint = false} : vector<10000x128xf32>, vector<128x64xf32>, vector<10000x64xf32> -> vector<10000x64xf32>
    %broadcast_in_dim3A_100 = vector.shape_cast %add3A_82 : vector<64xf32> to vector<1x64xf32>
    %add3A_101 = vector.broadcast %broadcast_in_dim3A_100 : vector<1x64xf32> to vector<10000x64xf32>
    %add3A_102 = arith.addf %dot_general3A_99, %add3A_101 : vector<10000x64xf32>
    %swap3A = arith.constant 0 : index
    %swap3A_103 = arith.constant 0 : index
    %swap3A_104 = vector.load %arg17[%swap3A, %swap3A_103] : memref<10000x64xf32, #tpu.memory_space<vmem>>, vector<10000x64xf32>
    tpu.vector_store %arg17[%swap3A, %swap3A_103], %add3A_102 {strides = array<i32>} : memref<10000x64xf32, #tpu.memory_space<vmem>>, vector<10000x64xf32>,
    %get3A_105 = arith.constant 0 : index
    %get3A_106 = arith.constant 0 : index
    %get3A_107 = vector.load %arg14[%get3A_105, %get3A_106] : memref<128x64xf32, #tpu.memory_space<vmem>>, vector<128x64xf32>
    %dot_general3A_108 = arith.constant dense<0.000000e+00> : vector<10000x64xf32>
    %dot_general3A_109 = tpu.matmul %add3A_69, %get3A_107, %dot_general3A_108 {dimension_numbers = #tpu.dot_dimension_numbers<[1], [0], [0], [1], [0, 0, 1, 1], [], []>, transpose_lhs_hint = false} : vector<10000x128xf32>, vector<128x64xf32>, vector<10000x64xf32> -> vector<10000x64xf32>
    %broadcast_in_dim3A_110 = vector.shape_cast %add3A_95 : vector<64xf32> to vector<1x64xf32>
    %add3A_111 = vector.broadcast %broadcast_in_dim3A_110 : vector<1x64xf32> to vector<10000x64xf32>
    %add3A_112 = arith.addf %dot_general3A_109, %add3A_111 : vector<10000x64xf32>
    %swap3A_113 = arith.constant 0 : index
    %swap3A_114 = arith.constant 0 : index
    %swap3A_115 = vector.load %arg18[%swap3A_113, %swap3A_114] : memref<10000x64xf32, #tpu.memory_space<vmem>>, vector<10000x64xf32>
    tpu.vector_store %arg18[%swap3A_113, %swap3A_114], %add3A_112 {strides = array<i32>} : memref<10000x64xf32, #tpu.memory_space<vmem>>, vector<10000x64xf32>,
    return
  }
}

</mosaic_0001>

<sc_bundles>
// kernel: kernel.11.cloned.1.call-start
scs
__scs_entry_jumppad:
0x0: {  	(pc) =	sbr.rel $0x88, $3  }
0x1: {  	(tag) =	ssettag $0x0;
	lr =	simm.s32 $0x1  }
0x2: {  	[smem:$0x3F8E] =	sst lr;
	_ =	strace $0xD0000000  }
0x3: {  	_ = 	snop  }
0x4: {  	_ = 	snop  }
0x5: {  	_ = 	snop  }
0x6: {  	_ = 	snop  }
0x7: {  	_ = 	snop  }
__scs_overlays_trampoline_lowered:
0x8: {  	[smem:$0x3F9D] =	sst s0  }
0x9: {  	[smem:$0x3F9E] =	sst s1  }
0xa: {  	[smem:$0x3F9F] =	sst s2  }
0xb: {  	[smem:$0x3FA0] =	sst s3  }
0xc: {  	[smem:$0x3FA1] =	sst s4  }
0xd: {  	[smem:$0x3FA2] =	sst s5  }
0xe: {  	[smem:$0x3FA3] =	sst s6  }
0xf: {  	[smem:$0x3FA4] =	sst s7  }
0x10: {  	[smem:$0x3FA5] =	sst s8  }
0x11: {  	[smem:$0x3FA6] =	sst s9;
	s0 =	simm.s32 @!p0 $0x0  }
0x12: {  	s1 =	sld [smem:$0x3F8C];
	s0 =	simm.s32 @p0 $0x1  }
0x13: {  	[smem:$0x3FA7] =	sst s0;
	s0 =	simm.s32 @!p1 $0x0  }
0x14: {  	s2 =	sld [smem:$0x3F8B];
	s0 =	simm.s32 @p1 $0x1  }
0x15: {  	[smem:$0x3FA8] =	sst s0;
	s0 =	simm.s32 @!p2 $0x0  }
0x16: {  	s3 =	sld [smem:$0x3FDB];
	s0 =	simm.s32 @p2 $0x1  }
0x17: {  	s4 =	simm.s32 $0x1BF5;
	[smem:$0x3FAA] =	sst s0  }
0x18: {  	s0 =	sld [smem:$0x3F8D];
	_ =	swait.ge [sflag:s4], $0x0  }
0x19: {  	s7 =	sld [smem:$0x3F8E]  }
0x1a: {  	s8 =	sadd.s32 $0xFFFFE003, lr  }
0x1b: {  	s9 =	sadd.s32 $0xFFFFFEF7, lr;
	s5 =	simm.s32 $0xFFFFFFFF;
	p2 =	slt.u32 s8, $0xFFFFF086  }
0x1c: {  	p1 =	slt.u32 s9, $0xF7A;
	s5 =	simm.s32 @!p2 $0x0  }
0x1d: {  	s5 =	simm.s32 @p1 $0x1;
	p0 =	seq.s32 s7, s2  }
0x1e: {  	s7 =	smul.u32 @!p0 $0xF7A, s2;
	p2 =	seq.s32 @!p0 s5, $0x0  }
0x1f: {  	s9 =	smul.u32 $0xF7A, s1;
	s8 =	simm.s32 @!p0 $0x1BF5;
	p2 =	por !p2, p0  }
0x20: {  	[sflag:s8] =	ssyncset.s32 @!p0 $0xFFFFF086;
	s6 =	sadd.s32 @!p0 s3, s7;
	s7 =	simm.s32 @!p0 $0x108  }
0x21: {  	s3 =	sadd.s32 s3, s9;
	s6 =	sadd.s32 @!p0 $0x88, s6;
	s7 =	simm.s32 @p2 $0x1082  }
0x22: {  	[simem:s7], [sflag:s8] =	dma.local @!p0 [hbm:s6], $0xF7A  }
0x23: {  	s9 =	sor.u32 $0xD0000000, s2;
	s6 =	simm.s32 $0x108;
	_ =	swait.ge @!p0 [sflag:s8], $0x0  }
0x24: {  	s3 =	sadd.s32 $0x88, s3;
	s6 =	simm.s32 @!p1 $0x1082;
	[sflag:s4] =	ssyncset.s32 $0xFFFFF086  }
0x25: {  	[simem:s6], [sflag:s4] =	dma.local [hbm:s3], $0xF7A  }
0x26: {  	[smem:$0x3F8E] =	sst s1;
	(tag) =	ssettag s2;
	_ =	strace s9  }
0x27: {  	s1 =	sld [smem:$0x3F9E]  }
0x28: {  	s2 =	sld [smem:$0x3F9F]  }
0x29: {  	s4 =	sld [smem:$0x3FA1]  }
0x2a: {  	p0 =	seq.s32 s5, $0x0;
	s5 =	sld [smem:$0x3FA2]  }
0x2b: {  	s6 =	sld [smem:$0x3FA3]  }
0x2c: {  	s7 =	sld [smem:$0x3FA4]  }
0x2d: {  	s3 =	simm.s32 $0x108;
	s8 =	sld [smem:$0x3FA5]  }
0x2e: {  	s3 =	simm.s32 @!p0 $0x1082;
	s9 =	sld [smem:$0x3FA6]  }
0x2f: {  	lr =	sadd.s32 s0, s3;
	s0 =	sld [smem:$0x3F9D]  }
0x30: {  	s3 =	sld [smem:$0x3FA0]  }
0x31: {  	[smem:$0x3FA9] =	sst s10  }
0x32: {  	s10 =	sld [smem:$0x3FA7];
	_ =	sdelay $0x3  }
0x33: {  	p0 =	seq.s32 s10, $0x1;
	s10 =	sld [smem:$0x3FA9];
	_ =	sdelay $0x3  }
0x34: {  	[smem:$0x3FA9] =	sst s10  }
0x35: {  	s10 =	sld [smem:$0x3FA8];
	_ =	sdelay $0x3  }
0x36: {  	p1 =	seq.s32 s10, $0x1;
	s10 =	sld [smem:$0x3FA9];
	_ =	sdelay $0x3  }
0x37: {  	[smem:$0x3FA9] =	sst s10  }
0x38: {  	s10 =	sld [smem:$0x3FAA]  }
0x39: {  	_ = 	snop;
	(pc) =	sbr.ind lr, $3  }
0x3a: {  	_ = 	snop  }
0x3b: {  	_ = 	snop  }
0x3c: {  	p2 =	seq.s32 s10, $0x1;
	s10 =	sld [smem:$0x3FA9]  }
0x3d: {  	_ =	shalt  }
0x3e: {  	_ =	shalt  }
0x3f: {  	_ =	shalt  }
0x40: {  	_ =	shalt  }
0x41: {  	_ =	shalt  }
0x42: {  	_ =	shalt  }
0x43: {  	_ =	shalt  }
0x44: {  	_ =	shalt  }
0x45: {  	_ =	shalt  }
0x46: {  	_ =	shalt  }
0x47: {  	_ =	shalt  }
0x48: {  	_ =	shalt  }
0x49: {  	_ =	shalt  }
0x4a: {  	_ =	shalt  }
0x4b: {  	_ =	shalt  }
0x4c: {  	_ =	shalt  }
0x4d: {  	_ =	shalt  }
0x4e: {  	_ =	shalt  }
0x4f: {  	_ =	shalt  }
0x50: {  	_ =	shalt  }
0x51: {  	_ =	shalt  }
0x52: {  	_ =	shalt  }
0x53: {  	_ =	shalt  }
0x54: {  	_ =	shalt  }
0x55: {  	_ =	shalt  }
0x56: {  	_ =	shalt  }
0x57: {  	_ =	shalt  }
0x58: {  	_ =	shalt  }
0x59: {  	_ =	shalt  }
0x5a: {  	_ =	shalt  }
0x5b: {  	_ =	shalt  }
0x5c: {  	_ =	shalt  }
0x5d: {  	_ =	shalt  }
0x5e: {  	_ =	shalt  }
0x5f: {  	_ =	shalt  }
0x60: {  	_ =	shalt  }
0x61: {  	_ =	shalt  }
0x62: {  	_ =	shalt  }
0x63: {  	_ =	shalt  }
0x64: {  	_ =	shalt  }
0x65: {  	_ =	shalt  }
0x66: {  	_ =	shalt  }
0x67: {  	_ =	shalt  }
0x68: {  	_ =	shalt  }
0x69: {  	_ =	shalt  }
0x6a: {  	_ =	shalt  }
0x6b: {  	_ =	shalt  }
0x6c: {  	_ =	shalt  }
0x6d: {  	_ =	shalt  }
0x6e: {  	_ =	shalt  }
0x6f: {  	_ =	shalt  }
0x70: {  	_ =	shalt  }
0x71: {  	_ =	shalt  }
0x72: {  	_ =	shalt  }
0x73: {  	_ =	shalt  }
0x74: {  	_ =	shalt  }
0x75: {  	_ =	shalt  }
0x76: {  	_ =	shalt  }
0x77: {  	_ =	shalt  }
0x78: {  	_ =	shalt  }
0x79: {  	_ =	shalt  }
0x7a: {  	_ =	shalt  }
0x7b: {  	_ =	shalt  }
0x7c: {  	_ =	shalt  }
0x7d: {  	_ =	shalt  }
0x7e: {  	_ =	shalt  }
0x7f: {  	_ =	shalt  }
0x80: {  	_ =	shalt  }
0x81: {  	_ =	shalt  }
0x82: {  	_ =	shalt  }
0x83: {  	_ =	shalt  }
0x84: {  	_ =	shalt  }
0x85: {  	_ =	shalt  }
0x86: {  	_ =	shalt  }
0x87: {  	_ =	shalt  }
.Lfunc_end0:
.L_simem_size_0:
called_computation.1_lowered:
.L_overlay_start_0:
0x88: {  	s2 =	sld [smem:$0x3FD9]  }
0x89: {  	s3 =	sld [smem:$0x3FFE];
	_ =	sdelay $0x1  }
0x8a: {  	s1 =	srdreg.scid  }
0x8b: {  	s0 =	sand.u32 $0x1, s1  }
0x8c: {  	s14 =	sshll.u32 s0, $0xA;
	s2 =	sadd.s32 s3, s2  }
0x8d: {  	s2 =	sadd.s32 s2, s14  }
0x8e: {  	[smem:$0x3FB5] =	sst s2  }
0x8f: {  	_ = 	snop  }
0x90: {  	s2 =	sld [smem:$0x3FD0];
	_ =	sdelay $0x2  }
0x91: {  	s15 =	simm.s32 $0xA;
	s4 =	simm.s32 $0x10  }
0x92: {  	[smem:s4], [sflag:s15] =	dma.local [hbm:s2], $0x1  }
0x93: {  	_ =	swait.eq [sflag:s15], $0x1  }
0x94: {  	[sflag:s15] =	ssyncset.done $0x0  }
0x95: {  	s16 =	sld [smem:$0x10];
	[sflag:s15] =	ssyncadd.s32 $0xFFFFFFFF  }
0x96: {  	s17 =	sld [smem:$0x11];
	(tm) =	ssettm $0x1  }
0x97: {  	s18 =	sld [smem:$0x3FFB];
	_ =	sdelay $0x3  }
0x98: {  	_ =	strace s18  }
0x99: {  	s4 =	sld [smem:$0x3FFC];
	_ =	sdelay $0x3  }
0x9a: {  	_ =	strace s4  }
0x9b: {  	s4 =	sld [smem:$0x3FFD];
	_ =	sdelay $0x3  }
0x9c: {  	_ =	strace s4  }
0x9d: {  	_ =	strace $0x8FFFFFFF  }
0x9e: {  	s19 =	sld [smem:$0x3FDB];
	_ =	sdelay $0x1  }
0x9f: {  	s5 =	simm.s32 $_scs_section_size  }
0xa0: {  	s6 =	simm.s32 $_size__tile_overlayer_lowered;
	s7 =	simm.s32 $_tile_overlayer_lowered  }
0xa1: {  	s22 =	simm.s32 $0x1BFF;
	s21 =	sshll.u32 s7, $0x1;
	s4 =	sadd.s32 s5, s19  }
0xa2: {  	s8 =	simm.s32 $0x0;
	s20 =	sshll.u32 s6, $0x1;
	s6 =	sadd.s32 s21, s4  }
0xa3: {  	[timem:s8], [sflag:s22] =	dma.local [hbm:s6], s20  }
0xa4: {  	_ =	swait.ge [sflag:s22], s20  }
0xa5: {  	s5 =	ssub.s32 $0x0, s20;
	[sflag:s22] =	ssyncset.done $0x0  }
0xa6: {  	[sflag:s22] =	ssyncadd.s32 s5;
	_ =	sdelay $0x1  }
0xa7: {  	s23 =	simm.s32 $0x1B8B  }
0xa8: {  	_ =	swait.ge [sflag:s23], $0x1  }
0xa9: {  	[sflag:s23] =	ssyncset.done $0x0  }
0xaa: {  	s25 =	simm.s32 $0x1B8E;
	s24 =	sld [smem:$0x3FFE];
	[sflag:s23] =	ssyncadd.s32 $0xFFFFFFFF  }
0xab: {  	s26 =	simm.s32 $execute0_lowered;
	[smem:$0x3FD2] =	sst s25  }
0xac: {  	s6 =	sshll.u32 s26, $0x1;
	_ =	strace $0x80000049;
	[dreg:$0x1] =	wrdreg $0xFFFFFFFF  }
0xad: {  	s28 =	simm.s32 $_size_execute0_lowered;
	s4 =	sadd.s32 s4, s6;
	[dreg:$0x0] =	wrdreg $0x0  }
0xae: {  	s6 =	sshll.u32 s28, $0x1;
	[dreg:$0x2] =	wrdreg s4  }
0xaf: {  	[dreg:$0x3] =	wrdreg s6  }
0xb0: {  	[dreg:$0x4] =	wrdreg $0xC0  }
0xb1: {  	_ =	task [dreg:s8], $0x5FFFF  }
0xb2: {  	[dreg:$0x1] =	wrdreg $0xFFFFFFFF  }
0xb3: {  	[dreg:$0x0] =	wrdreg $0x60  }
0xb4: {  	[dreg:$0x2] =	wrdreg s24  }
0xb5: {  	[dreg:$0x3] =	wrdreg s16  }
0xb6: {  	[dreg:$0x4] =	wrdreg s17  }
0xb7: {  	[dreg:$0x5] =	wrdreg $0xA8000  }
0xb8: {  	[dreg:$0x6] =	wrdreg $0x9  }
0xb9: {  	_ =	task.clear_ibuf [dreg:s8], $0x7FFFF;
	_ =	strace $0x90000049  }
0xba: {  	s29 =	simm.s32 $0x9;
	_ =	strace $0x8000004B  }
0xbb: {  	_ =	swait.ge [sflag:s29], $0x1  }
0xbc: {  	[sflag:s29] =	ssyncadd.s32 $0xFFFFFFFF  }
0xbd: {  	_ =	strace $0x9000004B  }
0xbe: {  	_ =	sfence  }
0xbf: {  	s30 =	sld [smem:$0x0];
	_ =	sdelay $0x2  }
0xc0: {  	s31 =	sshll.u32 s1, $0xD;
	s1 =	sshrl.u32 s1, $0x2  }
0xc1: {  	s3 =	sand.u32 $0x4000, s31;
	s1 =	sadd.s32 s1, s30  }
0xc2: {  	s0 =	sor.u32 s3, s0;
	s1 =	sshll.u32 s1, $0x11  }
0xc3: {  	s0 =	sor.u32 s1, s0  }
0xc4: {  	s0 =	sadd.s32 $0x8F2B, s0  }
0xc5: {  	[sflag:s0] =	ssyncadd.remote.s32 $0x1  }
0xc6: {  	_ =	sfence.sel $0xFFFF  }
0xc7: {  	[dreg:$0x0] =	wrdreg $0xFFFFFFFF;
	(pc) =	sbr.abs _section_cstart, $3  }
0xc8: {  	[dreg:$0x1] =	wrdreg $0xFFFFFFFF  }
0xc9: {  	_ =	task.clear_ibuf [dreg:s8], $0x2FFFF;
	_ =	strace $0x9FFFFFFF  }
0xca: {  	(tm) =	ssettm $0x7FFFFFFF  }
0xcb: {  	_ =	shalt  }
tec
execute0_lowered:
.L_overlay_start_1:
0x0: {  	(tag) =	ssettag $0x1  }
0x1: {  	s5 =	rddreg [dreg:$0x0]  }
0x2: {  	s9 =	rddreg [dreg:$0x1]  }
0x3: {  	s10 =	rddreg [dreg:$0x2]  }
0x4: {  	s2 =	rddreg [dreg:$0x3]  }
0x5: {  	s0 =	rddreg [dreg:$0x4]  }
0x6: {  	s1 =	stileid.u32;
	s4 =	srdreg.scid;
	s3 =	simm.s32 $0x0  }
0x7: {  	s16 =	simm.s32 $0x80;
	s17 =	simm.s32 $0x2800;
	s18 =	simm.s32 $0x1  }
0x8: {  	s19 =	simm.s32 $0x6800;
	s20 =	simm.s32 $0x1380;
	s21 =	simm.s32 $0x2700  }
0x9: {  	s22 =	simm.s32 $0x2780;
	s23 =	simm.s32 $0x0;
	s6 =	smul.u32 $0x14000, s1  }
0xa: {  	s7 =	sand.u32 $0x1, s4;
	[smem:$0x7FF] =	sst s3;
	s26 =	smul.u32 $0x50000, s1  }
0xb: {  	s4 =	sadd.s32 $0x55200, s5;
	s30 =	sshll.u32 s1, $0x6;
	s8 =	smul.u32 $0x140000, s7  }
0xc: {  	_ =	strace $0x8000004A;
	s12 =	sshll.u32 s7, $0x4;
	s28 =	ssub.s32 $0x2, s7  }
0xd: {  	s11 =	sshrl.u32 s6, $0x3;
	s29 =	sor.u32 s1, s12;
	s7 =	sshrl.u32 s28, $0x1  }
0xe: {  	s11 =	sadd.s32 s11, s5;
	s6 =	sadd.s32 s6, s8;
	s8 =	sshrl.u32 s26, $0x2  }
0xf: {  	s12 =	smul.u32 $0x2800, s29;
	s14 =	ssub.s32 s28, s7;
	s6 =	sshrl.u32 s6, $0x3  }
0x10: {  	s15 =	sadd.s32 s8, s2;
	s13 =	sadd.s32 s6, s5;
	s5 =	sadd.s32 $0x7D200, s11  }
0x11: {  	s6 =	sor.u32 $0x1C02, s30;
	s31 =	sshrl.u32 s12, $0x3;
	s12 =	smax.u32 s14, $0x1  }
0x12: {  	s14 =	simm.s32 $0x2;
	s7 =	sadd.s32 s9, s31;
	s11 =	sadd.s32 $0x280, s31  }
0x13: {  	s8 =	sadd.s32 s10, s31;
	s9 =	sadd.s32 s9, s11;
	s10 =	sadd.s32 s10, s11  }
0x14: {  	s11 =	sadd.s32 $0xA5200, s13;
	s13 =	sshrl.u32 s15, $0x3;
	s15 =	simm.s32 $0x1400  }
.LBB2_1:
0x15: {  	[spmem:s13], [sflag:s6] =	dma.local [hbm:s5], $0x2800  }
0x16: {  	_ =	swait.ge [sflag:s14], $0x2800  }
0x17: {  	[sflag:s14] =	ssyncset.done $0x0  }
0x18: {  	[sflag:s14] =	ssyncadd.s32 $0xFFFFD800  }
0x19: {  	[bflag:$0x0] =	sbarrier.arrive $0xFFFF  }
0x1a: {  	[tilespmem:s3], [sflag:$0x2] =	stream.linear.gather [hbm4b:s7+s3], $0x1400, $0x38;
	[tilespmem:$0x1E800] =	vst v63  }
0x1b: {  	_ =	swait.ge [sflag:s14], $0x1400  }
0x1c: {  	[sflag:s14] =	ssyncset.done $0x0  }
0x1d: {  	[sflag:s14] =	ssyncadd.s32 $0xFFFFEC00  }
0x1e: {  	[tilespmem:s15], [sflag:$0x2] =	stream.linear.gather [hbm4b:s8+s3], $0x1400, $0x38;
	[tilespmem:$0x1E800] =	vst v63  }
0x1f: {  	_ =	swait.ge [sflag:s14], $0x1400  }
0x20: {  	[sflag:s14] =	ssyncset.done $0x0  }
0x21: {  	[sflag:s14] =	ssyncadd.s32 $0xFFFFEC00  }
0x22: {  	[tilespmem:s17], [sflag:$0x1] =	stream.indirect.gather [hbm4b:s4+s16], $0x80, s3, s16, $0xb8;
	[tilespmem:$0x1E800] =	vst v63  }
0x23: {  	_ =	swait.ge [sflag:s18], $0x4000  }
0x24: {  	[sflag:s18] =	ssyncset.done $0x0  }
0x25: {  	s24 =	simm.s32 $0x80;
	[sflag:s18] =	ssyncadd.s32 $0xFFFFC000  }
0x26: {  	[tilespmem:s19], [sflag:$0x1] =	stream.indirect.gather [hbm4b:s4+s16], $0x80, s24, s16, $0xb8;
	[tilespmem:$0x1E800] =	vst v63  }
0x27: {  	s29 =	simm.s32 $0x1400  }
0x28: {  	[spmem:s2] =	stream.indirect.scatter.add.f32 [tilespmem:s17], [sflag:$0x2], $0x80, s29, s16, $0xb8;
	[tilespmem:$0x1E800] =	vst v63  }
0x29: {  	_ =	swait.ge [sflag:s14], $0x4000  }
0x2a: {  	[sflag:s14] =	ssyncset.done $0x0  }
0x2b: {  	[sflag:s14] =	ssyncadd.s32 $0xFFFFC000  }
0x2c: {  	_ =	swait.ge [sflag:s18], $0x4000  }
0x2d: {  	[sflag:s18] =	ssyncset.done $0x0  }
0x2e: {  	s30 =	simm.s32 $0x100;
	[sflag:s18] =	ssyncadd.s32 $0xFFFFC000  }
0x2f: {  	[tilespmem:s17], [sflag:$0x1] =	stream.indirect.gather [hbm4b:s4+s16], $0x80, s30, s16, $0xb8;
	[tilespmem:$0x1E800] =	vst v63  }
0x30: {  	s31 =	simm.s32 $0x1480  }
0x31: {  	[spmem:s2] =	stream.indirect.scatter.add.f32 [tilespmem:s19], [sflag:$0x2], $0x80, s31, s16, $0xb8;
	[tilespmem:$0x1E800] =	vst v63  }
0x32: {  	_ =	swait.ge [sflag:s14], $0x4000  }
0x33: {  	[sflag:s14] =	ssyncset.done $0x0  }
0x34: {  	[sflag:s14] =	ssyncadd.s32 $0xFFFFC000  }
0x35: {  	_ =	swait.ge [sflag:s18], $0x4000  }
0x36: {  	s25 =	simm.s32 $0x800;
	s24 =	simm.s32 $0x100;
	[sflag:s18] =	ssyncset.done $0x0  }
.LBB2_2:
0x37: {  	s26 =	sadd.s32 $0x80, s24  }
0x38: {  	[sflag:s18] =	ssyncadd.s32 $0xFFFFC000;
	s28 =	smov.u32 s25;
	s29 =	sadd.s32 $0x400, s25  }
0x39: {  	[tilespmem:s19], [sflag:$0x1] =	stream.indirect.gather [hbm4b:s4+s16], $0x80, s26, s16, $0xb8;
	[tilespmem:$0x1E800] =	vst v63  }
0x3a: {  	p0 =	sne.s32 s25, $0x4800;
	s25 =	sadd.s32 $0x1400, s24  }
0x3b: {  	[spmem:s2] =	stream.indirect.scatter.add.f32 [tilespmem:s17], [sflag:$0x2], $0x80, s25, s16, $0xb8;
	[tilespmem:$0x1E800] =	vst v63  }
0x3c: {  	_ =	swait.ge [sflag:s14], $0x4000  }
0x3d: {  	[sflag:s14] =	ssyncset.done $0x0  }
0x3e: {  	[sflag:s14] =	ssyncadd.s32 $0xFFFFC000  }
0x3f: {  	_ =	swait.ge [sflag:s18], $0x4000  }
0x40: {  	[sflag:s18] =	ssyncset.done $0x0  }
0x41: {  	s25 =	sadd.s32 $0x100, s24;
	[sflag:s18] =	ssyncadd.s32 $0xFFFFC000  }
0x42: {  	[tilespmem:s17], [sflag:$0x1] =	stream.indirect.gather [hbm4b:s4+s16], $0x80, s25, s16, $0xb8;
	[tilespmem:$0x1E800] =	vst v63  }
0x43: {  	s24 =	sadd.s32 $0x1480, s24  }
0x44: {  	[spmem:s2] =	stream.indirect.scatter.add.f32 [tilespmem:s19], [sflag:$0x2], $0x80, s24, s16, $0xb8;
	[tilespmem:$0x1E800] =	vst v63  }
.Ltmp0:
0x45: {  	_ =	swait.ge [sflag:s14], $0x4000;
	(pc) =	sbr.rel @p0 .LBB2_2-.Ltmp0, $4  }
0x46: {  	[sflag:s14] =	ssyncset.done $0x0  }
0x47: {  	[sflag:s14] =	ssyncadd.s32 $0xFFFFC000  }
0x48: {  	_ =	swait.ge [sflag:s18], $0x4000  }
0x49: {  	s25 =	smov.u32 s29;
	s24 =	sshra.s32 s28, $0x2;
	[sflag:s18] =	ssyncset.done $0x0  }
0x4a: {  	s25 =	sadd.s32 $0x80, s24;
	[sflag:s18] =	ssyncadd.s32 $0xFFFFC000  }
0x4b: {  	[tilespmem:s19], [sflag:$0x1] =	stream.indirect.gather [hbm4b:s4+s16], $0x80, s25, s16, $0xb8;
	[tilespmem:$0x1E800] =	vst v63  }
0x4c: {  	s30 =	sadd.s32 $0x1400, s24  }
0x4d: {  	[spmem:s2] =	stream.indirect.scatter.add.f32 [tilespmem:s17], [sflag:$0x2], $0x80, s30, s16, $0xb8;
	[tilespmem:$0x1E800] =	vst v63  }
0x4e: {  	_ =	swait.ge [sflag:s14], $0x4000  }
0x4f: {  	[sflag:s14] =	ssyncset.done $0x0  }
0x50: {  	[sflag:s14] =	ssyncadd.s32 $0xFFFFC000  }
0x51: {  	_ =	swait.ge [sflag:s18], $0x4000  }
0x52: {  	[sflag:s18] =	ssyncset.done $0x0  }
0x53: {  	s31 =	sadd.s32 $0x100, s24;
	[sflag:s18] =	ssyncadd.s32 $0xFFFFC000  }
0x54: {  	[tilespmem:s17], [sflag:$0x1] =	stream.indirect.gather [hbm4b:s4+s16], $0x80, s31, s16, $0xb8;
	[tilespmem:$0x1E800] =	vst v63  }
0x55: {  	s25 =	sadd.s32 $0x1480, s24  }
0x56: {  	[spmem:s2] =	stream.indirect.scatter.add.f32 [tilespmem:s19], [sflag:$0x2], $0x80, s25, s16, $0xb8;
	[tilespmem:$0x1E800] =	vst v63  }
0x57: {  	_ =	swait.ge [sflag:s14], $0x4000  }
0x58: {  	[sflag:s14] =	ssyncset.done $0x0  }
0x59: {  	[sflag:s14] =	ssyncadd.s32 $0xFFFFC000  }
0x5a: {  	_ =	swait.ge [sflag:s18], $0x4000  }
0x5b: {  	[sflag:s18] =	ssyncset.done $0x0  }
0x5c: {  	[sflag:s18] =	ssyncadd.s32 $0xFFFFC000  }
0x5d: {  	[tilespmem:s19], [sflag:$0x1] =	stream.indirect.gather [hbm4b:s4+s16], $0x80, s20, s16, $0xb8;
	[tilespmem:$0x1E800] =	vst v63  }
0x5e: {  	_ = 	snop  }
0x5f: {  	[spmem:s2] =	stream.indirect.scatter.add.f32 [tilespmem:s17], [sflag:$0x2], $0x80, s21, s16, $0xb8;
	[tilespmem:$0x1E800] =	vst v63  }
0x60: {  	_ =	swait.ge [sflag:s14], $0x4000  }
0x61: {  	[sflag:s14] =	ssyncset.done $0x0  }
0x62: {  	[sflag:s14] =	ssyncadd.s32 $0xFFFFC000  }
0x63: {  	_ =	swait.ge [sflag:s18], $0x4000  }
0x64: {  	[sflag:s18] =	ssyncset.done $0x0  }
0x65: {  	[sflag:s18] =	ssyncadd.s32 $0xFFFFC000  }
0x66: {  	[spmem:s2] =	stream.indirect.scatter.add.f32 [tilespmem:s19], [sflag:$0x2], $0x80, s22, s16, $0xb8;
	[tilespmem:$0x1E800] =	vst v63  }
0x67: {  	_ =	swait.ge [sflag:s14], $0x4000  }
0x68: {  	[sflag:s14] =	ssyncset.done $0x0  }
0x69: {  	s26 =	simm.s32 $0x0;
	[sflag:s14] =	ssyncadd.s32 $0xFFFFC000  }
0x6a: {  	[tilespmem:s26], [sflag:$0x2] =	stream.linear.gather [hbm4b:s9+s26], $0x1400, $0x38;
	[tilespmem:$0x1E800] =	vst v63  }
0x6b: {  	_ =	swait.ge [sflag:s14], $0x1400  }
0x6c: {  	[sflag:s14] =	ssyncset.done $0x0  }
0x6d: {  	[sflag:s14] =	ssyncadd.s32 $0xFFFFEC00  }
0x6e: {  	[tilespmem:s15], [sflag:$0x2] =	stream.linear.gather [hbm4b:s10+s26], $0x1400, $0x38;
	[tilespmem:$0x1E800] =	vst v63  }
0x6f: {  	_ =	swait.ge [sflag:s14], $0x1400  }
0x70: {  	[sflag:s14] =	ssyncset.done $0x0  }
0x71: {  	[sflag:s14] =	ssyncadd.s32 $0xFFFFEC00  }
0x72: {  	[tilespmem:s17], [sflag:$0x1] =	stream.indirect.gather [hbm4b:s4+s16], $0x80, s26, s16, $0xb8;
	[tilespmem:$0x1E800] =	vst v63  }
0x73: {  	_ =	swait.ge [sflag:s18], $0x4000  }
0x74: {  	[sflag:s18] =	ssyncset.done $0x0  }
0x75: {  	s28 =	simm.s32 $0x80;
	[sflag:s18] =	ssyncadd.s32 $0xFFFFC000  }
0x76: {  	[tilespmem:s19], [sflag:$0x1] =	stream.indirect.gather [hbm4b:s4+s16], $0x80, s28, s16, $0xb8;
	[tilespmem:$0x1E800] =	vst v63  }
0x77: {  	s29 =	simm.s32 $0x1400  }
0x78: {  	[spmem:s2] =	stream.indirect.scatter.add.f32 [tilespmem:s17], [sflag:$0x2], $0x80, s29, s16, $0xb8;
	[tilespmem:$0x1E800] =	vst v63  }
0x79: {  	_ =	swait.ge [sflag:s14], $0x4000  }
0x7a: {  	[sflag:s14] =	ssyncset.done $0x0  }
0x7b: {  	[sflag:s14] =	ssyncadd.s32 $0xFFFFC000  }
0x7c: {  	_ =	swait.ge [sflag:s18], $0x4000  }
0x7d: {  	[sflag:s18] =	ssyncset.done $0x0  }
0x7e: {  	s30 =	simm.s32 $0x100;
	[sflag:s18] =	ssyncadd.s32 $0xFFFFC000  }
0x7f: {  	[tilespmem:s17], [sflag:$0x1] =	stream.indirect.gather [hbm4b:s4+s16], $0x80, s30, s16, $0xb8;
	[tilespmem:$0x1E800] =	vst v63  }
0x80: {  	s31 =	simm.s32 $0x1480  }
0x81: {  	[spmem:s2] =	stream.indirect.scatter.add.f32 [tilespmem:s19], [sflag:$0x2], $0x80, s31, s16, $0xb8;
	[tilespmem:$0x1E800] =	vst v63  }
0x82: {  	_ =	swait.ge [sflag:s14], $0x4000  }
0x83: {  	[sflag:s14] =	ssyncset.done $0x0  }
0x84: {  	[sflag:s14] =	ssyncadd.s32 $0xFFFFC000  }
0x85: {  	_ =	swait.ge [sflag:s18], $0x4000  }
0x86: {  	s24 =	simm.s32 $0x100;
	s25 =	simm.s32 $0x800;
	[sflag:s18] =	ssyncset.done $0x0  }
.LBB2_4:
0x87: {  	s26 =	sadd.s32 $0x80, s24  }
0x88: {  	[sflag:s18] =	ssyncadd.s32 $0xFFFFC000;
	s28 =	smov.u32 s25;
	s29 =	sadd.s32 $0x400, s25  }
0x89: {  	[tilespmem:s19], [sflag:$0x1] =	stream.indirect.gather [hbm4b:s4+s16], $0x80, s26, s16, $0xb8;
	[tilespmem:$0x1E800] =	vst v63  }
0x8a: {  	p0 =	sne.s32 s25, $0x4800;
	s25 =	sadd.s32 $0x1400, s24  }
0x8b: {  	[spmem:s2] =	stream.indirect.scatter.add.f32 [tilespmem:s17], [sflag:$0x2], $0x80, s25, s16, $0xb8;
	[tilespmem:$0x1E800] =	vst v63  }
0x8c: {  	_ =	swait.ge [sflag:s14], $0x4000  }
0x8d: {  	[sflag:s14] =	ssyncset.done $0x0  }
0x8e: {  	[sflag:s14] =	ssyncadd.s32 $0xFFFFC000  }
0x8f: {  	_ =	swait.ge [sflag:s18], $0x4000  }
0x90: {  	[sflag:s18] =	ssyncset.done $0x0  }
0x91: {  	s25 =	sadd.s32 $0x100, s24;
	[sflag:s18] =	ssyncadd.s32 $0xFFFFC000  }
0x92: {  	[tilespmem:s17], [sflag:$0x1] =	stream.indirect.gather [hbm4b:s4+s16], $0x80, s25, s16, $0xb8;
	[tilespmem:$0x1E800] =	vst v63  }
0x93: {  	s24 =	sadd.s32 $0x1480, s24  }
0x94: {  	[spmem:s2] =	stream.indirect.scatter.add.f32 [tilespmem:s19], [sflag:$0x2], $0x80, s24, s16, $0xb8;
	[tilespmem:$0x1E800] =	vst v63  }
.Ltmp1:
0x95: {  	_ =	swait.ge [sflag:s14], $0x4000;
	(pc) =	sbr.rel @p0 .LBB2_4-.Ltmp1, $4  }
0x96: {  	[sflag:s14] =	ssyncset.done $0x0  }
0x97: {  	[sflag:s14] =	ssyncadd.s32 $0xFFFFC000  }
0x98: {  	_ =	swait.ge [sflag:s18], $0x4000  }
0x99: {  	s25 =	smov.u32 s29;
	s24 =	sshra.s32 s28, $0x2;
	[sflag:s18] =	ssyncset.done $0x0  }
0x9a: {  	s25 =	sadd.s32 $0x80, s24;
	[sflag:s18] =	ssyncadd.s32 $0xFFFFC000  }
0x9b: {  	[tilespmem:s19], [sflag:$0x1] =	stream.indirect.gather [hbm4b:s4+s16], $0x80, s25, s16, $0xb8;
	[tilespmem:$0x1E800] =	vst v63  }
0x9c: {  	s29 =	sadd.s32 $0x1400, s24  }
0x9d: {  	[spmem:s2] =	stream.indirect.scatter.add.f32 [tilespmem:s17], [sflag:$0x2], $0x80, s29, s16, $0xb8;
	[tilespmem:$0x1E800] =	vst v63  }
0x9e: {  	_ =	swait.ge [sflag:s14], $0x4000  }
0x9f: {  	[sflag:s14] =	ssyncset.done $0x0  }
0xa0: {  	[sflag:s14] =	ssyncadd.s32 $0xFFFFC000  }
0xa1: {  	_ =	swait.ge [sflag:s18], $0x4000  }
0xa2: {  	[sflag:s18] =	ssyncset.done $0x0  }
0xa3: {  	s30 =	sadd.s32 $0x100, s24;
	[sflag:s18] =	ssyncadd.s32 $0xFFFFC000  }
0xa4: {  	[tilespmem:s17], [sflag:$0x1] =	stream.indirect.gather [hbm4b:s4+s16], $0x80, s30, s16, $0xb8;
	[tilespmem:$0x1E800] =	vst v63  }
0xa5: {  	s31 =	sadd.s32 $0x1480, s24  }
0xa6: {  	[spmem:s2] =	stream.indirect.scatter.add.f32 [tilespmem:s19], [sflag:$0x2], $0x80, s31, s16, $0xb8;
	[tilespmem:$0x1E800] =	vst v63  }
0xa7: {  	_ =	swait.ge [sflag:s14], $0x4000  }
0xa8: {  	[sflag:s14] =	ssyncset.done $0x0  }
0xa9: {  	[sflag:s14] =	ssyncadd.s32 $0xFFFFC000  }
0xaa: {  	_ =	swait.ge [sflag:s18], $0x4000  }
0xab: {  	[sflag:s18] =	ssyncset.done $0x0  }
0xac: {  	[sflag:s18] =	ssyncadd.s32 $0xFFFFC000  }
0xad: {  	[tilespmem:s19], [sflag:$0x1] =	stream.indirect.gather [hbm4b:s4+s16], $0x80, s20, s16, $0xb8;
	[tilespmem:$0x1E800] =	vst v63  }
0xae: {  	_ = 	snop  }
0xaf: {  	[spmem:s2] =	stream.indirect.scatter.add.f32 [tilespmem:s17], [sflag:$0x2], $0x80, s21, s16, $0xb8;
	[tilespmem:$0x1E800] =	vst v63  }
0xb0: {  	_ =	swait.ge [sflag:s14], $0x4000  }
0xb1: {  	[sflag:s14] =	ssyncset.done $0x0  }
0xb2: {  	[sflag:s14] =	ssyncadd.s32 $0xFFFFC000  }
0xb3: {  	_ =	swait.ge [sflag:s18], $0x4000  }
0xb4: {  	[sflag:s18] =	ssyncset.done $0x0  }
0xb5: {  	[sflag:s18] =	ssyncadd.s32 $0xFFFFC000  }
0xb6: {  	[spmem:s2] =	stream.indirect.scatter.add.f32 [tilespmem:s19], [sflag:$0x2], $0x80, s22, s16, $0xb8;
	[tilespmem:$0x1E800] =	vst v63  }
0xb7: {  	_ =	swait.ge [sflag:s14], $0x4000  }
0xb8: {  	s23 =	sadd.s32 $0x1, s23;
	[sflag:s14] =	ssyncset.done $0x0  }
0xb9: {  	p0 =	sne.s32 s23, s12;
	[sflag:s14] =	ssyncadd.s32 $0xFFFFC000  }
.Ltmp2:
0xba: {  	[bflag:$0x0] =	sbarrier.arrive $0xFFFF;
	(pc) =	sbr.rel @p0 .LBB2_1-.Ltmp2, $4  }
0xbb: {  	[hbm:s11], [sflag:s6] =	dma.local [spmem:s13], $0x2800  }
0xbc: {  	_ =	swait.ge [sflag:s14], $0x2800  }
0xbd: {  	[sflag:s14] =	ssyncset.done $0x0  }
0xbe: {  	[sflag:s14] =	ssyncadd.s32 $0xFFFFD800  }
0xbf: {  	_ =	sfence.sel $0x180000  }
0xc0: {  	[bflag:$0x0] =	sbarrier.arrive $0xFFFF  }
0xc1: {  	p0 =	sne.s32 s1, $0x0;
	_ =	strace $0x9000004A  }
0xc2: {  	s0 =	sadd.s32 @!p0 $0x100000, s0;
	[bflag:$0x2] =	sbarrier.arrive $0xFFFF  }
0xc3: {  	[sflag:s0] =	ssyncadd.tile.s32 @!p0 $0x1;
	_ =	shalt  }
.Lfunc_end2:
_tile_overlayer_lowered:
.L_overlay_start_2:
0xc4: {  	(tag) =	ssettag $0x2  }
0xc5: {  	s0 =	rddreg [dreg:$0x0];
	s2 =	stileid.u32  }
0xc6: {  	s1 =	rddreg [dreg:$0x1];
	p0 =	sne.s32 s2, $0x0  }
0xc7: {  	s3 =	rddreg [dreg:$0x2];
	[bflag:$0x3] =	sbarrier.arrive $0xFFFF;
	s2 =	simm.s32 @!p0 $0x1C02  }
0xc8: {  	[timem:s3], [sflag:s2] =	dma.local @!p0 [hbm:s0], s1  }
0xc9: {  	s0 =	simm.s32 @!p0 $0x2  }
0xca: {  	_ =	swait.ge @!p0 [sflag:s0], s1  }
0xcb: {  	s1 =	ssub.s32 @!p0 $0x0, s1;
	[sflag:s0] =	ssyncset.done @!p0 $0x0  }
0xcc: {  	[sflag:s0] =	ssyncadd.s32 @!p0 s1  }
0xcd: {  	[bflag:$0x3] =	sbarrier.arrive $0xFFFF  }
0xce: {  	_ =	shalt  }

// kernel: kernel.14.cloned.1.call-start
scs
__scs_entry_jumppad:
0x0: {  	(pc) =	sbr.rel $0x88, $3  }
0x1: {  	(tag) =	ssettag $0x0;
	lr =	simm.s32 $0x1  }
0x2: {  	[smem:$0x3F8E] =	sst lr;
	_ =	strace $0xD0000000  }
0x3: {  	_ = 	snop  }
0x4: {  	_ = 	snop  }
0x5: {  	_ = 	snop  }
0x6: {  	_ = 	snop  }
0x7: {  	_ = 	snop  }
__scs_overlays_trampoline_lowered:
0x8: {  	[smem:$0x3F9D] =	sst s0  }
0x9: {  	[smem:$0x3F9E] =	sst s1  }
0xa: {  	[smem:$0x3F9F] =	sst s2  }
0xb: {  	[smem:$0x3FA0] =	sst s3  }
0xc: {  	[smem:$0x3FA1] =	sst s4  }
0xd: {  	[smem:$0x3FA2] =	sst s5  }
0xe: {  	[smem:$0x3FA3] =	sst s6  }
0xf: {  	[smem:$0x3FA4] =	sst s7  }
0x10: {  	[smem:$0x3FA5] =	sst s8  }
0x11: {  	[smem:$0x3FA6] =	sst s9;
	s0 =	simm.s32 @!p0 $0x0  }
0x12: {  	s1 =	sld [smem:$0x3F8C];
	s0 =	simm.s32 @p0 $0x1  }
0x13: {  	[smem:$0x3FA7] =	sst s0;
	s0 =	simm.s32 @!p1 $0x0  }
0x14: {  	s2 =	sld [smem:$0x3F8B];
	s0 =	simm.s32 @p1 $0x1  }
0x15: {  	[smem:$0x3FA8] =	sst s0;
	s0 =	simm.s32 @!p2 $0x0  }
0x16: {  	s3 =	sld [smem:$0x3FDB];
	s0 =	simm.s32 @p2 $0x1  }
0x17: {  	s4 =	simm.s32 $0x1BF5;
	[smem:$0x3FAA] =	sst s0  }
0x18: {  	s0 =	sld [smem:$0x3F8D];
	_ =	swait.ge [sflag:s4], $0x0  }
0x19: {  	s7 =	sld [smem:$0x3F8E]  }
0x1a: {  	s8 =	sadd.s32 $0xFFFFE003, lr  }
0x1b: {  	s9 =	sadd.s32 $0xFFFFFEF7, lr;
	s5 =	simm.s32 $0xFFFFFFFF;
	p2 =	slt.u32 s8, $0xFFFFF086  }
0x1c: {  	p1 =	slt.u32 s9, $0xF7A;
	s5 =	simm.s32 @!p2 $0x0  }
0x1d: {  	s5 =	simm.s32 @p1 $0x1;
	p0 =	seq.s32 s7, s2  }
0x1e: {  	s7 =	smul.u32 @!p0 $0xF7A, s2;
	p2 =	seq.s32 @!p0 s5, $0x0  }
0x1f: {  	s9 =	smul.u32 $0xF7A, s1;
	s8 =	simm.s32 @!p0 $0x1BF5;
	p2 =	por !p2, p0  }
0x20: {  	[sflag:s8] =	ssyncset.s32 @!p0 $0xFFFFF086;
	s6 =	sadd.s32 @!p0 s3, s7;
	s7 =	simm.s32 @!p0 $0x108  }
0x21: {  	s3 =	sadd.s32 s3, s9;
	s6 =	sadd.s32 @!p0 $0x88, s6;
	s7 =	simm.s32 @p2 $0x1082  }
0x22: {  	[simem:s7], [sflag:s8] =	dma.local @!p0 [hbm:s6], $0xF7A  }
0x23: {  	s9 =	sor.u32 $0xD0000000, s2;
	s6 =	simm.s32 $0x108;
	_ =	swait.ge @!p0 [sflag:s8], $0x0  }
0x24: {  	s3 =	sadd.s32 $0x88, s3;
	s6 =	simm.s32 @!p1 $0x1082;
	[sflag:s4] =	ssyncset.s32 $0xFFFFF086  }
0x25: {  	[simem:s6], [sflag:s4] =	dma.local [hbm:s3], $0xF7A  }
0x26: {  	[smem:$0x3F8E] =	sst s1;
	(tag) =	ssettag s2;
	_ =	strace s9  }
0x27: {  	s1 =	sld [smem:$0x3F9E]  }
0x28: {  	s2 =	sld [smem:$0x3F9F]  }
0x29: {  	s4 =	sld [smem:$0x3FA1]  }
0x2a: {  	p0 =	seq.s32 s5, $0x0;
	s5 =	sld [smem:$0x3FA2]  }
0x2b: {  	s6 =	sld [smem:$0x3FA3]  }
0x2c: {  	s7 =	sld [smem:$0x3FA4]  }
0x2d: {  	s3 =	simm.s32 $0x108;
	s8 =	sld [smem:$0x3FA5]  }
0x2e: {  	s3 =	simm.s32 @!p0 $0x1082;
	s9 =	sld [smem:$0x3FA6]  }
0x2f: {  	lr =	sadd.s32 s0, s3;
	s0 =	sld [smem:$0x3F9D]  }
0x30: {  	s3 =	sld [smem:$0x3FA0]  }
0x31: {  	[smem:$0x3FA9] =	sst s10  }
0x32: {  	s10 =	sld [smem:$0x3FA7];
	_ =	sdelay $0x3  }
0x33: {  	p0 =	seq.s32 s10, $0x1;
	s10 =	sld [smem:$0x3FA9];
	_ =	sdelay $0x3  }
0x34: {  	[smem:$0x3FA9] =	sst s10  }
0x35: {  	s10 =	sld [smem:$0x3FA8];
	_ =	sdelay $0x3  }
0x36: {  	p1 =	seq.s32 s10, $0x1;
	s10 =	sld [smem:$0x3FA9];
	_ =	sdelay $0x3  }
0x37: {  	[smem:$0x3FA9] =	sst s10  }
0x38: {  	s10 =	sld [smem:$0x3FAA]  }
0x39: {  	_ = 	snop;
	(pc) =	sbr.ind lr, $3  }
0x3a: {  	_ = 	snop  }
0x3b: {  	_ = 	snop  }
0x3c: {  	p2 =	seq.s32 s10, $0x1;
	s10 =	sld [smem:$0x3FA9]  }
0x3d: {  	_ =	shalt  }
0x3e: {  	_ =	shalt  }
0x3f: {  	_ =	shalt  }
0x40: {  	_ =	shalt  }
0x41: {  	_ =	shalt  }
0x42: {  	_ =	shalt  }
0x43: {  	_ =	shalt  }
0x44: {  	_ =	shalt  }
0x45: {  	_ =	shalt  }
0x46: {  	_ =	shalt  }
0x47: {  	_ =	shalt  }
0x48: {  	_ =	shalt  }
0x49: {  	_ =	shalt  }
0x4a: {  	_ =	shalt  }
0x4b: {  	_ =	shalt  }
0x4c: {  	_ =	shalt  }
0x4d: {  	_ =	shalt  }
0x4e: {  	_ =	shalt  }
0x4f: {  	_ =	shalt  }
0x50: {  	_ =	shalt  }
0x51: {  	_ =	shalt  }
0x52: {  	_ =	shalt  }
0x53: {  	_ =	shalt  }
0x54: {  	_ =	shalt  }
0x55: {  	_ =	shalt  }
0x56: {  	_ =	shalt  }
0x57: {  	_ =	shalt  }
0x58: {  	_ =	shalt  }
0x59: {  	_ =	shalt  }
0x5a: {  	_ =	shalt  }
0x5b: {  	_ =	shalt  }
0x5c: {  	_ =	shalt  }
0x5d: {  	_ =	shalt  }
0x5e: {  	_ =	shalt  }
0x5f: {  	_ =	shalt  }
0x60: {  	_ =	shalt  }
0x61: {  	_ =	shalt  }
0x62: {  	_ =	shalt  }
0x63: {  	_ =	shalt  }
0x64: {  	_ =	shalt  }
0x65: {  	_ =	shalt  }
0x66: {  	_ =	shalt  }
0x67: {  	_ =	shalt  }
0x68: {  	_ =	shalt  }
0x69: {  	_ =	shalt  }
0x6a: {  	_ =	shalt  }
0x6b: {  	_ =	shalt  }
0x6c: {  	_ =	shalt  }
0x6d: {  	_ =	shalt  }
0x6e: {  	_ =	shalt  }
0x6f: {  	_ =	shalt  }
0x70: {  	_ =	shalt  }
0x71: {  	_ =	shalt  }
0x72: {  	_ =	shalt  }
0x73: {  	_ =	shalt  }
0x74: {  	_ =	shalt  }
0x75: {  	_ =	shalt  }
0x76: {  	_ =	shalt  }
0x77: {  	_ =	shalt  }
0x78: {  	_ =	shalt  }
0x79: {  	_ =	shalt  }
0x7a: {  	_ =	shalt  }
0x7b: {  	_ =	shalt  }
0x7c: {  	_ =	shalt  }
0x7d: {  	_ =	shalt  }
0x7e: {  	_ =	shalt  }
0x7f: {  	_ =	shalt  }
0x80: {  	_ =	shalt  }
0x81: {  	_ =	shalt  }
0x82: {  	_ =	shalt  }
0x83: {  	_ =	shalt  }
0x84: {  	_ =	shalt  }
0x85: {  	_ =	shalt  }
0x86: {  	_ =	shalt  }
0x87: {  	_ =	shalt  }
.Lfunc_end0:
.L_simem_size_0:
called_computation.2_lowered:
.L_overlay_start_0:
0x88: {  	s2 =	sld [smem:$0x3FD9]  }
0x89: {  	s3 =	sld [smem:$0x3FFE];
	_ =	sdelay $0x1  }
0x8a: {  	s1 =	srdreg.scid  }
0x8b: {  	s0 =	sand.u32 $0x1, s1  }
0x8c: {  	s14 =	sshll.u32 s0, $0xA;
	s2 =	sadd.s32 s3, s2  }
0x8d: {  	s2 =	sadd.s32 s2, s14  }
0x8e: {  	[smem:$0x3FB5] =	sst s2  }
0x8f: {  	_ = 	snop  }
0x90: {  	s2 =	sld [smem:$0x3FD0];
	_ =	sdelay $0x2  }
0x91: {  	s15 =	simm.s32 $0xA;
	s4 =	simm.s32 $0x10  }
0x92: {  	[smem:s4], [sflag:s15] =	dma.local [hbm:s2], $0x1  }
0x93: {  	_ =	swait.eq [sflag:s15], $0x1  }
0x94: {  	[sflag:s15] =	ssyncset.done $0x0  }
0x95: {  	s16 =	sld [smem:$0x10];
	[sflag:s15] =	ssyncadd.s32 $0xFFFFFFFF  }
0x96: {  	s17 =	sld [smem:$0x11];
	(tm) =	ssettm $0x1  }
0x97: {  	s18 =	sld [smem:$0x3FFB];
	_ =	sdelay $0x3  }
0x98: {  	_ =	strace s18  }
0x99: {  	s4 =	sld [smem:$0x3FFC];
	_ =	sdelay $0x3  }
0x9a: {  	_ =	strace s4  }
0x9b: {  	s4 =	sld [smem:$0x3FFD];
	_ =	sdelay $0x3  }
0x9c: {  	_ =	strace s4  }
0x9d: {  	_ =	strace $0x8FFFFFFF  }
0x9e: {  	s19 =	sld [smem:$0x3FDB];
	_ =	sdelay $0x1  }
0x9f: {  	s5 =	simm.s32 $_scs_section_size  }
0xa0: {  	s6 =	simm.s32 $_size__tile_overlayer_lowered;
	s7 =	simm.s32 $_tile_overlayer_lowered  }
0xa1: {  	s22 =	simm.s32 $0x1BFF;
	s21 =	sshll.u32 s7, $0x1;
	s4 =	sadd.s32 s5, s19  }
0xa2: {  	s8 =	simm.s32 $0x0;
	s20 =	sshll.u32 s6, $0x1;
	s6 =	sadd.s32 s21, s4  }
0xa3: {  	[timem:s8], [sflag:s22] =	dma.local [hbm:s6], s20  }
0xa4: {  	_ =	swait.ge [sflag:s22], s20  }
0xa5: {  	s5 =	ssub.s32 $0x0, s20;
	[sflag:s22] =	ssyncset.done $0x0  }
0xa6: {  	[sflag:s22] =	ssyncadd.s32 s5;
	_ =	sdelay $0x1  }
0xa7: {  	s23 =	simm.s32 $0x1B8B  }
0xa8: {  	_ =	swait.ge [sflag:s23], $0x1  }
0xa9: {  	[sflag:s23] =	ssyncset.done $0x0  }
0xaa: {  	s25 =	simm.s32 $0x1B8E;
	s24 =	sld [smem:$0x3FFE];
	[sflag:s23] =	ssyncadd.s32 $0xFFFFFFFF  }
0xab: {  	s26 =	simm.s32 $execute0_lowered;
	[smem:$0x3FD2] =	sst s25  }
0xac: {  	s6 =	sshll.u32 s26, $0x1;
	_ =	strace $0x8000004C;
	[dreg:$0x1] =	wrdreg $0xFFFFFFFF  }
0xad: {  	s28 =	simm.s32 $_size_execute0_lowered;
	s4 =	sadd.s32 s4, s6;
	[dreg:$0x0] =	wrdreg $0x0  }
0xae: {  	s6 =	sshll.u32 s28, $0x1;
	[dreg:$0x2] =	wrdreg s4  }
0xaf: {  	[dreg:$0x3] =	wrdreg s6  }
0xb0: {  	[dreg:$0x4] =	wrdreg $0xC0  }
0xb1: {  	_ =	task [dreg:s8], $0x5FFFF  }
0xb2: {  	[dreg:$0x1] =	wrdreg $0xFFFFFFFF  }
0xb3: {  	[dreg:$0x0] =	wrdreg $0x60  }
0xb4: {  	[dreg:$0x2] =	wrdreg s24  }
0xb5: {  	[dreg:$0x3] =	wrdreg s16  }
0xb6: {  	[dreg:$0x4] =	wrdreg s17  }
0xb7: {  	[dreg:$0x5] =	wrdreg $0xA8000  }
0xb8: {  	[dreg:$0x6] =	wrdreg $0x9  }
0xb9: {  	_ =	task.clear_ibuf [dreg:s8], $0x7FFFF;
	_ =	strace $0x9000004C  }
0xba: {  	s29 =	simm.s32 $0x9;
	_ =	strace $0x8000004E  }
0xbb: {  	_ =	swait.ge [sflag:s29], $0x1  }
0xbc: {  	[sflag:s29] =	ssyncadd.s32 $0xFFFFFFFF  }
0xbd: {  	_ =	strace $0x9000004E  }
0xbe: {  	_ =	sfence  }
0xbf: {  	s30 =	sld [smem:$0x0];
	_ =	sdelay $0x2  }
0xc0: {  	s31 =	sshll.u32 s1, $0xD;
	s1 =	sshrl.u32 s1, $0x2  }
0xc1: {  	s3 =	sand.u32 $0x4000, s31;
	s1 =	sadd.s32 s1, s30  }
0xc2: {  	s0 =	sor.u32 s3, s0;
	s1 =	sshll.u32 s1, $0x11  }
0xc3: {  	s0 =	sor.u32 s1, s0  }
0xc4: {  	s0 =	sadd.s32 $0x8F2B, s0  }
0xc5: {  	[sflag:s0] =	ssyncadd.remote.s32 $0x1  }
0xc6: {  	_ =	sfence.sel $0xFFFF  }
0xc7: {  	[dreg:$0x0] =	wrdreg $0xFFFFFFFF;
	(pc) =	sbr.abs _section_cstart, $3  }
0xc8: {  	[dreg:$0x1] =	wrdreg $0xFFFFFFFF  }
0xc9: {  	_ =	task.clear_ibuf [dreg:s8], $0x2FFFF;
	_ =	strace $0x9FFFFFFF  }
0xca: {  	(tm) =	ssettm $0x7FFFFFFF  }
0xcb: {  	_ =	shalt  }
tec
execute0_lowered:
.L_overlay_start_1:
0x0: {  	(tag) =	ssettag $0x1  }
0x1: {  	s5 =	rddreg [dreg:$0x0]  }
0x2: {  	s9 =	rddreg [dreg:$0x1]  }
0x3: {  	s10 =	rddreg [dreg:$0x2]  }
0x4: {  	s2 =	rddreg [dreg:$0x3]  }
0x5: {  	s0 =	rddreg [dreg:$0x4]  }
0x6: {  	s1 =	stileid.u32;
	s4 =	srdreg.scid;
	s3 =	simm.s32 $0x0  }
0x7: {  	s16 =	simm.s32 $0x80;
	s17 =	simm.s32 $0x2800;
	s18 =	simm.s32 $0x1  }
0x8: {  	s19 =	simm.s32 $0x6800;
	s20 =	simm.s32 $0x1380;
	s21 =	simm.s32 $0x2700  }
0x9: {  	s22 =	simm.s32 $0x2780;
	s23 =	simm.s32 $0x0;
	s6 =	smul.u32 $0x14000, s1  }
0xa: {  	s7 =	sand.u32 $0x1, s4;
	[smem:$0x7FF] =	sst s3;
	s26 =	smul.u32 $0x50000, s1  }
0xb: {  	s4 =	sadd.s32 $0x55200, s5;
	s30 =	sshll.u32 s1, $0x6;
	s8 =	smul.u32 $0x140000, s7  }
0xc: {  	_ =	strace $0x8000004D;
	s12 =	sshll.u32 s7, $0x4;
	s28 =	ssub.s32 $0x2, s7  }
0xd: {  	s11 =	sshrl.u32 s6, $0x3;
	s29 =	sor.u32 s1, s12;
	s7 =	sshrl.u32 s28, $0x1  }
0xe: {  	s11 =	sadd.s32 s11, s5;
	s6 =	sadd.s32 s6, s8;
	s8 =	sshrl.u32 s26, $0x2  }
0xf: {  	s12 =	smul.u32 $0x2800, s29;
	s14 =	ssub.s32 s28, s7;
	s6 =	sshrl.u32 s6, $0x3  }
0x10: {  	s15 =	sadd.s32 s8, s2;
	s13 =	sadd.s32 s6, s5;
	s5 =	sadd.s32 $0x7D200, s11  }
0x11: {  	s6 =	sor.u32 $0x1C02, s30;
	s31 =	sshrl.u32 s12, $0x3;
	s12 =	smax.u32 s14, $0x1  }
0x12: {  	s14 =	simm.s32 $0x2;
	s7 =	sadd.s32 s9, s31;
	s11 =	sadd.s32 $0x280, s31  }
0x13: {  	s8 =	sadd.s32 s10, s31;
	s9 =	sadd.s32 s9, s11;
	s10 =	sadd.s32 s10, s11  }
0x14: {  	s11 =	sadd.s32 $0xA5200, s13;
	s13 =	sshrl.u32 s15, $0x3;
	s15 =	simm.s32 $0x1400  }
.LBB2_1:
0x15: {  	[spmem:s13], [sflag:s6] =	dma.local [hbm:s5], $0x2800  }
0x16: {  	_ =	swait.ge [sflag:s14], $0x2800  }
0x17: {  	[sflag:s14] =	ssyncset.done $0x0  }
0x18: {  	[sflag:s14] =	ssyncadd.s32 $0xFFFFD800  }
0x19: {  	[bflag:$0x0] =	sbarrier.arrive $0xFFFF  }
0x1a: {  	[tilespmem:s3], [sflag:$0x2] =	stream.linear.gather [hbm4b:s7+s3], $0x1400, $0x38;
	[tilespmem:$0x1E800] =	vst v63  }
0x1b: {  	_ =	swait.ge [sflag:s14], $0x1400  }
0x1c: {  	[sflag:s14] =	ssyncset.done $0x0  }
0x1d: {  	[sflag:s14] =	ssyncadd.s32 $0xFFFFEC00  }
0x1e: {  	[tilespmem:s15], [sflag:$0x2] =	stream.linear.gather [hbm4b:s8+s3], $0x1400, $0x38;
	[tilespmem:$0x1E800] =	vst v63  }
0x1f: {  	_ =	swait.ge [sflag:s14], $0x1400  }
0x20: {  	[sflag:s14] =	ssyncset.done $0x0  }
0x21: {  	[sflag:s14] =	ssyncadd.s32 $0xFFFFEC00  }
0x22: {  	[tilespmem:s17], [sflag:$0x1] =	stream.indirect.gather [hbm4b:s4+s16], $0x80, s3, s16, $0xb8;
	[tilespmem:$0x1E800] =	vst v63  }
0x23: {  	_ =	swait.ge [sflag:s18], $0x4000  }
0x24: {  	[sflag:s18] =	ssyncset.done $0x0  }
0x25: {  	s24 =	simm.s32 $0x80;
	[sflag:s18] =	ssyncadd.s32 $0xFFFFC000  }
0x26: {  	[tilespmem:s19], [sflag:$0x1] =	stream.indirect.gather [hbm4b:s4+s16], $0x80, s24, s16, $0xb8;
	[tilespmem:$0x1E800] =	vst v63  }
0x27: {  	s29 =	simm.s32 $0x1400  }
0x28: {  	[spmem:s2] =	stream.indirect.scatter.add.f32 [tilespmem:s17], [sflag:$0x2], $0x80, s29, s16, $0xb8;
	[tilespmem:$0x1E800] =	vst v63  }
0x29: {  	_ =	swait.ge [sflag:s14], $0x4000  }
0x2a: {  	[sflag:s14] =	ssyncset.done $0x0  }
0x2b: {  	[sflag:s14] =	ssyncadd.s32 $0xFFFFC000  }
0x2c: {  	_ =	swait.ge [sflag:s18], $0x4000  }
0x2d: {  	[sflag:s18] =	ssyncset.done $0x0  }
0x2e: {  	s30 =	simm.s32 $0x100;
	[sflag:s18] =	ssyncadd.s32 $0xFFFFC000  }
0x2f: {  	[tilespmem:s17], [sflag:$0x1] =	stream.indirect.gather [hbm4b:s4+s16], $0x80, s30, s16, $0xb8;
	[tilespmem:$0x1E800] =	vst v63  }
0x30: {  	s31 =	simm.s32 $0x1480  }
0x31: {  	[spmem:s2] =	stream.indirect.scatter.add.f32 [tilespmem:s19], [sflag:$0x2], $0x80, s31, s16, $0xb8;
	[tilespmem:$0x1E800] =	vst v63  }
0x32: {  	_ =	swait.ge [sflag:s14], $0x4000  }
0x33: {  	[sflag:s14] =	ssyncset.done $0x0  }
0x34: {  	[sflag:s14] =	ssyncadd.s32 $0xFFFFC000  }
0x35: {  	_ =	swait.ge [sflag:s18], $0x4000  }
0x36: {  	s25 =	simm.s32 $0x800;
	s24 =	simm.s32 $0x100;
	[sflag:s18] =	ssyncset.done $0x0  }
.LBB2_2:
0x37: {  	s26 =	sadd.s32 $0x80, s24  }
0x38: {  	[sflag:s18] =	ssyncadd.s32 $0xFFFFC000;
	s28 =	smov.u32 s25;
	s29 =	sadd.s32 $0x400, s25  }
0x39: {  	[tilespmem:s19], [sflag:$0x1] =	stream.indirect.gather [hbm4b:s4+s16], $0x80, s26, s16, $0xb8;
	[tilespmem:$0x1E800] =	vst v63  }
0x3a: {  	p0 =	sne.s32 s25, $0x4800;
	s25 =	sadd.s32 $0x1400, s24  }
0x3b: {  	[spmem:s2] =	stream.indirect.scatter.add.f32 [tilespmem:s17], [sflag:$0x2], $0x80, s25, s16, $0xb8;
	[tilespmem:$0x1E800] =	vst v63  }
0x3c: {  	_ =	swait.ge [sflag:s14], $0x4000  }
0x3d: {  	[sflag:s14] =	ssyncset.done $0x0  }
0x3e: {  	[sflag:s14] =	ssyncadd.s32 $0xFFFFC000  }
0x3f: {  	_ =	swait.ge [sflag:s18], $0x4000  }
0x40: {  	[sflag:s18] =	ssyncset.done $0x0  }
0x41: {  	s25 =	sadd.s32 $0x100, s24;
	[sflag:s18] =	ssyncadd.s32 $0xFFFFC000  }
0x42: {  	[tilespmem:s17], [sflag:$0x1] =	stream.indirect.gather [hbm4b:s4+s16], $0x80, s25, s16, $0xb8;
	[tilespmem:$0x1E800] =	vst v63  }
0x43: {  	s24 =	sadd.s32 $0x1480, s24  }
0x44: {  	[spmem:s2] =	stream.indirect.scatter.add.f32 [tilespmem:s19], [sflag:$0x2], $0x80, s24, s16, $0xb8;
	[tilespmem:$0x1E800] =	vst v63  }
.Ltmp0:
0x45: {  	_ =	swait.ge [sflag:s14], $0x4000;
	(pc) =	sbr.rel @p0 .LBB2_2-.Ltmp0, $4  }
0x46: {  	[sflag:s14] =	ssyncset.done $0x0  }
0x47: {  	[sflag:s14] =	ssyncadd.s32 $0xFFFFC000  }
0x48: {  	_ =	swait.ge [sflag:s18], $0x4000  }
0x49: {  	s25 =	smov.u32 s29;
	s24 =	sshra.s32 s28, $0x2;
	[sflag:s18] =	ssyncset.done $0x0  }
0x4a: {  	s25 =	sadd.s32 $0x80, s24;
	[sflag:s18] =	ssyncadd.s32 $0xFFFFC000  }
0x4b: {  	[tilespmem:s19], [sflag:$0x1] =	stream.indirect.gather [hbm4b:s4+s16], $0x80, s25, s16, $0xb8;
	[tilespmem:$0x1E800] =	vst v63  }
0x4c: {  	s30 =	sadd.s32 $0x1400, s24  }
0x4d: {  	[spmem:s2] =	stream.indirect.scatter.add.f32 [tilespmem:s17], [sflag:$0x2], $0x80, s30, s16, $0xb8;
	[tilespmem:$0x1E800] =	vst v63  }
0x4e: {  	_ =	swait.ge [sflag:s14], $0x4000  }
0x4f: {  	[sflag:s14] =	ssyncset.done $0x0  }
0x50: {  	[sflag:s14] =	ssyncadd.s32 $0xFFFFC000  }
0x51: {  	_ =	swait.ge [sflag:s18], $0x4000  }
0x52: {  	[sflag:s18] =	ssyncset.done $0x0  }
0x53: {  	s31 =	sadd.s32 $0x100, s24;
	[sflag:s18] =	ssyncadd.s32 $0xFFFFC000  }
0x54: {  	[tilespmem:s17], [sflag:$0x1] =	stream.indirect.gather [hbm4b:s4+s16], $0x80, s31, s16, $0xb8;
	[tilespmem:$0x1E800] =	vst v63  }
0x55: {  	s25 =	sadd.s32 $0x1480, s24  }
0x56: {  	[spmem:s2] =	stream.indirect.scatter.add.f32 [tilespmem:s19], [sflag:$0x2], $0x80, s25, s16, $0xb8;
	[tilespmem:$0x1E800] =	vst v63  }
0x57: {  	_ =	swait.ge [sflag:s14], $0x4000  }
0x58: {  	[sflag:s14] =	ssyncset.done $0x0  }
0x59: {  	[sflag:s14] =	ssyncadd.s32 $0xFFFFC000  }
0x5a: {  	_ =	swait.ge [sflag:s18], $0x4000  }
0x5b: {  	[sflag:s18] =	ssyncset.done $0x0  }
0x5c: {  	[sflag:s18] =	ssyncadd.s32 $0xFFFFC000  }
0x5d: {  	[tilespmem:s19], [sflag:$0x1] =	stream.indirect.gather [hbm4b:s4+s16], $0x80, s20, s16, $0xb8;
	[tilespmem:$0x1E800] =	vst v63  }
0x5e: {  	_ = 	snop  }
0x5f: {  	[spmem:s2] =	stream.indirect.scatter.add.f32 [tilespmem:s17], [sflag:$0x2], $0x80, s21, s16, $0xb8;
	[tilespmem:$0x1E800] =	vst v63  }
0x60: {  	_ =	swait.ge [sflag:s14], $0x4000  }
0x61: {  	[sflag:s14] =	ssyncset.done $0x0  }
0x62: {  	[sflag:s14] =	ssyncadd.s32 $0xFFFFC000  }
0x63: {  	_ =	swait.ge [sflag:s18], $0x4000  }
0x64: {  	[sflag:s18] =	ssyncset.done $0x0  }
0x65: {  	[sflag:s18] =	ssyncadd.s32 $0xFFFFC000  }
0x66: {  	[spmem:s2] =	stream.indirect.scatter.add.f32 [tilespmem:s19], [sflag:$0x2], $0x80, s22, s16, $0xb8;
	[tilespmem:$0x1E800] =	vst v63  }
0x67: {  	_ =	swait.ge [sflag:s14], $0x4000  }
0x68: {  	[sflag:s14] =	ssyncset.done $0x0  }
0x69: {  	s26 =	simm.s32 $0x0;
	[sflag:s14] =	ssyncadd.s32 $0xFFFFC000  }
0x6a: {  	[tilespmem:s26], [sflag:$0x2] =	stream.linear.gather [hbm4b:s9+s26], $0x1400, $0x38;
	[tilespmem:$0x1E800] =	vst v63  }
0x6b: {  	_ =	swait.ge [sflag:s14], $0x1400  }
0x6c: {  	[sflag:s14] =	ssyncset.done $0x0  }
0x6d: {  	[sflag:s14] =	ssyncadd.s32 $0xFFFFEC00  }
0x6e: {  	[tilespmem:s15], [sflag:$0x2] =	stream.linear.gather [hbm4b:s10+s26], $0x1400, $0x38;
	[tilespmem:$0x1E800] =	vst v63  }
0x6f: {  	_ =	swait.ge [sflag:s14], $0x1400  }
0x70: {  	[sflag:s14] =	ssyncset.done $0x0  }
0x71: {  	[sflag:s14] =	ssyncadd.s32 $0xFFFFEC00  }
0x72: {  	[tilespmem:s17], [sflag:$0x1] =	stream.indirect.gather [hbm4b:s4+s16], $0x80, s26, s16, $0xb8;
	[tilespmem:$0x1E800] =	vst v63  }
0x73: {  	_ =	swait.ge [sflag:s18], $0x4000  }
0x74: {  	[sflag:s18] =	ssyncset.done $0x0  }
0x75: {  	s28 =	simm.s32 $0x80;
	[sflag:s18] =	ssyncadd.s32 $0xFFFFC000  }
0x76: {  	[tilespmem:s19], [sflag:$0x1] =	stream.indirect.gather [hbm4b:s4+s16], $0x80, s28, s16, $0xb8;
	[tilespmem:$0x1E800] =	vst v63  }
0x77: {  	s29 =	simm.s32 $0x1400  }
0x78: {  	[spmem:s2] =	stream.indirect.scatter.add.f32 [tilespmem:s17], [sflag:$0x2], $0x80, s29, s16, $0xb8;
	[tilespmem:$0x1E800] =	vst v63  }
0x79: {  	_ =	swait.ge [sflag:s14], $0x4000  }
0x7a: {  	[sflag:s14] =	ssyncset.done $0x0  }
0x7b: {  	[sflag:s14] =	ssyncadd.s32 $0xFFFFC000  }
0x7c: {  	_ =	swait.ge [sflag:s18], $0x4000  }
0x7d: {  	[sflag:s18] =	ssyncset.done $0x0  }
0x7e: {  	s30 =	simm.s32 $0x100;
	[sflag:s18] =	ssyncadd.s32 $0xFFFFC000  }
0x7f: {  	[tilespmem:s17], [sflag:$0x1] =	stream.indirect.gather [hbm4b:s4+s16], $0x80, s30, s16, $0xb8;
	[tilespmem:$0x1E800] =	vst v63  }
0x80: {  	s31 =	simm.s32 $0x1480  }
0x81: {  	[spmem:s2] =	stream.indirect.scatter.add.f32 [tilespmem:s19], [sflag:$0x2], $0x80, s31, s16, $0xb8;
	[tilespmem:$0x1E800] =	vst v63  }
0x82: {  	_ =	swait.ge [sflag:s14], $0x4000  }
0x83: {  	[sflag:s14] =	ssyncset.done $0x0  }
0x84: {  	[sflag:s14] =	ssyncadd.s32 $0xFFFFC000  }
0x85: {  	_ =	swait.ge [sflag:s18], $0x4000  }
0x86: {  	s24 =	simm.s32 $0x100;
	s25 =	simm.s32 $0x800;
	[sflag:s18] =	ssyncset.done $0x0  }
.LBB2_4:
0x87: {  	s26 =	sadd.s32 $0x80, s24  }
0x88: {  	[sflag:s18] =	ssyncadd.s32 $0xFFFFC000;
	s28 =	smov.u32 s25;
	s29 =	sadd.s32 $0x400, s25  }
0x89: {  	[tilespmem:s19], [sflag:$0x1] =	stream.indirect.gather [hbm4b:s4+s16], $0x80, s26, s16, $0xb8;
	[tilespmem:$0x1E800] =	vst v63  }
0x8a: {  	p0 =	sne.s32 s25, $0x4800;
	s25 =	sadd.s32 $0x1400, s24  }
0x8b: {  	[spmem:s2] =	stream.indirect.scatter.add.f32 [tilespmem:s17], [sflag:$0x2], $0x80, s25, s16, $0xb8;
	[tilespmem:$0x1E800] =	vst v63  }
0x8c: {  	_ =	swait.ge [sflag:s14], $0x4000  }
0x8d: {  	[sflag:s14] =	ssyncset.done $0x0  }
0x8e: {  	[sflag:s14] =	ssyncadd.s32 $0xFFFFC000  }
0x8f: {  	_ =	swait.ge [sflag:s18], $0x4000  }
0x90: {  	[sflag:s18] =	ssyncset.done $0x0  }
0x91: {  	s25 =	sadd.s32 $0x100, s24;
	[sflag:s18] =	ssyncadd.s32 $0xFFFFC000  }
0x92: {  	[tilespmem:s17], [sflag:$0x1] =	stream.indirect.gather [hbm4b:s4+s16], $0x80, s25, s16, $0xb8;
	[tilespmem:$0x1E800] =	vst v63  }
0x93: {  	s24 =	sadd.s32 $0x1480, s24  }
0x94: {  	[spmem:s2] =	stream.indirect.scatter.add.f32 [tilespmem:s19], [sflag:$0x2], $0x80, s24, s16, $0xb8;
	[tilespmem:$0x1E800] =	vst v63  }
.Ltmp1:
0x95: {  	_ =	swait.ge [sflag:s14], $0x4000;
	(pc) =	sbr.rel @p0 .LBB2_4-.Ltmp1, $4  }
0x96: {  	[sflag:s14] =	ssyncset.done $0x0  }
0x97: {  	[sflag:s14] =	ssyncadd.s32 $0xFFFFC000  }
0x98: {  	_ =	swait.ge [sflag:s18], $0x4000  }
0x99: {  	s25 =	smov.u32 s29;
	s24 =	sshra.s32 s28, $0x2;
	[sflag:s18] =	ssyncset.done $0x0  }
0x9a: {  	s25 =	sadd.s32 $0x80, s24;
	[sflag:s18] =	ssyncadd.s32 $0xFFFFC000  }
0x9b: {  	[tilespmem:s19], [sflag:$0x1] =	stream.indirect.gather [hbm4b:s4+s16], $0x80, s25, s16, $0xb8;
	[tilespmem:$0x1E800] =	vst v63  }
0x9c: {  	s29 =	sadd.s32 $0x1400, s24  }
0x9d: {  	[spmem:s2] =	stream.indirect.scatter.add.f32 [tilespmem:s17], [sflag:$0x2], $0x80, s29, s16, $0xb8;
	[tilespmem:$0x1E800] =	vst v63  }
0x9e: {  	_ =	swait.ge [sflag:s14], $0x4000  }
0x9f: {  	[sflag:s14] =	ssyncset.done $0x0  }
0xa0: {  	[sflag:s14] =	ssyncadd.s32 $0xFFFFC000  }
0xa1: {  	_ =	swait.ge [sflag:s18], $0x4000  }
0xa2: {  	[sflag:s18] =	ssyncset.done $0x0  }
0xa3: {  	s30 =	sadd.s32 $0x100, s24;
	[sflag:s18] =	ssyncadd.s32 $0xFFFFC000  }
0xa4: {  	[tilespmem:s17], [sflag:$0x1] =	stream.indirect.gather [hbm4b:s4+s16], $0x80, s30, s16, $0xb8;
	[tilespmem:$0x1E800] =	vst v63  }
0xa5: {  	s31 =	sadd.s32 $0x1480, s24  }
0xa6: {  	[spmem:s2] =	stream.indirect.scatter.add.f32 [tilespmem:s19], [sflag:$0x2], $0x80, s31, s16, $0xb8;
	[tilespmem:$0x1E800] =	vst v63  }
0xa7: {  	_ =	swait.ge [sflag:s14], $0x4000  }
0xa8: {  	[sflag:s14] =	ssyncset.done $0x0  }
0xa9: {  	[sflag:s14] =	ssyncadd.s32 $0xFFFFC000  }
0xaa: {  	_ =	swait.ge [sflag:s18], $0x4000  }
0xab: {  	[sflag:s18] =	ssyncset.done $0x0  }
0xac: {  	[sflag:s18] =	ssyncadd.s32 $0xFFFFC000  }
0xad: {  	[tilespmem:s19], [sflag:$0x1] =	stream.indirect.gather [hbm4b:s4+s16], $0x80, s20, s16, $0xb8;
	[tilespmem:$0x1E800] =	vst v63  }
0xae: {  	_ = 	snop  }
0xaf: {  	[spmem:s2] =	stream.indirect.scatter.add.f32 [tilespmem:s17], [sflag:$0x2], $0x80, s21, s16, $0xb8;
	[tilespmem:$0x1E800] =	vst v63  }
0xb0: {  	_ =	swait.ge [sflag:s14], $0x4000  }
0xb1: {  	[sflag:s14] =	ssyncset.done $0x0  }
0xb2: {  	[sflag:s14] =	ssyncadd.s32 $0xFFFFC000  }
0xb3: {  	_ =	swait.ge [sflag:s18], $0x4000  }
0xb4: {  	[sflag:s18] =	ssyncset.done $0x0  }
0xb5: {  	[sflag:s18] =	ssyncadd.s32 $0xFFFFC000  }
0xb6: {  	[spmem:s2] =	stream.indirect.scatter.add.f32 [tilespmem:s19], [sflag:$0x2], $0x80, s22, s16, $0xb8;
	[tilespmem:$0x1E800] =	vst v63  }
0xb7: {  	_ =	swait.ge [sflag:s14], $0x4000  }
0xb8: {  	s23 =	sadd.s32 $0x1, s23;
	[sflag:s14] =	ssyncset.done $0x0  }
0xb9: {  	p0 =	sne.s32 s23, s12;
	[sflag:s14] =	ssyncadd.s32 $0xFFFFC000  }
.Ltmp2:
0xba: {  	[bflag:$0x0] =	sbarrier.arrive $0xFFFF;
	(pc) =	sbr.rel @p0 .LBB2_1-.Ltmp2, $4  }
0xbb: {  	[hbm:s11], [sflag:s6] =	dma.local [spmem:s13], $0x2800  }
0xbc: {  	_ =	swait.ge [sflag:s14], $0x2800  }
0xbd: {  	[sflag:s14] =	ssyncset.done $0x0  }
0xbe: {  	[sflag:s14] =	ssyncadd.s32 $0xFFFFD800  }
0xbf: {  	_ =	sfence.sel $0x180000  }
0xc0: {  	[bflag:$0x0] =	sbarrier.arrive $0xFFFF  }
0xc1: {  	p0 =	sne.s32 s1, $0x0;
	_ =	strace $0x9000004D  }
0xc2: {  	s0 =	sadd.s32 @!p0 $0x100000, s0;
	[bflag:$0x2] =	sbarrier.arrive $0xFFFF  }
0xc3: {  	[sflag:s0] =	ssyncadd.tile.s32 @!p0 $0x1;
	_ =	shalt  }
.Lfunc_end2:
_tile_overlayer_lowered:
.L_overlay_start_2:
0xc4: {  	(tag) =	ssettag $0x2  }
0xc5: {  	s0 =	rddreg [dreg:$0x0];
	s2 =	stileid.u32  }
0xc6: {  	s1 =	rddreg [dreg:$0x1];
	p0 =	sne.s32 s2, $0x0  }
0xc7: {  	s3 =	rddreg [dreg:$0x2];
	[bflag:$0x3] =	sbarrier.arrive $0xFFFF;
	s2 =	simm.s32 @!p0 $0x1C02  }
0xc8: {  	[timem:s3], [sflag:s2] =	dma.local @!p0 [hbm:s0], s1  }
0xc9: {  	s0 =	simm.s32 @!p0 $0x2  }
0xca: {  	_ =	swait.ge @!p0 [sflag:s0], s1  }
0xcb: {  	s1 =	ssub.s32 @!p0 $0x0, s1;
	[sflag:s0] =	ssyncset.done @!p0 $0x0  }
0xcc: {  	[sflag:s0] =	ssyncadd.s32 @!p0 s1  }
0xcd: {  	[bflag:$0x3] =	sbarrier.arrive $0xFFFF  }
0xce: {  	_ =	shalt  }

// kernel: kernel.8.cloned.1.call-start
scs
__scs_entry_jumppad:
0x0: {  	(pc) =	sbr.rel $0x88, $3  }
0x1: {  	(tag) =	ssettag $0x0;
	lr =	simm.s32 $0x1  }
0x2: {  	[smem:$0x3F8E] =	sst lr;
	_ =	strace $0xD0000000  }
0x3: {  	_ = 	snop  }
0x4: {  	_ = 	snop  }
0x5: {  	_ = 	snop  }
0x6: {  	_ = 	snop  }
0x7: {  	_ = 	snop  }
__scs_overlays_trampoline_lowered:
0x8: {  	[smem:$0x3F9D] =	sst s0  }
0x9: {  	[smem:$0x3F9E] =	sst s1  }
0xa: {  	[smem:$0x3F9F] =	sst s2  }
0xb: {  	[smem:$0x3FA0] =	sst s3  }
0xc: {  	[smem:$0x3FA1] =	sst s4  }
0xd: {  	[smem:$0x3FA2] =	sst s5  }
0xe: {  	[smem:$0x3FA3] =	sst s6  }
0xf: {  	[smem:$0x3FA4] =	sst s7  }
0x10: {  	[smem:$0x3FA5] =	sst s8  }
0x11: {  	[smem:$0x3FA6] =	sst s9;
	s0 =	simm.s32 @!p0 $0x0  }
0x12: {  	s1 =	sld [smem:$0x3F8C];
	s0 =	simm.s32 @p0 $0x1  }
0x13: {  	[smem:$0x3FA7] =	sst s0;
	s0 =	simm.s32 @!p1 $0x0  }
0x14: {  	s2 =	sld [smem:$0x3F8B];
	s0 =	simm.s32 @p1 $0x1  }
0x15: {  	[smem:$0x3FA8] =	sst s0;
	s0 =	simm.s32 @!p2 $0x0  }
0x16: {  	s3 =	sld [smem:$0x3FDB];
	s0 =	simm.s32 @p2 $0x1  }
0x17: {  	s4 =	simm.s32 $0x1BF5;
	[smem:$0x3FAA] =	sst s0  }
0x18: {  	s0 =	sld [smem:$0x3F8D];
	_ =	swait.ge [sflag:s4], $0x0  }
0x19: {  	s7 =	sld [smem:$0x3F8E]  }
0x1a: {  	s8 =	sadd.s32 $0xFFFFE003, lr  }
0x1b: {  	s9 =	sadd.s32 $0xFFFFFEF7, lr;
	s5 =	simm.s32 $0xFFFFFFFF;
	p2 =	slt.u32 s8, $0xFFFFF086  }
0x1c: {  	p1 =	slt.u32 s9, $0xF7A;
	s5 =	simm.s32 @!p2 $0x0  }
0x1d: {  	s5 =	simm.s32 @p1 $0x1;
	p0 =	seq.s32 s7, s2  }
0x1e: {  	s7 =	smul.u32 @!p0 $0xF7A, s2;
	p2 =	seq.s32 @!p0 s5, $0x0  }
0x1f: {  	s9 =	smul.u32 $0xF7A, s1;
	s8 =	simm.s32 @!p0 $0x1BF5;
	p2 =	por !p2, p0  }
0x20: {  	[sflag:s8] =	ssyncset.s32 @!p0 $0xFFFFF086;
	s6 =	sadd.s32 @!p0 s3, s7;
	s7 =	simm.s32 @!p0 $0x108  }
0x21: {  	s3 =	sadd.s32 s3, s9;
	s6 =	sadd.s32 @!p0 $0x88, s6;
	s7 =	simm.s32 @p2 $0x1082  }
0x22: {  	[simem:s7], [sflag:s8] =	dma.local @!p0 [hbm:s6], $0xF7A  }
0x23: {  	s9 =	sor.u32 $0xD0000000, s2;
	s6 =	simm.s32 $0x108;
	_ =	swait.ge @!p0 [sflag:s8], $0x0  }
0x24: {  	s3 =	sadd.s32 $0x88, s3;
	s6 =	simm.s32 @!p1 $0x1082;
	[sflag:s4] =	ssyncset.s32 $0xFFFFF086  }
0x25: {  	[simem:s6], [sflag:s4] =	dma.local [hbm:s3], $0xF7A  }
0x26: {  	[smem:$0x3F8E] =	sst s1;
	(tag) =	ssettag s2;
	_ =	strace s9  }
0x27: {  	s1 =	sld [smem:$0x3F9E]  }
0x28: {  	s2 =	sld [smem:$0x3F9F]  }
0x29: {  	s4 =	sld [smem:$0x3FA1]  }
0x2a: {  	p0 =	seq.s32 s5, $0x0;
	s5 =	sld [smem:$0x3FA2]  }
0x2b: {  	s6 =	sld [smem:$0x3FA3]  }
0x2c: {  	s7 =	sld [smem:$0x3FA4]  }
0x2d: {  	s3 =	simm.s32 $0x108;
	s8 =	sld [smem:$0x3FA5]  }
0x2e: {  	s3 =	simm.s32 @!p0 $0x1082;
	s9 =	sld [smem:$0x3FA6]  }
0x2f: {  	lr =	sadd.s32 s0, s3;
	s0 =	sld [smem:$0x3F9D]  }
0x30: {  	s3 =	sld [smem:$0x3FA0]  }
0x31: {  	[smem:$0x3FA9] =	sst s10  }
0x32: {  	s10 =	sld [smem:$0x3FA7];
	_ =	sdelay $0x3  }
0x33: {  	p0 =	seq.s32 s10, $0x1;
	s10 =	sld [smem:$0x3FA9];
	_ =	sdelay $0x3  }
0x34: {  	[smem:$0x3FA9] =	sst s10  }
0x35: {  	s10 =	sld [smem:$0x3FA8];
	_ =	sdelay $0x3  }
0x36: {  	p1 =	seq.s32 s10, $0x1;
	s10 =	sld [smem:$0x3FA9];
	_ =	sdelay $0x3  }
0x37: {  	[smem:$0x3FA9] =	sst s10  }
0x38: {  	s10 =	sld [smem:$0x3FAA]  }
0x39: {  	_ = 	snop;
	(pc) =	sbr.ind lr, $3  }
0x3a: {  	_ = 	snop  }
0x3b: {  	_ = 	snop  }
0x3c: {  	p2 =	seq.s32 s10, $0x1;
	s10 =	sld [smem:$0x3FA9]  }
0x3d: {  	_ =	shalt  }
0x3e: {  	_ =	shalt  }
0x3f: {  	_ =	shalt  }
0x40: {  	_ =	shalt  }
0x41: {  	_ =	shalt  }
0x42: {  	_ =	shalt  }
0x43: {  	_ =	shalt  }
0x44: {  	_ =	shalt  }
0x45: {  	_ =	shalt  }
0x46: {  	_ =	shalt  }
0x47: {  	_ =	shalt  }
0x48: {  	_ =	shalt  }
0x49: {  	_ =	shalt  }
0x4a: {  	_ =	shalt  }
0x4b: {  	_ =	shalt  }
0x4c: {  	_ =	shalt  }
0x4d: {  	_ =	shalt  }
0x4e: {  	_ =	shalt  }
0x4f: {  	_ =	shalt  }
0x50: {  	_ =	shalt  }
0x51: {  	_ =	shalt  }
0x52: {  	_ =	shalt  }
0x53: {  	_ =	shalt  }
0x54: {  	_ =	shalt  }
0x55: {  	_ =	shalt  }
0x56: {  	_ =	shalt  }
0x57: {  	_ =	shalt  }
0x58: {  	_ =	shalt  }
0x59: {  	_ =	shalt  }
0x5a: {  	_ =	shalt  }
0x5b: {  	_ =	shalt  }
0x5c: {  	_ =	shalt  }
0x5d: {  	_ =	shalt  }
0x5e: {  	_ =	shalt  }
0x5f: {  	_ =	shalt  }
0x60: {  	_ =	shalt  }
0x61: {  	_ =	shalt  }
0x62: {  	_ =	shalt  }
0x63: {  	_ =	shalt  }
0x64: {  	_ =	shalt  }
0x65: {  	_ =	shalt  }
0x66: {  	_ =	shalt  }
0x67: {  	_ =	shalt  }
0x68: {  	_ =	shalt  }
0x69: {  	_ =	shalt  }
0x6a: {  	_ =	shalt  }
0x6b: {  	_ =	shalt  }
0x6c: {  	_ =	shalt  }
0x6d: {  	_ =	shalt  }
0x6e: {  	_ =	shalt  }
0x6f: {  	_ =	shalt  }
0x70: {  	_ =	shalt  }
0x71: {  	_ =	shalt  }
0x72: {  	_ =	shalt  }
0x73: {  	_ =	shalt  }
0x74: {  	_ =	shalt  }
0x75: {  	_ =	shalt  }
0x76: {  	_ =	shalt  }
0x77: {  	_ =	shalt  }
0x78: {  	_ =	shalt  }
0x79: {  	_ =	shalt  }
0x7a: {  	_ =	shalt  }
0x7b: {  	_ =	shalt  }
0x7c: {  	_ =	shalt  }
0x7d: {  	_ =	shalt  }
0x7e: {  	_ =	shalt  }
0x7f: {  	_ =	shalt  }
0x80: {  	_ =	shalt  }
0x81: {  	_ =	shalt  }
0x82: {  	_ =	shalt  }
0x83: {  	_ =	shalt  }
0x84: {  	_ =	shalt  }
0x85: {  	_ =	shalt  }
0x86: {  	_ =	shalt  }
0x87: {  	_ =	shalt  }
.Lfunc_end0:
.L_simem_size_0:
called_computation_lowered:
.L_overlay_start_0:
0x88: {  	s2 =	sld [smem:$0x3FD9]  }
0x89: {  	s3 =	sld [smem:$0x3FFE];
	_ =	sdelay $0x1  }
0x8a: {  	s1 =	srdreg.scid  }
0x8b: {  	s0 =	sand.u32 $0x1, s1  }
0x8c: {  	s14 =	sshll.u32 s0, $0xA;
	s2 =	sadd.s32 s3, s2  }
0x8d: {  	s2 =	sadd.s32 s2, s14  }
0x8e: {  	[smem:$0x3FB5] =	sst s2  }
0x8f: {  	_ = 	snop  }
0x90: {  	s2 =	sld [smem:$0x3FD0];
	_ =	sdelay $0x2  }
0x91: {  	s15 =	simm.s32 $0xA;
	s4 =	simm.s32 $0x10  }
0x92: {  	[smem:s4], [sflag:s15] =	dma.local [hbm:s2], $0x1  }
0x93: {  	_ =	swait.eq [sflag:s15], $0x1  }
0x94: {  	[sflag:s15] =	ssyncset.done $0x0  }
0x95: {  	[sflag:s15] =	ssyncadd.s32 $0xFFFFFFFF  }
0x96: {  	s16 =	sld [smem:$0x11];
	(tm) =	ssettm $0x1  }
0x97: {  	s17 =	sld [smem:$0x3FFB];
	_ =	sdelay $0x3  }
0x98: {  	_ =	strace s17  }
0x99: {  	s3 =	sld [smem:$0x3FFC];
	_ =	sdelay $0x3  }
0x9a: {  	_ =	strace s3  }
0x9b: {  	s3 =	sld [smem:$0x3FFD];
	_ =	sdelay $0x3  }
0x9c: {  	_ =	strace s3  }
0x9d: {  	_ =	strace $0x8FFFFFFF  }
0x9e: {  	s18 =	sld [smem:$0x3FDB];
	_ =	sdelay $0x1  }
0x9f: {  	s19 =	simm.s32 $_scs_section_size  }
0xa0: {  	s5 =	simm.s32 $_size__tile_overlayer_lowered;
	s6 =	simm.s32 $_tile_overlayer_lowered  }
0xa1: {  	s22 =	simm.s32 $0x1BFF;
	s21 =	sshll.u32 s6, $0x1;
	s3 =	sadd.s32 s19, s18  }
0xa2: {  	s7 =	simm.s32 $0x0;
	s20 =	sshll.u32 s5, $0x1;
	s5 =	sadd.s32 s21, s3  }
0xa3: {  	[timem:s7], [sflag:s22] =	dma.local [hbm:s5], s20  }
0xa4: {  	_ =	swait.ge [sflag:s22], s20  }
0xa5: {  	s4 =	ssub.s32 $0x0, s20;
	[sflag:s22] =	ssyncset.done $0x0  }
0xa6: {  	[sflag:s22] =	ssyncadd.s32 s4;
	_ =	sdelay $0x1  }
0xa7: {  	s23 =	simm.s32 $0x1B8B  }
0xa8: {  	_ =	swait.ge [sflag:s23], $0x1  }
0xa9: {  	[sflag:s23] =	ssyncset.done $0x0  }
0xaa: {  	s25 =	simm.s32 $0x1B8E;
	s24 =	sld [smem:$0x3FFE];
	[sflag:s23] =	ssyncadd.s32 $0xFFFFFFFF  }
0xab: {  	s26 =	simm.s32 $execute0_lowered;
	[smem:$0x3FD2] =	sst s25  }
0xac: {  	s5 =	sshll.u32 s26, $0x1;
	_ =	strace $0x80000046;
	[dreg:$0x1] =	wrdreg $0xFFFFFFFF  }
0xad: {  	s28 =	simm.s32 $_size_execute0_lowered;
	s3 =	sadd.s32 s3, s5;
	[dreg:$0x0] =	wrdreg $0x0  }
0xae: {  	s5 =	sshll.u32 s28, $0x1;
	[dreg:$0x2] =	wrdreg s3  }
0xaf: {  	[dreg:$0x3] =	wrdreg s5  }
0xb0: {  	[dreg:$0x4] =	wrdreg $0xC0  }
0xb1: {  	_ =	task [dreg:s7], $0x5FFFF  }
0xb2: {  	[dreg:$0x1] =	wrdreg $0xFFFFFFFF  }
0xb3: {  	[dreg:$0x0] =	wrdreg $0x60  }
0xb4: {  	[dreg:$0x2] =	wrdreg s16  }
0xb5: {  	[dreg:$0x3] =	wrdreg s24  }
0xb6: {  	[dreg:$0x4] =	wrdreg $0x28800  }
0xb7: {  	[dreg:$0x5] =	wrdreg $0x9  }
0xb8: {  	_ =	task.clear_ibuf [dreg:s7], $0x6FFFF;
	_ =	strace $0x90000046  }
0xb9: {  	s29 =	simm.s32 $0x9;
	_ =	strace $0x80000048  }
0xba: {  	_ =	swait.ge [sflag:s29], $0x1  }
0xbb: {  	[sflag:s29] =	ssyncadd.s32 $0xFFFFFFFF  }
0xbc: {  	_ =	strace $0x90000048  }
0xbd: {  	_ =	sfence  }
0xbe: {  	s30 =	sld [smem:$0x0];
	_ =	sdelay $0x2  }
0xbf: {  	s31 =	sshll.u32 s1, $0xD;
	s1 =	sshrl.u32 s1, $0x2  }
0xc0: {  	s3 =	sand.u32 $0x4000, s31;
	s1 =	sadd.s32 s1, s30  }
0xc1: {  	s0 =	sor.u32 s3, s0;
	s1 =	sshll.u32 s1, $0x11  }
0xc2: {  	s0 =	sor.u32 s1, s0  }
0xc3: {  	s0 =	sadd.s32 $0x8F2B, s0  }
0xc4: {  	[sflag:s0] =	ssyncadd.remote.s32 $0x1  }
0xc5: {  	_ =	sfence.sel $0xFFFF  }
0xc6: {  	[dreg:$0x0] =	wrdreg $0xFFFFFFFF;
	(pc) =	sbr.abs _section_cstart, $3  }
0xc7: {  	[dreg:$0x1] =	wrdreg $0xFFFFFFFF  }
0xc8: {  	_ =	task.clear_ibuf [dreg:s7], $0x2FFFF;
	_ =	strace $0x9FFFFFFF  }
0xc9: {  	(tm) =	ssettm $0x7FFFFFFF  }
tec
execute0_lowered:
.L_overlay_start_1:
0x0: {  	(tag) =	ssettag $0x1  }
0x1: {  	s7 =	rddreg [dreg:$0x0]  }
0x2: {  	s5 =	rddreg [dreg:$0x1]  }
0x3: {  	s2 =	rddreg [dreg:$0x2]  }
0x4: {  	s0 =	rddreg [dreg:$0x3]  }
0x5: {  	s3 =	simm.s32 $0x0;
	s1 =	stileid.u32;
	s4 =	srdreg.scid  }
0x6: {  	s13 =	simm.s32 $0x80;
	s14 =	simm.s32 $0x1;
	s15 =	simm.s32 $0x20  }
0x7: {  	s16 =	simm.s32 $0x10;
	s17 =	simm.s32 $0x0;
	s6 =	smul.u32 $0x280, s1  }
0x8: {  	[smem:$0x7FF] =	sst s3;
	s9 =	sand.u32 $0x1, s4;
	s10 =	smul.u32 $0x500, s1  }
0x9: {  	s4 =	sadd.s32 $0x5800, s5;
	s31 =	sshll.u32 s1, $0x6;
	_ =	strace $0x80000047  }
0xa: {  	s11 =	sshll.u32 s9, $0x7;
	s29 =	ssub.s32 $0x2, s9;
	s9 =	sshll.u32 s9, $0x4  }
0xb: {  	s8 =	sshrl.u32 s6, $0x3;
	s10 =	sor.u32 s11, s10;
	s12 =	sshrl.u32 s29, $0x1  }
0xc: {  	s9 =	sor.u32 s1, s9;
	s30 =	sadd.s32 s6, s2;
	s6 =	sor.u32 $0x1C02, s31  }
0xd: {  	s8 =	sadd.s32 s8, s5;
	s10 =	sshrl.u32 s10, $0x3;
	s9 =	smul.u32 $0x500, s9  }
0xe: {  	s11 =	ssub.s32 s29, s12;
	s12 =	simm.s32 $0x2800;
	s10 =	sadd.s32 s10, s5  }
0xf: {  	s5 =	sadd.s32 $0x5200, s8;
	s7 =	sadd.s32 s7, s9;
	s8 =	sadd.s32 $0x5A00, s10  }
0x10: {  	s9 =	smax.u32 s11, $0x1;
	s10 =	sshrl.u32 s30, $0x3;
	s11 =	simm.s32 $0x2  }
.LBB2_1:
0x11: {  	[spmem:s10], [sflag:s6] =	dma.local [hbm:s5], $0x50  }
0x12: {  	_ =	swait.ge [sflag:s11], $0x50  }
0x13: {  	[sflag:s11] =	ssyncset.done $0x0  }
0x14: {  	[sflag:s11] =	ssyncadd.s32 $0xFFFFFFB0  }
0x15: {  	[tilespmem:s12], [sflag:$0x2] =	stream.linear.gather [hbm4b:s4+s3], $0x80, $0x38;
	[tilespmem:$0x2B00] =	vst v63  }
0x16: {  	_ =	swait.ge [sflag:s11], $0x80  }
0x17: {  	[sflag:s11] =	ssyncset.done $0x0  }
0x18: {  	[sflag:s11] =	ssyncadd.s32 $0xFFFFFF80  }
0x19: {  	[tilespmem:s3], [sflag:$0x2] =	stream.linear.gather [hbm4b:s7+s3], $0x2800, $0x38;
	[tilespmem:$0x2B00] =	vst v63  }
0x1a: {  	_ =	swait.ge [sflag:s11], $0x2800  }
0x1b: {  	[sflag:s11] =	ssyncset.done $0x0  }
0x1c: {  	[sflag:s11] =	ssyncadd.s32 $0xFFFFD800  }
0x1d: {  	s18 =	simm.s32 $0x0;
	[bflag:$0x0] =	sbarrier.arrive $0xFFFF  }
.LBB2_2:
0x1e: {  	p0 =	sne.s32 s18, $0x9E00  }
.Ltmp0:
0x1f: {  	_ = 	snop;
	(pc) =	sbr.rel @p0 .LBB2_2-.Ltmp0, $3  }
0x20: {  	_ =	sdelay $0x1  }
0x21: {  	s19 =	sshra.s32 s18, $0x2;
	s18 =	sadd.s32 $0x200, s18  }
0x22: {  	[spmem:s2] =	stream.indirect.scatter.add.f32 [tilespmem:s12], [sflag:$0x1], $0x1, s19, s13, $0xb8;
	[tilespmem:$0x2B00] =	vst v63  }
0x23: {  	_ =	swait.ge [sflag:s14], $0x80  }
0x24: {  	s18 =	simm.s32 $0x4F;
	[sflag:s14] =	ssyncset.done $0x0  }
.LBB2_4:
0x25: {  	p0 =	sne.s32 s18, $0x1;
	s18 =	sadd.s32 $0xFFFFFFFF, s18;
	[sflag:s14] =	ssyncadd.s32 $0xFFFFFF80  }
.Ltmp1:
0x26: {  	(pc) =	sbr.rel @p0 .LBB2_4-.Ltmp1, $3  }
0x27: {  	_ =	sdelay $0x1  }
0x28: {  	_ =	swait.ge [sflag:s14], $0x80  }
0x29: {  	[sflag:s14] =	ssyncset.done $0x0  }
0x2a: {  	s17 =	sadd.s32 $0x1, s17  }
0x2b: {  	[sflag:s14] =	ssyncadd.s32 $0xFFFFFF80;
	p0 =	sne.s32 s17, s9  }
.Ltmp2:
0x2c: {  	[bflag:$0x0] =	sbarrier.arrive $0xFFFF;
	(pc) =	sbr.rel @p0 .LBB2_1-.Ltmp2, $4  }
0x2d: {  	[hbm:s8@s15], [sflag:s6] =	dma.strided [spmem:s10@s16], $0x50, s14, $0x10   }
0x2e: {  	_ =	swait.ge [sflag:s11], $0x50  }
0x2f: {  	[sflag:s11] =	ssyncset.done $0x0  }
0x30: {  	[sflag:s11] =	ssyncadd.s32 $0xFFFFFFB0  }
0x31: {  	_ =	sfence.sel $0x180000  }
0x32: {  	[bflag:$0x0] =	sbarrier.arrive $0xFFFF  }
0x33: {  	p0 =	sne.s32 s1, $0x0;
	_ =	strace $0x90000047  }
0x34: {  	s0 =	sadd.s32 @!p0 $0x100000, s0;
	[bflag:$0x2] =	sbarrier.arrive $0xFFFF  }
0x35: {  	[sflag:s0] =	ssyncadd.tile.s32 @!p0 $0x1;
	_ =	shalt  }
.Lfunc_end2:
_tile_overlayer_lowered:
.L_overlay_start_2:
0x36: {  	(tag) =	ssettag $0x2  }
0x37: {  	s0 =	rddreg [dreg:$0x0];
	s2 =	stileid.u32  }
0x38: {  	s1 =	rddreg [dreg:$0x1];
	p0 =	sne.s32 s2, $0x0  }
0x39: {  	s3 =	rddreg [dreg:$0x2];
	[bflag:$0x3] =	sbarrier.arrive $0xFFFF;
	s2 =	simm.s32 @!p0 $0x1C02  }
0x3a: {  	[timem:s3], [sflag:s2] =	dma.local @!p0 [hbm:s0], s1  }
0x3b: {  	s0 =	simm.s32 @!p0 $0x2  }
0x3c: {  	_ =	swait.ge @!p0 [sflag:s0], s1  }
0x3d: {  	s1 =	ssub.s32 @!p0 $0x0, s1;
	[sflag:s0] =	ssyncset.done @!p0 $0x0  }
0x3e: {  	[sflag:s0] =	ssyncadd.s32 @!p0 s1  }
0x3f: {  	[bflag:$0x3] =	sbarrier.arrive $0xFFFF  }
0x40: {  	_ =	shalt  }

</sc_bundles>
